<compile_context>
chip_gen: v7x
topology: tpu7x:2x2x1
jax: 0.10.2.dev20260603
libtpu: 0.0.44.dev20260713+nightly
codegen_flags: <defaults>
</compile_context>

<pallas_src>
import numpy as np
import jax
import jax.numpy as jnp
from jax import lax
from jax.experimental import pallas as pl
from jax.experimental.pallas import tpu as pltpu

_N_SAMPLES = 10
_ROTS = ((13, 15, 26, 6), (17, 29, 16, 24))
_VB = 1792


def _np_threefry2x32(k0, k1, x0, x1):
    mask = 0xFFFFFFFF
    ks = (k0, k1, (k0 ^ k1 ^ 0x1BD11BDA) & mask)
    x0 = (x0 + ks[0]) & mask
    x1 = (x1 + ks[1]) & mask
    for g in range(5):
        for r in _ROTS[g % 2]:
            x0 = (x0 + x1) & mask
            x1 = ((x1 << r) | (x1 >> (32 - r))) & mask
            x1 ^= x0
        x0 = (x0 + ks[(g + 1) % 3]) & mask
        x1 = (x1 + ks[(g + 2) % 3] + g + 1) & mask
    return x0, x1


_K0, _K1 = _np_threefry2x32(0, 0, 0, 1)
_K2 = (_K0 ^ _K1 ^ 0x1BD11BDA) & 0xFFFFFFFF
_KS = (_K0, _K1, _K2)


def _gumbel_bits(x1):
    x0 = jnp.full_like(x1, np.uint32(_K0))
    for g in range(5):
        for r in _ROTS[g % 2]:
            x0 = x0 + x1
            x1 = (x1 << np.uint32(r)) | (x1 >> np.uint32(32 - r))
            x1 = x0 ^ x1
        x0 = x0 + np.uint32(_KS[(g + 1) % 3])
        x1 = x1 + np.uint32((_KS[(g + 2) % 3] + g + 1) & 0xFFFFFFFF)
    return x0 ^ x1


def _gumbel_from_bits(bits):
    f = lax.bitcast_convert_type(
        (bits >> np.uint32(9)) | np.uint32(0x3F800000), jnp.float32)
    u = f - np.float32(1.0)
    return -jnp.log(-jnp.log(u))


def _scan_body(n_b, n_v, vb, nb, l_ref, bj_out, bz_out, se_out,
               m_ref, se_ref, bz_refs, bj_refs):
    j = pl.program_id(0)
    f32 = jnp.float32
    neg_inf = jnp.full((n_b, 128), -jnp.inf, f32)

    @pl.when(j == 0)
    def _init():
        m_ref[...] = neg_inf
        se_ref[...] = jnp.zeros((n_b, 128), f32)
        for s in range(_N_SAMPLES):
            bz_refs[s][...] = neg_inf
            bj_refs[s][...] = jnp.zeros((n_b, 128), jnp.int32)

    logits = l_ref[...]
    col = lax.broadcasted_iota(jnp.int32, (n_b, vb), 1) + j * vb
    valid = col < n_v
    lm = jnp.where(valid, logits, -jnp.inf)

    m_old = m_ref[...]
    m_new = jnp.maximum(m_old, jnp.max(lm, axis=1, keepdims=True))
    pse = jnp.sum(jnp.where(valid, jnp.exp(logits - m_new[:, 0:1]), 0.0),
                  axis=1, keepdims=True)
    se_ref[...] = se_ref[...] * jnp.exp(m_old - m_new) + pse
    m_ref[...] = m_new

    row = lax.broadcasted_iota(jnp.int32, (n_b, vb), 0)
    base = (row * n_v + col).astype(jnp.uint32)

    for s in range(_N_SAMPLES):
        bits = _gumbel_bits(base + np.uint32((s * n_b * n_v + _K1) & 0xFFFFFFFF))
        z = lm + _gumbel_from_bits(bits)
        zmax = jnp.max(z, axis=1, keepdims=True)
        bz_old = bz_refs[s][...]
        upd = zmax > bz_old
        bz_refs[s][...] = jnp.where(upd, zmax, bz_old)
        bj_refs[s][...] = jnp.where(upd, j, bj_refs[s][...])

    @pl.when(j == nb - 1)
    def _finish():
        for s in range(_N_SAMPLES):
            bj_out[s] = bj_refs[s][...]
            bz_out[s] = bz_refs[s][...]
        se_out[...] = se_ref[...]


def _resolve_body(n_b, n_v, vb, g_ref, bj_ref, bz_ref, se_ref, out_ref,
                  ids_ref):
    s = pl.program_id(0)
    f32 = jnp.float32
    logits = g_ref[0]
    blk = bj_ref[0][:, 0:1]
    col = blk * vb + lax.broadcasted_iota(jnp.int32, (n_b, vb), 1)
    lm = jnp.where(col < n_v, logits, -jnp.inf)
    row = lax.broadcasted_iota(jnp.int32, (n_b, vb), 0)
    base = (row * n_v + col).astype(jnp.uint32)
    s_off = (s * (n_b * n_v)).astype(jnp.uint32) + np.uint32(_K1)
    bits = _gumbel_bits(base + s_off)
    z = lm + _gumbel_from_bits(bits)
    idx = jnp.min(jnp.where(z == bz_ref[0][:, 0:1], col, n_v),
                  axis=1, keepdims=True)
    ids_ref[pl.ds(s, 1)] = jnp.broadcast_to(idx[None], (1, n_b, 128))

    @pl.when(s == _N_SAMPLES - 1)
    def _finish():
        ids = [ids_ref[t] for t in range(_N_SAMPLES)]
        agree = jnp.zeros((n_b, 128), f32)
        for t in range(_N_SAMPLES):
            agree += (ids[t] == ids[0]).astype(f32)
        agreement = agree * np.float32(1.0 / _N_SAMPLES)
        uniq = jnp.zeros((n_b, 128), f32)
        for t in range(_N_SAMPLES):
            seen = jnp.zeros((n_b, 128), jnp.bool_)
            for r in range(t):
                seen = jnp.logical_or(seen, ids[t] == ids[r])
            uniq += jnp.where(seen, 0.0, 1.0)
        unique_ratio = uniq * np.float32(1.0 / _N_SAMPLES)
        top_prob = np.float32(1.0) / se_ref[...]
        gap = agreement - top_prob
        lane = lax.broadcasted_iota(jnp.int32, (n_b, 3), 1)
        out_ref[...] = jnp.where(
            lane == 0, agreement[:, 0:1],
            jnp.where(lane == 1, unique_ratio[:, 0:1], gap[:, 0:1]))


def kernel(logits):
    n_b, n_v = logits.shape
    vb = _VB
    nb = pl.cdiv(n_v, vb)
    scratch = ([pltpu.VMEM((n_b, 128), jnp.float32)] * 2
               + [pltpu.VMEM((n_b, 128), jnp.float32)] * _N_SAMPLES
               + [pltpu.VMEM((n_b, 128), jnp.int32)] * _N_SAMPLES)

    def body1(l_ref, bj_out, bz_out, se_out, m_ref, se_ref, *rest):
        _scan_body(n_b, n_v, vb, nb, l_ref, bj_out, bz_out, se_out,
                   m_ref, se_ref, rest[:_N_SAMPLES], rest[_N_SAMPLES:])

    bj, bz, se = pl.pallas_call(
        body1,
        grid=(nb,),
        in_specs=[pl.BlockSpec((n_b, vb), lambda j: (0, j))],
        out_specs=[
            pl.BlockSpec((_N_SAMPLES, n_b, 128), lambda j: (0, 0, 0)),
            pl.BlockSpec((_N_SAMPLES, n_b, 128), lambda j: (0, 0, 0)),
            pl.BlockSpec((n_b, 128), lambda j: (0, 0)),
        ],
        out_shape=[
            jax.ShapeDtypeStruct((_N_SAMPLES, n_b, 128), jnp.int32),
            jax.ShapeDtypeStruct((_N_SAMPLES, n_b, 128), jnp.float32),
            jax.ShapeDtypeStruct((n_b, 128), jnp.float32),
        ],
        scratch_shapes=scratch,
        compiler_params=pltpu.CompilerParams(
            dimension_semantics=("arbitrary",)),
    )(logits)

    win = bj[:, :, 0]
    cols = win[:, :, None] * vb + jnp.arange(vb, dtype=jnp.int32)
    gath = jnp.take_along_axis(
        jnp.broadcast_to(logits[None], (_N_SAMPLES, n_b, n_v)),
        jnp.minimum(cols, n_v - 1), axis=2)

    def body2(g_ref, bj_ref, bz_ref, se_ref, out_ref, ids_ref):
        _resolve_body(n_b, n_v, vb, g_ref, bj_ref, bz_ref, se_ref, out_ref,
                      ids_ref)

    return pl.pallas_call(
        body2,
        grid=(_N_SAMPLES,),
        in_specs=[
            pl.BlockSpec((1, n_b, vb), lambda s: (s, 0, 0)),
            pl.BlockSpec((1, n_b, 128), lambda s: (s, 0, 0)),
            pl.BlockSpec((1, n_b, 128), lambda s: (s, 0, 0)),
            pl.BlockSpec((n_b, 128), lambda s: (0, 0)),
        ],
        out_specs=pl.BlockSpec((n_b, 3), lambda s: (0, 0)),
        out_shape=jax.ShapeDtypeStruct((n_b, 3), jnp.float32),
        scratch_shapes=[pltpu.VMEM((_N_SAMPLES, n_b, 128), jnp.int32)],
        compiler_params=pltpu.CompilerParams(
            dimension_semantics=("arbitrary",)),
    )(gath, bj, bz, se)

# --- scband reference (transcript-rebuilt; emitter-appended) ---
"""Pipeline reference for scband-self-consistency-sampler-17162689315436 (READ-ONLY COPY).

The authoritative reference and input builder live on the scoring server;
editing this copy changes nothing except your own understanding.
"""

import jax, jax.numpy as jnp
import numpy as np

N_SAMPLES = 10

def setup_inputs(seed: int = 0) -> dict:
    key = jax.random.key(seed)
    logits = jax.random.normal(key, (32, 1000000), dtype=jnp.float32)
    return {"logits": logits}

def reference(logits):
    # softmax over full vocab (matches F.softmax in torch)
    probs = jax.nn.softmax(logits, axis=-1)
    # torch.multinomial(probs, n_samples, replacement=True) <-> categorical sampling from logits
    skey = jax.random.fold_in(jax.random.key(0), 1)
    samples = jax.random.categorical(skey, logits, axis=-1, shape=(N_SAMPLES, logits.shape[0])).T  # (B, n_samples)
    # agreement with first sample
    top_token = samples[:, 0:1]
    agreement = jnp.mean((samples == top_token).astype(jnp.float32), axis=1)  # (B,)
    # unique count: count first occurrences (no earlier sample equals it)
    eq = samples[:, :, None] == samples[:, None, :]  # (B, n, n)
    lower = jnp.tril(jnp.ones((N_SAMPLES, N_SAMPLES), dtype=bool), k=-1)  # lower[j,i]=True iff i<j
    seen_before = jnp.any(eq & lower[None, :, :], axis=2)  # (B, n)
    unique_count = jnp.sum(~seen_before, axis=1).astype(jnp.float32)
    unique_ratio = unique_count / float(N_SAMPLES)
    # gap between empirical agreement and top model probability
    top_prob = jnp.max(probs, axis=1)
    agreement_gap = agreement - top_prob
    return jnp.stack([agreement, unique_ratio, agreement_gap], axis=1)  # (B, 3)

if __name__ == "__main__":
    import jax
    _d = setup_inputs()
    print(jax.jit(kernel)(*tuple(_d.values())))

</pallas_src>

<mosaic_0001>
module attributes {stable_mosaic.version = 14 : i64} {
  func.func @body1(%arg0: i32, %arg1: memref<32x1792xf32, #tpu.memory_space<vmem>>, %arg2: memref<10x32x128xi32, #tpu.memory_space<vmem>>, %arg3: memref<10x32x128xf32, #tpu.memory_space<vmem>>, %arg4: memref<32x128xf32, #tpu.memory_space<vmem>>, %arg5: memref<32x128xf32, #tpu.memory_space<vmem>>, %arg6: memref<32x128xf32, #tpu.memory_space<vmem>>, %arg7: memref<32x128xf32, #tpu.memory_space<vmem>>, %arg8: memref<32x128xf32, #tpu.memory_space<vmem>>, %arg9: memref<32x128xf32, #tpu.memory_space<vmem>>, %arg10: memref<32x128xf32, #tpu.memory_space<vmem>>, %arg11: memref<32x128xf32, #tpu.memory_space<vmem>>, %arg12: memref<32x128xf32, #tpu.memory_space<vmem>>, %arg13: memref<32x128xf32, #tpu.memory_space<vmem>>, %arg14: memref<32x128xf32, #tpu.memory_space<vmem>>, %arg15: memref<32x128xf32, #tpu.memory_space<vmem>>, %arg16: memref<32x128xf32, #tpu.memory_space<vmem>>, %arg17: memref<32x128xi32, #tpu.memory_space<vmem>>, %arg18: memref<32x128xi32, #tpu.memory_space<vmem>>, %arg19: memref<32x128xi32, #tpu.memory_space<vmem>>, %arg20: memref<32x128xi32, #tpu.memory_space<vmem>>, %arg21: memref<32x128xi32, #tpu.memory_space<vmem>>, %arg22: memref<32x128xi32, #tpu.memory_space<vmem>>, %arg23: memref<32x128xi32, #tpu.memory_space<vmem>>, %arg24: memref<32x128xi32, #tpu.memory_space<vmem>>, %arg25: memref<32x128xi32, #tpu.memory_space<vmem>>, %arg26: memref<32x128xi32, #tpu.memory_space<vmem>>) attributes {dimension_semantics = [#tpu.dimension_semantics<arbitrary>], iteration_bounds = array<i64: 559>, scalar_prefetch = 0 : i64, scratch_operands = 22 : i64, tpu.core_type = #tpu.core_type<tc>, window_params = [{transform_indices = @transform_0, window_bounds = array<i64: 32, 1792>}, {pipeline_mode = #tpu.pipeline_mode<synchronous>, transform_indices = @transform_1, window_bounds = array<i64: 10, 32, 128>}, {pipeline_mode = #tpu.pipeline_mode<synchronous>, transform_indices = @transform_2, window_bounds = array<i64: 10, 32, 128>}, {pipeline_mode = #tpu.pipeline_mode<synchronous>, transform_indices = @transform_3, window_bounds = array<i64: 32, 128>}]} {
    %broadcast_in_dim3A = arith.constant 0xFF800000 : f32
    %broadcast_in_dim3A_0 = vector.broadcast %broadcast_in_dim3A : f32 to vector<32x128xf32>
    %eq3A = arith.constant 0 : i32
    %eq3A_1 = arith.cmpi eq, %arg0, %eq3A : i32
    %convert_element_type3A = arith.extui %eq3A_1 : i1 to i32
    %cond3A = arith.constant 0 : i32
    %cond3A_2 = arith.cmpi ne, %convert_element_type3A, %cond3A : i32
    scf.if %cond3A_2 {
      %swap3A_2607 = arith.constant 0 : index
      %swap3A_2608 = arith.constant 0 : index
      %swap3A_2609 = vector.load %arg5[%swap3A_2607, %swap3A_2608] : memref<32x128xf32, #tpu.memory_space<vmem>>, vector<32x128xf32>
      tpu.vector_store %arg5[%swap3A_2607, %swap3A_2608], %broadcast_in_dim3A_0 {strides = array<i32>} : memref<32x128xf32, #tpu.memory_space<vmem>>, vector<32x128xf32>,
      %broadcast_in_dim3A_2610 = arith.constant 0.000000e+00 : f32
      %broadcast_in_dim3A_2611 = vector.broadcast %broadcast_in_dim3A_2610 : f32 to vector<32x128xf32>
      %swap3A_2612 = arith.constant 0 : index
      %swap3A_2613 = arith.constant 0 : index
      %swap3A_2614 = vector.load %arg6[%swap3A_2612, %swap3A_2613] : memref<32x128xf32, #tpu.memory_space<vmem>>, vector<32x128xf32>
      tpu.vector_store %arg6[%swap3A_2612, %swap3A_2613], %broadcast_in_dim3A_2611 {strides = array<i32>} : memref<32x128xf32, #tpu.memory_space<vmem>>, vector<32x128xf32>,
      %swap3A_2615 = arith.constant 0 : index
      %swap3A_2616 = arith.constant 0 : index
      %swap3A_2617 = vector.load %arg7[%swap3A_2615, %swap3A_2616] : memref<32x128xf32, #tpu.memory_space<vmem>>, vector<32x128xf32>
      tpu.vector_store %arg7[%swap3A_2615, %swap3A_2616], %broadcast_in_dim3A_0 {strides = array<i32>} : memref<32x128xf32, #tpu.memory_space<vmem>>, vector<32x128xf32>,
      %broadcast_in_dim3A_2618 = arith.constant 0 : i32
      %broadcast_in_dim3A_2619 = vector.broadcast %broadcast_in_dim3A_2618 : i32 to vector<32x128xi32>
      %swap3A_2620 = arith.constant 0 : index
      %swap3A_2621 = arith.constant 0 : index
      %swap3A_2622 = vector.load %arg17[%swap3A_2620, %swap3A_2621] : memref<32x128xi32, #tpu.memory_space<vmem>>, vector<32x128xi32>
      tpu.vector_store %arg17[%swap3A_2620, %swap3A_2621], %broadcast_in_dim3A_2619 {strides = array<i32>} : memref<32x128xi32, #tpu.memory_space<vmem>>, vector<32x128xi32>,
      %swap3A_2623 = arith.constant 0 : index
      %swap3A_2624 = arith.constant 0 : index
      %swap3A_2625 = vector.load %arg8[%swap3A_2623, %swap3A_2624] : memref<32x128xf32, #tpu.memory_space<vmem>>, vector<32x128xf32>
      tpu.vector_store %arg8[%swap3A_2623, %swap3A_2624], %broadcast_in_dim3A_0 {strides = array<i32>} : memref<32x128xf32, #tpu.memory_space<vmem>>, vector<32x128xf32>,
      %broadcast_in_dim3A_2626 = arith.constant 0 : i32
      %broadcast_in_dim3A_2627 = vector.broadcast %broadcast_in_dim3A_2626 : i32 to vector<32x128xi32>
      %swap3A_2628 = arith.constant 0 : index
      %swap3A_2629 = arith.constant 0 : index
      %swap3A_2630 = vector.load %arg18[%swap3A_2628, %swap3A_2629] : memref<32x128xi32, #tpu.memory_space<vmem>>, vector<32x128xi32>
      tpu.vector_store %arg18[%swap3A_2628, %swap3A_2629], %broadcast_in_dim3A_2627 {strides = array<i32>} : memref<32x128xi32, #tpu.memory_space<vmem>>, vector<32x128xi32>,
      %swap3A_2631 = arith.constant 0 : index
      %swap3A_2632 = arith.constant 0 : index
      %swap3A_2633 = vector.load %arg9[%swap3A_2631, %swap3A_2632] : memref<32x128xf32, #tpu.memory_space<vmem>>, vector<32x128xf32>
      tpu.vector_store %arg9[%swap3A_2631, %swap3A_2632], %broadcast_in_dim3A_0 {strides = array<i32>} : memref<32x128xf32, #tpu.memory_space<vmem>>, vector<32x128xf32>,
      %broadcast_in_dim3A_2634 = arith.constant 0 : i32
      %broadcast_in_dim3A_2635 = vector.broadcast %broadcast_in_dim3A_2634 : i32 to vector<32x128xi32>
      %swap3A_2636 = arith.constant 0 : index
      %swap3A_2637 = arith.constant 0 : index
      %swap3A_2638 = vector.load %arg19[%swap3A_2636, %swap3A_2637] : memref<32x128xi32, #tpu.memory_space<vmem>>, vector<32x128xi32>
      tpu.vector_store %arg19[%swap3A_2636, %swap3A_2637], %broadcast_in_dim3A_2635 {strides = array<i32>} : memref<32x128xi32, #tpu.memory_space<vmem>>, vector<32x128xi32>,
      %swap3A_2639 = arith.constant 0 : index
      %swap3A_2640 = arith.constant 0 : index
      %swap3A_2641 = vector.load %arg10[%swap3A_2639, %swap3A_2640] : memref<32x128xf32, #tpu.memory_space<vmem>>, vector<32x128xf32>
      tpu.vector_store %arg10[%swap3A_2639, %swap3A_2640], %broadcast_in_dim3A_0 {strides = array<i32>} : memref<32x128xf32, #tpu.memory_space<vmem>>, vector<32x128xf32>,
      %broadcast_in_dim3A_2642 = arith.constant 0 : i32
      %broadcast_in_dim3A_2643 = vector.broadcast %broadcast_in_dim3A_2642 : i32 to vector<32x128xi32>
      %swap3A_2644 = arith.constant 0 : index
      %swap3A_2645 = arith.constant 0 : index
      %swap3A_2646 = vector.load %arg20[%swap3A_2644, %swap3A_2645] : memref<32x128xi32, #tpu.memory_space<vmem>>, vector<32x128xi32>
      tpu.vector_store %arg20[%swap3A_2644, %swap3A_2645], %broadcast_in_dim3A_2643 {strides = array<i32>} : memref<32x128xi32, #tpu.memory_space<vmem>>, vector<32x128xi32>,
      %swap3A_2647 = arith.constant 0 : index
      %swap3A_2648 = arith.constant 0 : index
      %swap3A_2649 = vector.load %arg11[%swap3A_2647, %swap3A_2648] : memref<32x128xf32, #tpu.memory_space<vmem>>, vector<32x128xf32>
      tpu.vector_store %arg11[%swap3A_2647, %swap3A_2648], %broadcast_in_dim3A_0 {strides = array<i32>} : memref<32x128xf32, #tpu.memory_space<vmem>>, vector<32x128xf32>,
      %broadcast_in_dim3A_2650 = arith.constant 0 : i32
      %broadcast_in_dim3A_2651 = vector.broadcast %broadcast_in_dim3A_2650 : i32 to vector<32x128xi32>
      %swap3A_2652 = arith.constant 0 : index
      %swap3A_2653 = arith.constant 0 : index
      %swap3A_2654 = vector.load %arg21[%swap3A_2652, %swap3A_2653] : memref<32x128xi32, #tpu.memory_space<vmem>>, vector<32x128xi32>
      tpu.vector_store %arg21[%swap3A_2652, %swap3A_2653], %broadcast_in_dim3A_2651 {strides = array<i32>} : memref<32x128xi32, #tpu.memory_space<vmem>>, vector<32x128xi32>,
      %swap3A_2655 = arith.constant 0 : index
      %swap3A_2656 = arith.constant 0 : index
      %swap3A_2657 = vector.load %arg12[%swap3A_2655, %swap3A_2656] : memref<32x128xf32, #tpu.memory_space<vmem>>, vector<32x128xf32>
      tpu.vector_store %arg12[%swap3A_2655, %swap3A_2656], %broadcast_in_dim3A_0 {strides = array<i32>} : memref<32x128xf32, #tpu.memory_space<vmem>>, vector<32x128xf32>,
      %broadcast_in_dim3A_2658 = arith.constant 0 : i32
      %broadcast_in_dim3A_2659 = vector.broadcast %broadcast_in_dim3A_2658 : i32 to vector<32x128xi32>
      %swap3A_2660 = arith.constant 0 : index
      %swap3A_2661 = arith.constant 0 : index
      %swap3A_2662 = vector.load %arg22[%swap3A_2660, %swap3A_2661] : memref<32x128xi32, #tpu.memory_space<vmem>>, vector<32x128xi32>
      tpu.vector_store %arg22[%swap3A_2660, %swap3A_2661], %broadcast_in_dim3A_2659 {strides = array<i32>} : memref<32x128xi32, #tpu.memory_space<vmem>>, vector<32x128xi32>,
      %swap3A_2663 = arith.constant 0 : index
      %swap3A_2664 = arith.constant 0 : index
      %swap3A_2665 = vector.load %arg13[%swap3A_2663, %swap3A_2664] : memref<32x128xf32, #tpu.memory_space<vmem>>, vector<32x128xf32>
      tpu.vector_store %arg13[%swap3A_2663, %swap3A_2664], %broadcast_in_dim3A_0 {strides = array<i32>} : memref<32x128xf32, #tpu.memory_space<vmem>>, vector<32x128xf32>,
      %broadcast_in_dim3A_2666 = arith.constant 0 : i32
      %broadcast_in_dim3A_2667 = vector.broadcast %broadcast_in_dim3A_2666 : i32 to vector<32x128xi32>
      %swap3A_2668 = arith.constant 0 : index
      %swap3A_2669 = arith.constant 0 : index
      %swap3A_2670 = vector.load %arg23[%swap3A_2668, %swap3A_2669] : memref<32x128xi32, #tpu.memory_space<vmem>>, vector<32x128xi32>
      tpu.vector_store %arg23[%swap3A_2668, %swap3A_2669], %broadcast_in_dim3A_2667 {strides = array<i32>} : memref<32x128xi32, #tpu.memory_space<vmem>>, vector<32x128xi32>,
      %swap3A_2671 = arith.constant 0 : index
      %swap3A_2672 = arith.constant 0 : index
      %swap3A_2673 = vector.load %arg14[%swap3A_2671, %swap3A_2672] : memref<32x128xf32, #tpu.memory_space<vmem>>, vector<32x128xf32>
      tpu.vector_store %arg14[%swap3A_2671, %swap3A_2672], %broadcast_in_dim3A_0 {strides = array<i32>} : memref<32x128xf32, #tpu.memory_space<vmem>>, vector<32x128xf32>,
      %broadcast_in_dim3A_2674 = arith.constant 0 : i32
      %broadcast_in_dim3A_2675 = vector.broadcast %broadcast_in_dim3A_2674 : i32 to vector<32x128xi32>
      %swap3A_2676 = arith.constant 0 : index
      %swap3A_2677 = arith.constant 0 : index
      %swap3A_2678 = vector.load %arg24[%swap3A_2676, %swap3A_2677] : memref<32x128xi32, #tpu.memory_space<vmem>>, vector<32x128xi32>
      tpu.vector_store %arg24[%swap3A_2676, %swap3A_2677], %broadcast_in_dim3A_2675 {strides = array<i32>} : memref<32x128xi32, #tpu.memory_space<vmem>>, vector<32x128xi32>,
      %swap3A_2679 = arith.constant 0 : index
      %swap3A_2680 = arith.constant 0 : index
      %swap3A_2681 = vector.load %arg15[%swap3A_2679, %swap3A_2680] : memref<32x128xf32, #tpu.memory_space<vmem>>, vector<32x128xf32>
      tpu.vector_store %arg15[%swap3A_2679, %swap3A_2680], %broadcast_in_dim3A_0 {strides = array<i32>} : memref<32x128xf32, #tpu.memory_space<vmem>>, vector<32x128xf32>,
      %broadcast_in_dim3A_2682 = arith.constant 0 : i32
      %broadcast_in_dim3A_2683 = vector.broadcast %broadcast_in_dim3A_2682 : i32 to vector<32x128xi32>
      %swap3A_2684 = arith.constant 0 : index
      %swap3A_2685 = arith.constant 0 : index
      %swap3A_2686 = vector.load %arg25[%swap3A_2684, %swap3A_2685] : memref<32x128xi32, #tpu.memory_space<vmem>>, vector<32x128xi32>
      tpu.vector_store %arg25[%swap3A_2684, %swap3A_2685], %broadcast_in_dim3A_2683 {strides = array<i32>} : memref<32x128xi32, #tpu.memory_space<vmem>>, vector<32x128xi32>,
      %swap3A_2687 = arith.constant 0 : index
      %swap3A_2688 = arith.constant 0 : index
      %swap3A_2689 = vector.load %arg16[%swap3A_2687, %swap3A_2688] : memref<32x128xf32, #tpu.memory_space<vmem>>, vector<32x128xf32>
      tpu.vector_store %arg16[%swap3A_2687, %swap3A_2688], %broadcast_in_dim3A_0 {strides = array<i32>} : memref<32x128xf32, #tpu.memory_space<vmem>>, vector<32x128xf32>,
      %broadcast_in_dim3A_2690 = arith.constant 0 : i32
      %broadcast_in_dim3A_2691 = vector.broadcast %broadcast_in_dim3A_2690 : i32 to vector<32x128xi32>
      %swap3A_2692 = arith.constant 0 : index
      %swap3A_2693 = arith.constant 0 : index
      %swap3A_2694 = vector.load %arg26[%swap3A_2692, %swap3A_2693] : memref<32x128xi32, #tpu.memory_space<vmem>>, vector<32x128xi32>
      tpu.vector_store %arg26[%swap3A_2692, %swap3A_2693], %broadcast_in_dim3A_2691 {strides = array<i32>} : memref<32x128xi32, #tpu.memory_space<vmem>>, vector<32x128xi32>,
    } else {
    }
    %get3A = arith.constant 0 : index
    %get3A_3 = arith.constant 0 : index
    %get3A_4 = vector.load %arg1[%get3A, %get3A_3] : memref<32x1792xf32, #tpu.memory_space<vmem>>, vector<32x1792xf32>
    %iota3A = tpu.iota {dimensions = array<i32: 1>} : vector<32x1792xi32>
    %mul3A = arith.constant 1792 : i32
    %mul3A_5 = arith.muli %arg0, %mul3A : i32
    %add3A = vector.broadcast %mul3A_5 : i32 to vector<32x1792xi32>
    %add3A_6 = arith.addi %iota3A, %add3A : vector<32x1792xi32>
    %lt3A = arith.constant 1000000 : i32
    %lt3A_7 = vector.broadcast %lt3A : i32 to vector<32x1792xi32>
    %lt3A_8 = arith.cmpi slt, %add3A_6, %lt3A_7 : vector<32x1792xi32>
    %jit3A = arith.constant 0xFF800000 : f32
    %broadcast_in_dim3A_9 = vector.broadcast %jit3A : f32 to vector<32x1792xf32>
    %select_n3A = arith.select %lt3A_8, %get3A_4, %broadcast_in_dim3A_9 : vector<32x1792xi1>, vector<32x1792xf32>
    %get3A_10 = arith.constant 0 : index
    %get3A_11 = arith.constant 0 : index
    %get3A_12 = vector.load %arg5[%get3A_10, %get3A_11] : memref<32x128xf32, #tpu.memory_space<vmem>>, vector<32x128xf32>
    %reduce_max3A = arith.constant dense<0xFF800000> : vector<32xf32>
    %reduce_max3A_13 = vector.multi_reduction <maximumf>, %select_n3A, %reduce_max3A [1] : vector<32x1792xf32> to vector<32xf32>
    %broadcast_in_dim3A_14 = vector.shape_cast %reduce_max3A_13 : vector<32xf32> to vector<32x1xf32>
    %max3A = vector.broadcast %broadcast_in_dim3A_14 : vector<32x1xf32> to vector<32x128xf32>
    %max3A_15 = arith.maximumf %get3A_12, %max3A : vector<32x128xf32>
    %slice3A = vector.extract_strided_slice %max3A_15 {offsets = [0, 0], sizes = [32, 1], strides = [1, 1]} : vector<32x128xf32> to vector<32x1xf32>
    %sub3A = vector.broadcast %slice3A : vector<32x1xf32> to vector<32x1792xf32>
    %sub3A_16 = arith.subf %get3A_4, %sub3A : vector<32x1792xf32>
    %exp3A = math.exp %sub3A_16 : vector<32x1792xf32>
    %jit3A_17 = arith.constant 0.000000e+00 : f32
    %broadcast_in_dim3A_18 = vector.broadcast %jit3A_17 : f32 to vector<32x1792xf32>
    %select_n3A_19 = arith.select %lt3A_8, %exp3A, %broadcast_in_dim3A_18 : vector<32x1792xi1>, vector<32x1792xf32>
    %reduce_sum3A = arith.constant dense<0.000000e+00> : vector<32xf32>
    %reduce_sum3A_20 = vector.multi_reduction <add>, %select_n3A_19, %reduce_sum3A [1] : vector<32x1792xf32> to vector<32xf32>
    %broadcast_in_dim3A_21 = vector.shape_cast %reduce_sum3A_20 : vector<32xf32> to vector<32x1xf32>
    %get3A_22 = arith.constant 0 : index
    %get3A_23 = arith.constant 0 : index
    %get3A_24 = vector.load %arg6[%get3A_22, %get3A_23] : memref<32x128xf32, #tpu.memory_space<vmem>>, vector<32x128xf32>
    %sub3A_25 = arith.subf %get3A_12, %max3A_15 : vector<32x128xf32>
    %exp3A_26 = math.exp %sub3A_25 : vector<32x128xf32>
    %mul3A_27 = arith.mulf %get3A_24, %exp3A_26 : vector<32x128xf32>
    %add3A_28 = vector.broadcast %broadcast_in_dim3A_21 : vector<32x1xf32> to vector<32x128xf32>
    %add3A_29 = arith.addf %mul3A_27, %add3A_28 : vector<32x128xf32>
    %swap3A = arith.constant 0 : index
    %swap3A_30 = arith.constant 0 : index
    %swap3A_31 = vector.load %arg6[%swap3A, %swap3A_30] : memref<32x128xf32, #tpu.memory_space<vmem>>, vector<32x128xf32>
    tpu.vector_store %arg6[%swap3A, %swap3A_30], %add3A_29 {strides = array<i32>} : memref<32x128xf32, #tpu.memory_space<vmem>>, vector<32x128xf32>,
    %swap3A_32 = arith.constant 0 : index
    %swap3A_33 = arith.constant 0 : index
    %swap3A_34 = vector.load %arg5[%swap3A_32, %swap3A_33] : memref<32x128xf32, #tpu.memory_space<vmem>>, vector<32x128xf32>
    tpu.vector_store %arg5[%swap3A_32, %swap3A_33], %max3A_15 {strides = array<i32>} : memref<32x128xf32, #tpu.memory_space<vmem>>, vector<32x128xf32>,
    %iota3A_35 = tpu.iota {dimensions = array<i32: 0>} : vector<32x1792xi32>
    %mul3A_36 = arith.constant 1000000 : i32
    %mul3A_37 = vector.broadcast %mul3A_36 : i32 to vector<32x1792xi32>
    %mul3A_38 = arith.muli %iota3A_35, %mul3A_37 : vector<32x1792xi32>
    %add3A_39 = arith.addi %mul3A_38, %add3A_6 : vector<32x1792xi32>
    %add3A_40 = arith.constant -841280227 : i32
    %add3A_41 = vector.broadcast %add3A_40 : i32 to vector<32x1792xi32>
    %add3A_42 = arith.addi %add3A_39, %add3A_41 : vector<32x1792xi32>
    %broadcast_in_dim3A_43 = arith.constant 928981903 : i32
    %broadcast_in_dim3A_44 = vector.broadcast %broadcast_in_dim3A_43 : i32 to vector<32x1792xi32>
    %add3A_45 = arith.addi %broadcast_in_dim3A_44, %add3A_42 : vector<32x1792xi32>
    %shift_left3A = arith.constant 13 : i32
    %shift_left3A_46 = vector.broadcast %shift_left3A : i32 to vector<32x1792xi32>
    %shift_left3A_47 = arith.shli %add3A_42, %shift_left3A_46 : vector<32x1792xi32>
    %shift_right_logical3A = arith.constant 19 : i32
    %shift_right_logical3A_48 = vector.broadcast %shift_right_logical3A : i32 to vector<32x1792xi32>
    %shift_right_logical3A_49 = arith.shrui %add3A_42, %shift_right_logical3A_48 : vector<32x1792xi32>
    %or3A = arith.ori %shift_left3A_47, %shift_right_logical3A_49 : vector<32x1792xi32>
    %xor3A = arith.xori %add3A_45, %or3A : vector<32x1792xi32>
    %add3A_50 = arith.addi %add3A_45, %xor3A : vector<32x1792xi32>
    %shift_left3A_51 = arith.constant 15 : i32
    %shift_left3A_52 = vector.broadcast %shift_left3A_51 : i32 to vector<32x1792xi32>
    %shift_left3A_53 = arith.shli %xor3A, %shift_left3A_52 : vector<32x1792xi32>
    %shift_right_logical3A_54 = arith.constant 17 : i32
    %shift_right_logical3A_55 = vector.broadcast %shift_right_logical3A_54 : i32 to vector<32x1792xi32>
    %shift_right_logical3A_56 = arith.shrui %xor3A, %shift_right_logical3A_55 : vector<32x1792xi32>
    %or3A_57 = arith.ori %shift_left3A_53, %shift_right_logical3A_56 : vector<32x1792xi32>
    %xor3A_58 = arith.xori %add3A_50, %or3A_57 : vector<32x1792xi32>
    %add3A_59 = arith.addi %add3A_50, %xor3A_58 : vector<32x1792xi32>
    %shift_left3A_60 = arith.constant 26 : i32
    %shift_left3A_61 = vector.broadcast %shift_left3A_60 : i32 to vector<32x1792xi32>
    %shift_left3A_62 = arith.shli %xor3A_58, %shift_left3A_61 : vector<32x1792xi32>
    %shift_right_logical3A_63 = arith.constant 6 : i32
    %shift_right_logical3A_64 = vector.broadcast %shift_right_logical3A_63 : i32 to vector<32x1792xi32>
    %shift_right_logical3A_65 = arith.shrui %xor3A_58, %shift_right_logical3A_64 : vector<32x1792xi32>
    %or3A_66 = arith.ori %shift_left3A_62, %shift_right_logical3A_65 : vector<32x1792xi32>
    %xor3A_67 = arith.xori %add3A_59, %or3A_66 : vector<32x1792xi32>
    %add3A_68 = arith.addi %add3A_59, %xor3A_67 : vector<32x1792xi32>
    %shift_left3A_69 = arith.constant 6 : i32
    %shift_left3A_70 = vector.broadcast %shift_left3A_69 : i32 to vector<32x1792xi32>
    %shift_left3A_71 = arith.shli %xor3A_67, %shift_left3A_70 : vector<32x1792xi32>
    %shift_right_logical3A_72 = arith.constant 26 : i32
    %shift_right_logical3A_73 = vector.broadcast %shift_right_logical3A_72 : i32 to vector<32x1792xi32>
    %shift_right_logical3A_74 = arith.shrui %xor3A_67, %shift_right_logical3A_73 : vector<32x1792xi32>
    %or3A_75 = arith.ori %shift_left3A_71, %shift_right_logical3A_74 : vector<32x1792xi32>
    %xor3A_76 = arith.xori %add3A_68, %or3A_75 : vector<32x1792xi32>
    %add3A_77 = arith.constant -841280227 : i32
    %add3A_78 = vector.broadcast %add3A_77 : i32 to vector<32x1792xi32>
    %add3A_79 = arith.addi %add3A_68, %add3A_78 : vector<32x1792xi32>
    %add3A_80 = arith.constant -514511543 : i32
    %add3A_81 = vector.broadcast %add3A_80 : i32 to vector<32x1792xi32>
    %add3A_82 = arith.addi %xor3A_76, %add3A_81 : vector<32x1792xi32>
    %add3A_83 = arith.addi %add3A_79, %add3A_82 : vector<32x1792xi32>
    %shift_left3A_84 = arith.constant 17 : i32
    %shift_left3A_85 = vector.broadcast %shift_left3A_84 : i32 to vector<32x1792xi32>
    %shift_left3A_86 = arith.shli %add3A_82, %shift_left3A_85 : vector<32x1792xi32>
    %shift_right_logical3A_87 = arith.constant 15 : i32
    %shift_right_logical3A_88 = vector.broadcast %shift_right_logical3A_87 : i32 to vector<32x1792xi32>
    %shift_right_logical3A_89 = arith.shrui %add3A_82, %shift_right_logical3A_88 : vector<32x1792xi32>
    %or3A_90 = arith.ori %shift_left3A_86, %shift_right_logical3A_89 : vector<32x1792xi32>
    %xor3A_91 = arith.xori %add3A_83, %or3A_90 : vector<32x1792xi32>
    %add3A_92 = arith.addi %add3A_83, %xor3A_91 : vector<32x1792xi32>
    %shift_left3A_93 = arith.constant 29 : i32
    %shift_left3A_94 = vector.broadcast %shift_left3A_93 : i32 to vector<32x1792xi32>
    %shift_left3A_95 = arith.shli %xor3A_91, %shift_left3A_94 : vector<32x1792xi32>
    %shift_right_logical3A_96 = arith.constant 3 : i32
    %shift_right_logical3A_97 = vector.broadcast %shift_right_logical3A_96 : i32 to vector<32x1792xi32>
    %shift_right_logical3A_98 = arith.shrui %xor3A_91, %shift_right_logical3A_97 : vector<32x1792xi32>
    %or3A_99 = arith.ori %shift_left3A_95, %shift_right_logical3A_98 : vector<32x1792xi32>
    %xor3A_100 = arith.xori %add3A_92, %or3A_99 : vector<32x1792xi32>
    %add3A_101 = arith.addi %add3A_92, %xor3A_100 : vector<32x1792xi32>
    %shift_left3A_102 = arith.constant 16 : i32
    %shift_left3A_103 = vector.broadcast %shift_left3A_102 : i32 to vector<32x1792xi32>
    %shift_left3A_104 = arith.shli %xor3A_100, %shift_left3A_103 : vector<32x1792xi32>
    %shift_right_logical3A_105 = arith.constant 16 : i32
    %shift_right_logical3A_106 = vector.broadcast %shift_right_logical3A_105 : i32 to vector<32x1792xi32>
    %shift_right_logical3A_107 = arith.shrui %xor3A_100, %shift_right_logical3A_106 : vector<32x1792xi32>
    %or3A_108 = arith.ori %shift_left3A_104, %shift_right_logical3A_107 : vector<32x1792xi32>
    %xor3A_109 = arith.xori %add3A_101, %or3A_108 : vector<32x1792xi32>
    %add3A_110 = arith.addi %add3A_101, %xor3A_109 : vector<32x1792xi32>
    %shift_left3A_111 = arith.constant 24 : i32
    %shift_left3A_112 = vector.broadcast %shift_left3A_111 : i32 to vector<32x1792xi32>
    %shift_left3A_113 = arith.shli %xor3A_109, %shift_left3A_112 : vector<32x1792xi32>
    %shift_right_logical3A_114 = arith.constant 8 : i32
    %shift_right_logical3A_115 = vector.broadcast %shift_right_logical3A_114 : i32 to vector<32x1792xi32>
    %shift_right_logical3A_116 = arith.shrui %xor3A_109, %shift_right_logical3A_115 : vector<32x1792xi32>
    %or3A_117 = arith.ori %shift_left3A_113, %shift_right_logical3A_116 : vector<32x1792xi32>
    %xor3A_118 = arith.xori %add3A_110, %or3A_117 : vector<32x1792xi32>
    %add3A_119 = arith.constant -514511544 : i32
    %add3A_120 = vector.broadcast %add3A_119 : i32 to vector<32x1792xi32>
    %add3A_121 = arith.addi %add3A_110, %add3A_120 : vector<32x1792xi32>
    %add3A_122 = arith.constant 928981905 : i32
    %add3A_123 = vector.broadcast %add3A_122 : i32 to vector<32x1792xi32>
    %add3A_124 = arith.addi %xor3A_118, %add3A_123 : vector<32x1792xi32>
    %add3A_125 = arith.addi %add3A_121, %add3A_124 : vector<32x1792xi32>
    %shift_left3A_126 = arith.constant 13 : i32
    %shift_left3A_127 = vector.broadcast %shift_left3A_126 : i32 to vector<32x1792xi32>
    %shift_left3A_128 = arith.shli %add3A_124, %shift_left3A_127 : vector<32x1792xi32>
    %shift_right_logical3A_129 = arith.constant 19 : i32
    %shift_right_logical3A_130 = vector.broadcast %shift_right_logical3A_129 : i32 to vector<32x1792xi32>
    %shift_right_logical3A_131 = arith.shrui %add3A_124, %shift_right_logical3A_130 : vector<32x1792xi32>
    %or3A_132 = arith.ori %shift_left3A_128, %shift_right_logical3A_131 : vector<32x1792xi32>
    %xor3A_133 = arith.xori %add3A_125, %or3A_132 : vector<32x1792xi32>
    %add3A_134 = arith.addi %add3A_125, %xor3A_133 : vector<32x1792xi32>
    %shift_left3A_135 = arith.constant 15 : i32
    %shift_left3A_136 = vector.broadcast %shift_left3A_135 : i32 to vector<32x1792xi32>
    %shift_left3A_137 = arith.shli %xor3A_133, %shift_left3A_136 : vector<32x1792xi32>
    %shift_right_logical3A_138 = arith.constant 17 : i32
    %shift_right_logical3A_139 = vector.broadcast %shift_right_logical3A_138 : i32 to vector<32x1792xi32>
    %shift_right_logical3A_140 = arith.shrui %xor3A_133, %shift_right_logical3A_139 : vector<32x1792xi32>
    %or3A_141 = arith.ori %shift_left3A_137, %shift_right_logical3A_140 : vector<32x1792xi32>
    %xor3A_142 = arith.xori %add3A_134, %or3A_141 : vector<32x1792xi32>
    %add3A_143 = arith.addi %add3A_134, %xor3A_142 : vector<32x1792xi32>
    %shift_left3A_144 = arith.constant 26 : i32
    %shift_left3A_145 = vector.broadcast %shift_left3A_144 : i32 to vector<32x1792xi32>
    %shift_left3A_146 = arith.shli %xor3A_142, %shift_left3A_145 : vector<32x1792xi32>
    %shift_right_logical3A_147 = arith.constant 6 : i32
    %shift_right_logical3A_148 = vector.broadcast %shift_right_logical3A_147 : i32 to vector<32x1792xi32>
    %shift_right_logical3A_149 = arith.shrui %xor3A_142, %shift_right_logical3A_148 : vector<32x1792xi32>
    %or3A_150 = arith.ori %shift_left3A_146, %shift_right_logical3A_149 : vector<32x1792xi32>
    %xor3A_151 = arith.xori %add3A_143, %or3A_150 : vector<32x1792xi32>
    %add3A_152 = arith.addi %add3A_143, %xor3A_151 : vector<32x1792xi32>
    %shift_left3A_153 = arith.constant 6 : i32
    %shift_left3A_154 = vector.broadcast %shift_left3A_153 : i32 to vector<32x1792xi32>
    %shift_left3A_155 = arith.shli %xor3A_151, %shift_left3A_154 : vector<32x1792xi32>
    %shift_right_logical3A_156 = arith.constant 26 : i32
    %shift_right_logical3A_157 = vector.broadcast %shift_right_logical3A_156 : i32 to vector<32x1792xi32>
    %shift_right_logical3A_158 = arith.shrui %xor3A_151, %shift_right_logical3A_157 : vector<32x1792xi32>
    %or3A_159 = arith.ori %shift_left3A_155, %shift_right_logical3A_158 : vector<32x1792xi32>
    %xor3A_160 = arith.xori %add3A_152, %or3A_159 : vector<32x1792xi32>
    %add3A_161 = arith.constant 928981903 : i32
    %add3A_162 = vector.broadcast %add3A_161 : i32 to vector<32x1792xi32>
    %add3A_163 = arith.addi %add3A_152, %add3A_162 : vector<32x1792xi32>
    %add3A_164 = arith.constant -841280224 : i32
    %add3A_165 = vector.broadcast %add3A_164 : i32 to vector<32x1792xi32>
    %add3A_166 = arith.addi %xor3A_160, %add3A_165 : vector<32x1792xi32>
    %add3A_167 = arith.addi %add3A_163, %add3A_166 : vector<32x1792xi32>
    %shift_left3A_168 = arith.constant 17 : i32
    %shift_left3A_169 = vector.broadcast %shift_left3A_168 : i32 to vector<32x1792xi32>
    %shift_left3A_170 = arith.shli %add3A_166, %shift_left3A_169 : vector<32x1792xi32>
    %shift_right_logical3A_171 = arith.constant 15 : i32
    %shift_right_logical3A_172 = vector.broadcast %shift_right_logical3A_171 : i32 to vector<32x1792xi32>
    %shift_right_logical3A_173 = arith.shrui %add3A_166, %shift_right_logical3A_172 : vector<32x1792xi32>
    %or3A_174 = arith.ori %shift_left3A_170, %shift_right_logical3A_173 : vector<32x1792xi32>
    %xor3A_175 = arith.xori %add3A_167, %or3A_174 : vector<32x1792xi32>
    %add3A_176 = arith.addi %add3A_167, %xor3A_175 : vector<32x1792xi32>
    %shift_left3A_177 = arith.constant 29 : i32
    %shift_left3A_178 = vector.broadcast %shift_left3A_177 : i32 to vector<32x1792xi32>
    %shift_left3A_179 = arith.shli %xor3A_175, %shift_left3A_178 : vector<32x1792xi32>
    %shift_right_logical3A_180 = arith.constant 3 : i32
    %shift_right_logical3A_181 = vector.broadcast %shift_right_logical3A_180 : i32 to vector<32x1792xi32>
    %shift_right_logical3A_182 = arith.shrui %xor3A_175, %shift_right_logical3A_181 : vector<32x1792xi32>
    %or3A_183 = arith.ori %shift_left3A_179, %shift_right_logical3A_182 : vector<32x1792xi32>
    %xor3A_184 = arith.xori %add3A_176, %or3A_183 : vector<32x1792xi32>
    %add3A_185 = arith.addi %add3A_176, %xor3A_184 : vector<32x1792xi32>
    %shift_left3A_186 = arith.constant 16 : i32
    %shift_left3A_187 = vector.broadcast %shift_left3A_186 : i32 to vector<32x1792xi32>
    %shift_left3A_188 = arith.shli %xor3A_184, %shift_left3A_187 : vector<32x1792xi32>
    %shift_right_logical3A_189 = arith.constant 16 : i32
    %shift_right_logical3A_190 = vector.broadcast %shift_right_logical3A_189 : i32 to vector<32x1792xi32>
    %shift_right_logical3A_191 = arith.shrui %xor3A_184, %shift_right_logical3A_190 : vector<32x1792xi32>
    %or3A_192 = arith.ori %shift_left3A_188, %shift_right_logical3A_191 : vector<32x1792xi32>
    %xor3A_193 = arith.xori %add3A_185, %or3A_192 : vector<32x1792xi32>
    %add3A_194 = arith.addi %add3A_185, %xor3A_193 : vector<32x1792xi32>
    %shift_left3A_195 = arith.constant 24 : i32
    %shift_left3A_196 = vector.broadcast %shift_left3A_195 : i32 to vector<32x1792xi32>
    %shift_left3A_197 = arith.shli %xor3A_193, %shift_left3A_196 : vector<32x1792xi32>
    %shift_right_logical3A_198 = arith.constant 8 : i32
    %shift_right_logical3A_199 = vector.broadcast %shift_right_logical3A_198 : i32 to vector<32x1792xi32>
    %shift_right_logical3A_200 = arith.shrui %xor3A_193, %shift_right_logical3A_199 : vector<32x1792xi32>
    %or3A_201 = arith.ori %shift_left3A_197, %shift_right_logical3A_200 : vector<32x1792xi32>
    %xor3A_202 = arith.xori %add3A_194, %or3A_201 : vector<32x1792xi32>
    %add3A_203 = arith.constant -841280227 : i32
    %add3A_204 = vector.broadcast %add3A_203 : i32 to vector<32x1792xi32>
    %add3A_205 = arith.addi %add3A_194, %add3A_204 : vector<32x1792xi32>
    %add3A_206 = arith.constant -514511540 : i32
    %add3A_207 = vector.broadcast %add3A_206 : i32 to vector<32x1792xi32>
    %add3A_208 = arith.addi %xor3A_202, %add3A_207 : vector<32x1792xi32>
    %add3A_209 = arith.addi %add3A_205, %add3A_208 : vector<32x1792xi32>
    %shift_left3A_210 = arith.constant 13 : i32
    %shift_left3A_211 = vector.broadcast %shift_left3A_210 : i32 to vector<32x1792xi32>
    %shift_left3A_212 = arith.shli %add3A_208, %shift_left3A_211 : vector<32x1792xi32>
    %shift_right_logical3A_213 = arith.constant 19 : i32
    %shift_right_logical3A_214 = vector.broadcast %shift_right_logical3A_213 : i32 to vector<32x1792xi32>
    %shift_right_logical3A_215 = arith.shrui %add3A_208, %shift_right_logical3A_214 : vector<32x1792xi32>
    %or3A_216 = arith.ori %shift_left3A_212, %shift_right_logical3A_215 : vector<32x1792xi32>
    %xor3A_217 = arith.xori %add3A_209, %or3A_216 : vector<32x1792xi32>
    %add3A_218 = arith.addi %add3A_209, %xor3A_217 : vector<32x1792xi32>
    %shift_left3A_219 = arith.constant 15 : i32
    %shift_left3A_220 = vector.broadcast %shift_left3A_219 : i32 to vector<32x1792xi32>
    %shift_left3A_221 = arith.shli %xor3A_217, %shift_left3A_220 : vector<32x1792xi32>
    %shift_right_logical3A_222 = arith.constant 17 : i32
    %shift_right_logical3A_223 = vector.broadcast %shift_right_logical3A_222 : i32 to vector<32x1792xi32>
    %shift_right_logical3A_224 = arith.shrui %xor3A_217, %shift_right_logical3A_223 : vector<32x1792xi32>
    %or3A_225 = arith.ori %shift_left3A_221, %shift_right_logical3A_224 : vector<32x1792xi32>
    %xor3A_226 = arith.xori %add3A_218, %or3A_225 : vector<32x1792xi32>
    %add3A_227 = arith.addi %add3A_218, %xor3A_226 : vector<32x1792xi32>
    %shift_left3A_228 = arith.constant 26 : i32
    %shift_left3A_229 = vector.broadcast %shift_left3A_228 : i32 to vector<32x1792xi32>
    %shift_left3A_230 = arith.shli %xor3A_226, %shift_left3A_229 : vector<32x1792xi32>
    %shift_right_logical3A_231 = arith.constant 6 : i32
    %shift_right_logical3A_232 = vector.broadcast %shift_right_logical3A_231 : i32 to vector<32x1792xi32>
    %shift_right_logical3A_233 = arith.shrui %xor3A_226, %shift_right_logical3A_232 : vector<32x1792xi32>
    %or3A_234 = arith.ori %shift_left3A_230, %shift_right_logical3A_233 : vector<32x1792xi32>
    %xor3A_235 = arith.xori %add3A_227, %or3A_234 : vector<32x1792xi32>
    %add3A_236 = arith.addi %add3A_227, %xor3A_235 : vector<32x1792xi32>
    %shift_left3A_237 = arith.constant 6 : i32
    %shift_left3A_238 = vector.broadcast %shift_left3A_237 : i32 to vector<32x1792xi32>
    %shift_left3A_239 = arith.shli %xor3A_235, %shift_left3A_238 : vector<32x1792xi32>
    %shift_right_logical3A_240 = arith.constant 26 : i32
    %shift_right_logical3A_241 = vector.broadcast %shift_right_logical3A_240 : i32 to vector<32x1792xi32>
    %shift_right_logical3A_242 = arith.shrui %xor3A_235, %shift_right_logical3A_241 : vector<32x1792xi32>
    %or3A_243 = arith.ori %shift_left3A_239, %shift_right_logical3A_242 : vector<32x1792xi32>
    %xor3A_244 = arith.xori %add3A_236, %or3A_243 : vector<32x1792xi32>
    %add3A_245 = arith.constant -514511544 : i32
    %add3A_246 = vector.broadcast %add3A_245 : i32 to vector<32x1792xi32>
    %add3A_247 = arith.addi %add3A_236, %add3A_246 : vector<32x1792xi32>
    %add3A_248 = arith.constant 928981908 : i32
    %add3A_249 = vector.broadcast %add3A_248 : i32 to vector<32x1792xi32>
    %add3A_250 = arith.addi %xor3A_244, %add3A_249 : vector<32x1792xi32>
    %xor3A_251 = arith.xori %add3A_247, %add3A_250 : vector<32x1792xi32>
    %shift_right_logical3A_252 = arith.constant 9 : i32
    %shift_right_logical3A_253 = vector.broadcast %shift_right_logical3A_252 : i32 to vector<32x1792xi32>
    %shift_right_logical3A_254 = arith.shrui %xor3A_251, %shift_right_logical3A_253 : vector<32x1792xi32>
    %or3A_255 = arith.constant 1065353216 : i32
    %or3A_256 = vector.broadcast %or3A_255 : i32 to vector<32x1792xi32>
    %or3A_257 = arith.ori %shift_right_logical3A_254, %or3A_256 : vector<32x1792xi32>
    %bitcast_convert_type3A = tpu.bitcast %or3A_257 : vector<32x1792xi32> -> vector<32x1792xf32>
    %sub3A_258 = arith.constant 1.000000e+00 : f32
    %sub3A_259 = vector.broadcast %sub3A_258 : f32 to vector<32x1792xf32>
    %sub3A_260 = arith.subf %bitcast_convert_type3A, %sub3A_259 : vector<32x1792xf32>
    %log3A = math.log %sub3A_260 : vector<32x1792xf32>
    %neg3A = arith.constant 0.000000e+00 : f32
    %neg3A_261 = vector.broadcast %neg3A : f32 to vector<32x1792xf32>
    %neg3A_262 = arith.subf %neg3A_261, %log3A : vector<32x1792xf32>
    %log3A_263 = math.log %neg3A_262 : vector<32x1792xf32>
    %neg3A_264 = arith.constant 0.000000e+00 : f32
    %neg3A_265 = vector.broadcast %neg3A_264 : f32 to vector<32x1792xf32>
    %neg3A_266 = arith.subf %neg3A_265, %log3A_263 : vector<32x1792xf32>
    %add3A_267 = arith.addf %select_n3A, %neg3A_266 : vector<32x1792xf32>
    %reduce_max3A_268 = arith.constant dense<0xFF800000> : vector<32xf32>
    %reduce_max3A_269 = vector.multi_reduction <maximumf>, %add3A_267, %reduce_max3A_268 [1] : vector<32x1792xf32> to vector<32xf32>
    %broadcast_in_dim3A_270 = vector.shape_cast %reduce_max3A_269 : vector<32xf32> to vector<32x1xf32>
    %get3A_271 = arith.constant 0 : index
    %get3A_272 = arith.constant 0 : index
    %get3A_273 = vector.load %arg7[%get3A_271, %get3A_272] : memref<32x128xf32, #tpu.memory_space<vmem>>, vector<32x128xf32>
    %gt3A = vector.broadcast %broadcast_in_dim3A_270 : vector<32x1xf32> to vector<32x128xf32>
    %gt3A_274 = arith.cmpf ogt, %gt3A, %get3A_273 : vector<32x128xf32>
    %broadcast_in_dim3A_275 = vector.shape_cast %broadcast_in_dim3A_270 : vector<32x1xf32> to vector<32x1xf32>
    %broadcast_in_dim3A_276 = vector.broadcast %broadcast_in_dim3A_275 : vector<32x1xf32> to vector<32x128xf32>
    %select_n3A_277 = arith.select %gt3A_274, %broadcast_in_dim3A_276, %get3A_273 : vector<32x128xi1>, vector<32x128xf32>
    %swap3A_278 = arith.constant 0 : index
    %swap3A_279 = arith.constant 0 : index
    %swap3A_280 = vector.load %arg7[%swap3A_278, %swap3A_279] : memref<32x128xf32, #tpu.memory_space<vmem>>, vector<32x128xf32>
    tpu.vector_store %arg7[%swap3A_278, %swap3A_279], %select_n3A_277 {strides = array<i32>} : memref<32x128xf32, #tpu.memory_space<vmem>>, vector<32x128xf32>,
    %get3A_281 = arith.constant 0 : index
    %get3A_282 = arith.constant 0 : index
    %get3A_283 = vector.load %arg17[%get3A_281, %get3A_282] : memref<32x128xi32, #tpu.memory_space<vmem>>, vector<32x128xi32>
    %broadcast_in_dim3A_284 = vector.broadcast %arg0 : i32 to vector<32x128xi32>
    %select_n3A_285 = arith.select %gt3A_274, %broadcast_in_dim3A_284, %get3A_283 : vector<32x128xi1>, vector<32x128xi32>
    %swap3A_286 = arith.constant 0 : index
    %swap3A_287 = arith.constant 0 : index
    %swap3A_288 = vector.load %arg17[%swap3A_286, %swap3A_287] : memref<32x128xi32, #tpu.memory_space<vmem>>, vector<32x128xi32>
    tpu.vector_store %arg17[%swap3A_286, %swap3A_287], %select_n3A_285 {strides = array<i32>} : memref<32x128xi32, #tpu.memory_space<vmem>>, vector<32x128xi32>,
    %add3A_289 = arith.constant -809280227 : i32
    %add3A_290 = vector.broadcast %add3A_289 : i32 to vector<32x1792xi32>
    %add3A_291 = arith.addi %add3A_39, %add3A_290 : vector<32x1792xi32>
    %broadcast_in_dim3A_292 = arith.constant 928981903 : i32
    %broadcast_in_dim3A_293 = vector.broadcast %broadcast_in_dim3A_292 : i32 to vector<32x1792xi32>
    %add3A_294 = arith.addi %broadcast_in_dim3A_293, %add3A_291 : vector<32x1792xi32>
    %shift_left3A_295 = arith.constant 13 : i32
    %shift_left3A_296 = vector.broadcast %shift_left3A_295 : i32 to vector<32x1792xi32>
    %shift_left3A_297 = arith.shli %add3A_291, %shift_left3A_296 : vector<32x1792xi32>
    %shift_right_logical3A_298 = arith.constant 19 : i32
    %shift_right_logical3A_299 = vector.broadcast %shift_right_logical3A_298 : i32 to vector<32x1792xi32>
    %shift_right_logical3A_300 = arith.shrui %add3A_291, %shift_right_logical3A_299 : vector<32x1792xi32>
    %or3A_301 = arith.ori %shift_left3A_297, %shift_right_logical3A_300 : vector<32x1792xi32>
    %xor3A_302 = arith.xori %add3A_294, %or3A_301 : vector<32x1792xi32>
    %add3A_303 = arith.addi %add3A_294, %xor3A_302 : vector<32x1792xi32>
    %shift_left3A_304 = arith.constant 15 : i32
    %shift_left3A_305 = vector.broadcast %shift_left3A_304 : i32 to vector<32x1792xi32>
    %shift_left3A_306 = arith.shli %xor3A_302, %shift_left3A_305 : vector<32x1792xi32>
    %shift_right_logical3A_307 = arith.constant 17 : i32
    %shift_right_logical3A_308 = vector.broadcast %shift_right_logical3A_307 : i32 to vector<32x1792xi32>
    %shift_right_logical3A_309 = arith.shrui %xor3A_302, %shift_right_logical3A_308 : vector<32x1792xi32>
    %or3A_310 = arith.ori %shift_left3A_306, %shift_right_logical3A_309 : vector<32x1792xi32>
    %xor3A_311 = arith.xori %add3A_303, %or3A_310 : vector<32x1792xi32>
    %add3A_312 = arith.addi %add3A_303, %xor3A_311 : vector<32x1792xi32>
    %shift_left3A_313 = arith.constant 26 : i32
    %shift_left3A_314 = vector.broadcast %shift_left3A_313 : i32 to vector<32x1792xi32>
    %shift_left3A_315 = arith.shli %xor3A_311, %shift_left3A_314 : vector<32x1792xi32>
    %shift_right_logical3A_316 = arith.constant 6 : i32
    %shift_right_logical3A_317 = vector.broadcast %shift_right_logical3A_316 : i32 to vector<32x1792xi32>
    %shift_right_logical3A_318 = arith.shrui %xor3A_311, %shift_right_logical3A_317 : vector<32x1792xi32>
    %or3A_319 = arith.ori %shift_left3A_315, %shift_right_logical3A_318 : vector<32x1792xi32>
    %xor3A_320 = arith.xori %add3A_312, %or3A_319 : vector<32x1792xi32>
    %add3A_321 = arith.addi %add3A_312, %xor3A_320 : vector<32x1792xi32>
    %shift_left3A_322 = arith.constant 6 : i32
    %shift_left3A_323 = vector.broadcast %shift_left3A_322 : i32 to vector<32x1792xi32>
    %shift_left3A_324 = arith.shli %xor3A_320, %shift_left3A_323 : vector<32x1792xi32>
    %shift_right_logical3A_325 = arith.constant 26 : i32
    %shift_right_logical3A_326 = vector.broadcast %shift_right_logical3A_325 : i32 to vector<32x1792xi32>
    %shift_right_logical3A_327 = arith.shrui %xor3A_320, %shift_right_logical3A_326 : vector<32x1792xi32>
    %or3A_328 = arith.ori %shift_left3A_324, %shift_right_logical3A_327 : vector<32x1792xi32>
    %xor3A_329 = arith.xori %add3A_321, %or3A_328 : vector<32x1792xi32>
    %add3A_330 = arith.constant -841280227 : i32
    %add3A_331 = vector.broadcast %add3A_330 : i32 to vector<32x1792xi32>
    %add3A_332 = arith.addi %add3A_321, %add3A_331 : vector<32x1792xi32>
    %add3A_333 = arith.constant -514511543 : i32
    %add3A_334 = vector.broadcast %add3A_333 : i32 to vector<32x1792xi32>
    %add3A_335 = arith.addi %xor3A_329, %add3A_334 : vector<32x1792xi32>
    %add3A_336 = arith.addi %add3A_332, %add3A_335 : vector<32x1792xi32>
    %shift_left3A_337 = arith.constant 17 : i32
    %shift_left3A_338 = vector.broadcast %shift_left3A_337 : i32 to vector<32x1792xi32>
    %shift_left3A_339 = arith.shli %add3A_335, %shift_left3A_338 : vector<32x1792xi32>
    %shift_right_logical3A_340 = arith.constant 15 : i32
    %shift_right_logical3A_341 = vector.broadcast %shift_right_logical3A_340 : i32 to vector<32x1792xi32>
    %shift_right_logical3A_342 = arith.shrui %add3A_335, %shift_right_logical3A_341 : vector<32x1792xi32>
    %or3A_343 = arith.ori %shift_left3A_339, %shift_right_logical3A_342 : vector<32x1792xi32>
    %xor3A_344 = arith.xori %add3A_336, %or3A_343 : vector<32x1792xi32>
    %add3A_345 = arith.addi %add3A_336, %xor3A_344 : vector<32x1792xi32>
    %shift_left3A_346 = arith.constant 29 : i32
    %shift_left3A_347 = vector.broadcast %shift_left3A_346 : i32 to vector<32x1792xi32>
    %shift_left3A_348 = arith.shli %xor3A_344, %shift_left3A_347 : vector<32x1792xi32>
    %shift_right_logical3A_349 = arith.constant 3 : i32
    %shift_right_logical3A_350 = vector.broadcast %shift_right_logical3A_349 : i32 to vector<32x1792xi32>
    %shift_right_logical3A_351 = arith.shrui %xor3A_344, %shift_right_logical3A_350 : vector<32x1792xi32>
    %or3A_352 = arith.ori %shift_left3A_348, %shift_right_logical3A_351 : vector<32x1792xi32>
    %xor3A_353 = arith.xori %add3A_345, %or3A_352 : vector<32x1792xi32>
    %add3A_354 = arith.addi %add3A_345, %xor3A_353 : vector<32x1792xi32>
    %shift_left3A_355 = arith.constant 16 : i32
    %shift_left3A_356 = vector.broadcast %shift_left3A_355 : i32 to vector<32x1792xi32>
    %shift_left3A_357 = arith.shli %xor3A_353, %shift_left3A_356 : vector<32x1792xi32>
    %shift_right_logical3A_358 = arith.constant 16 : i32
    %shift_right_logical3A_359 = vector.broadcast %shift_right_logical3A_358 : i32 to vector<32x1792xi32>
    %shift_right_logical3A_360 = arith.shrui %xor3A_353, %shift_right_logical3A_359 : vector<32x1792xi32>
    %or3A_361 = arith.ori %shift_left3A_357, %shift_right_logical3A_360 : vector<32x1792xi32>
    %xor3A_362 = arith.xori %add3A_354, %or3A_361 : vector<32x1792xi32>
    %add3A_363 = arith.addi %add3A_354, %xor3A_362 : vector<32x1792xi32>
    %shift_left3A_364 = arith.constant 24 : i32
    %shift_left3A_365 = vector.broadcast %shift_left3A_364 : i32 to vector<32x1792xi32>
    %shift_left3A_366 = arith.shli %xor3A_362, %shift_left3A_365 : vector<32x1792xi32>
    %shift_right_logical3A_367 = arith.constant 8 : i32
    %shift_right_logical3A_368 = vector.broadcast %shift_right_logical3A_367 : i32 to vector<32x1792xi32>
    %shift_right_logical3A_369 = arith.shrui %xor3A_362, %shift_right_logical3A_368 : vector<32x1792xi32>
    %or3A_370 = arith.ori %shift_left3A_366, %shift_right_logical3A_369 : vector<32x1792xi32>
    %xor3A_371 = arith.xori %add3A_363, %or3A_370 : vector<32x1792xi32>
    %add3A_372 = arith.constant -514511544 : i32
    %add3A_373 = vector.broadcast %add3A_372 : i32 to vector<32x1792xi32>
    %add3A_374 = arith.addi %add3A_363, %add3A_373 : vector<32x1792xi32>
    %add3A_375 = arith.constant 928981905 : i32
    %add3A_376 = vector.broadcast %add3A_375 : i32 to vector<32x1792xi32>
    %add3A_377 = arith.addi %xor3A_371, %add3A_376 : vector<32x1792xi32>
    %add3A_378 = arith.addi %add3A_374, %add3A_377 : vector<32x1792xi32>
    %shift_left3A_379 = arith.constant 13 : i32
    %shift_left3A_380 = vector.broadcast %shift_left3A_379 : i32 to vector<32x1792xi32>
    %shift_left3A_381 = arith.shli %add3A_377, %shift_left3A_380 : vector<32x1792xi32>
    %shift_right_logical3A_382 = arith.constant 19 : i32
    %shift_right_logical3A_383 = vector.broadcast %shift_right_logical3A_382 : i32 to vector<32x1792xi32>
    %shift_right_logical3A_384 = arith.shrui %add3A_377, %shift_right_logical3A_383 : vector<32x1792xi32>
    %or3A_385 = arith.ori %shift_left3A_381, %shift_right_logical3A_384 : vector<32x1792xi32>
    %xor3A_386 = arith.xori %add3A_378, %or3A_385 : vector<32x1792xi32>
    %add3A_387 = arith.addi %add3A_378, %xor3A_386 : vector<32x1792xi32>
    %shift_left3A_388 = arith.constant 15 : i32
    %shift_left3A_389 = vector.broadcast %shift_left3A_388 : i32 to vector<32x1792xi32>
    %shift_left3A_390 = arith.shli %xor3A_386, %shift_left3A_389 : vector<32x1792xi32>
    %shift_right_logical3A_391 = arith.constant 17 : i32
    %shift_right_logical3A_392 = vector.broadcast %shift_right_logical3A_391 : i32 to vector<32x1792xi32>
    %shift_right_logical3A_393 = arith.shrui %xor3A_386, %shift_right_logical3A_392 : vector<32x1792xi32>
    %or3A_394 = arith.ori %shift_left3A_390, %shift_right_logical3A_393 : vector<32x1792xi32>
    %xor3A_395 = arith.xori %add3A_387, %or3A_394 : vector<32x1792xi32>
    %add3A_396 = arith.addi %add3A_387, %xor3A_395 : vector<32x1792xi32>
    %shift_left3A_397 = arith.constant 26 : i32
    %shift_left3A_398 = vector.broadcast %shift_left3A_397 : i32 to vector<32x1792xi32>
    %shift_left3A_399 = arith.shli %xor3A_395, %shift_left3A_398 : vector<32x1792xi32>
    %shift_right_logical3A_400 = arith.constant 6 : i32
    %shift_right_logical3A_401 = vector.broadcast %shift_right_logical3A_400 : i32 to vector<32x1792xi32>
    %shift_right_logical3A_402 = arith.shrui %xor3A_395, %shift_right_logical3A_401 : vector<32x1792xi32>
    %or3A_403 = arith.ori %shift_left3A_399, %shift_right_logical3A_402 : vector<32x1792xi32>
    %xor3A_404 = arith.xori %add3A_396, %or3A_403 : vector<32x1792xi32>
    %add3A_405 = arith.addi %add3A_396, %xor3A_404 : vector<32x1792xi32>
    %shift_left3A_406 = arith.constant 6 : i32
    %shift_left3A_407 = vector.broadcast %shift_left3A_406 : i32 to vector<32x1792xi32>
    %shift_left3A_408 = arith.shli %xor3A_404, %shift_left3A_407 : vector<32x1792xi32>
    %shift_right_logical3A_409 = arith.constant 26 : i32
    %shift_right_logical3A_410 = vector.broadcast %shift_right_logical3A_409 : i32 to vector<32x1792xi32>
    %shift_right_logical3A_411 = arith.shrui %xor3A_404, %shift_right_logical3A_410 : vector<32x1792xi32>
    %or3A_412 = arith.ori %shift_left3A_408, %shift_right_logical3A_411 : vector<32x1792xi32>
    %xor3A_413 = arith.xori %add3A_405, %or3A_412 : vector<32x1792xi32>
    %add3A_414 = arith.constant 928981903 : i32
    %add3A_415 = vector.broadcast %add3A_414 : i32 to vector<32x1792xi32>
    %add3A_416 = arith.addi %add3A_405, %add3A_415 : vector<32x1792xi32>
    %add3A_417 = arith.constant -841280224 : i32
    %add3A_418 = vector.broadcast %add3A_417 : i32 to vector<32x1792xi32>
    %add3A_419 = arith.addi %xor3A_413, %add3A_418 : vector<32x1792xi32>
    %add3A_420 = arith.addi %add3A_416, %add3A_419 : vector<32x1792xi32>
    %shift_left3A_421 = arith.constant 17 : i32
    %shift_left3A_422 = vector.broadcast %shift_left3A_421 : i32 to vector<32x1792xi32>
    %shift_left3A_423 = arith.shli %add3A_419, %shift_left3A_422 : vector<32x1792xi32>
    %shift_right_logical3A_424 = arith.constant 15 : i32
    %shift_right_logical3A_425 = vector.broadcast %shift_right_logical3A_424 : i32 to vector<32x1792xi32>
    %shift_right_logical3A_426 = arith.shrui %add3A_419, %shift_right_logical3A_425 : vector<32x1792xi32>
    %or3A_427 = arith.ori %shift_left3A_423, %shift_right_logical3A_426 : vector<32x1792xi32>
    %xor3A_428 = arith.xori %add3A_420, %or3A_427 : vector<32x1792xi32>
    %add3A_429 = arith.addi %add3A_420, %xor3A_428 : vector<32x1792xi32>
    %shift_left3A_430 = arith.constant 29 : i32
    %shift_left3A_431 = vector.broadcast %shift_left3A_430 : i32 to vector<32x1792xi32>
    %shift_left3A_432 = arith.shli %xor3A_428, %shift_left3A_431 : vector<32x1792xi32>
    %shift_right_logical3A_433 = arith.constant 3 : i32
    %shift_right_logical3A_434 = vector.broadcast %shift_right_logical3A_433 : i32 to vector<32x1792xi32>
    %shift_right_logical3A_435 = arith.shrui %xor3A_428, %shift_right_logical3A_434 : vector<32x1792xi32>
    %or3A_436 = arith.ori %shift_left3A_432, %shift_right_logical3A_435 : vector<32x1792xi32>
    %xor3A_437 = arith.xori %add3A_429, %or3A_436 : vector<32x1792xi32>
    %add3A_438 = arith.addi %add3A_429, %xor3A_437 : vector<32x1792xi32>
    %shift_left3A_439 = arith.constant 16 : i32
    %shift_left3A_440 = vector.broadcast %shift_left3A_439 : i32 to vector<32x1792xi32>
    %shift_left3A_441 = arith.shli %xor3A_437, %shift_left3A_440 : vector<32x1792xi32>
    %shift_right_logical3A_442 = arith.constant 16 : i32
    %shift_right_logical3A_443 = vector.broadcast %shift_right_logical3A_442 : i32 to vector<32x1792xi32>
    %shift_right_logical3A_444 = arith.shrui %xor3A_437, %shift_right_logical3A_443 : vector<32x1792xi32>
    %or3A_445 = arith.ori %shift_left3A_441, %shift_right_logical3A_444 : vector<32x1792xi32>
    %xor3A_446 = arith.xori %add3A_438, %or3A_445 : vector<32x1792xi32>
    %add3A_447 = arith.addi %add3A_438, %xor3A_446 : vector<32x1792xi32>
    %shift_left3A_448 = arith.constant 24 : i32
    %shift_left3A_449 = vector.broadcast %shift_left3A_448 : i32 to vector<32x1792xi32>
    %shift_left3A_450 = arith.shli %xor3A_446, %shift_left3A_449 : vector<32x1792xi32>
    %shift_right_logical3A_451 = arith.constant 8 : i32
    %shift_right_logical3A_452 = vector.broadcast %shift_right_logical3A_451 : i32 to vector<32x1792xi32>
    %shift_right_logical3A_453 = arith.shrui %xor3A_446, %shift_right_logical3A_452 : vector<32x1792xi32>
    %or3A_454 = arith.ori %shift_left3A_450, %shift_right_logical3A_453 : vector<32x1792xi32>
    %xor3A_455 = arith.xori %add3A_447, %or3A_454 : vector<32x1792xi32>
    %add3A_456 = arith.constant -841280227 : i32
    %add3A_457 = vector.broadcast %add3A_456 : i32 to vector<32x1792xi32>
    %add3A_458 = arith.addi %add3A_447, %add3A_457 : vector<32x1792xi32>
    %add3A_459 = arith.constant -514511540 : i32
    %add3A_460 = vector.broadcast %add3A_459 : i32 to vector<32x1792xi32>
    %add3A_461 = arith.addi %xor3A_455, %add3A_460 : vector<32x1792xi32>
    %add3A_462 = arith.addi %add3A_458, %add3A_461 : vector<32x1792xi32>
    %shift_left3A_463 = arith.constant 13 : i32
    %shift_left3A_464 = vector.broadcast %shift_left3A_463 : i32 to vector<32x1792xi32>
    %shift_left3A_465 = arith.shli %add3A_461, %shift_left3A_464 : vector<32x1792xi32>
    %shift_right_logical3A_466 = arith.constant 19 : i32
    %shift_right_logical3A_467 = vector.broadcast %shift_right_logical3A_466 : i32 to vector<32x1792xi32>
    %shift_right_logical3A_468 = arith.shrui %add3A_461, %shift_right_logical3A_467 : vector<32x1792xi32>
    %or3A_469 = arith.ori %shift_left3A_465, %shift_right_logical3A_468 : vector<32x1792xi32>
    %xor3A_470 = arith.xori %add3A_462, %or3A_469 : vector<32x1792xi32>
    %add3A_471 = arith.addi %add3A_462, %xor3A_470 : vector<32x1792xi32>
    %shift_left3A_472 = arith.constant 15 : i32
    %shift_left3A_473 = vector.broadcast %shift_left3A_472 : i32 to vector<32x1792xi32>
    %shift_left3A_474 = arith.shli %xor3A_470, %shift_left3A_473 : vector<32x1792xi32>
    %shift_right_logical3A_475 = arith.constant 17 : i32
    %shift_right_logical3A_476 = vector.broadcast %shift_right_logical3A_475 : i32 to vector<32x1792xi32>
    %shift_right_logical3A_477 = arith.shrui %xor3A_470, %shift_right_logical3A_476 : vector<32x1792xi32>
    %or3A_478 = arith.ori %shift_left3A_474, %shift_right_logical3A_477 : vector<32x1792xi32>
    %xor3A_479 = arith.xori %add3A_471, %or3A_478 : vector<32x1792xi32>
    %add3A_480 = arith.addi %add3A_471, %xor3A_479 : vector<32x1792xi32>
    %shift_left3A_481 = arith.constant 26 : i32
    %shift_left3A_482 = vector.broadcast %shift_left3A_481 : i32 to vector<32x1792xi32>
    %shift_left3A_483 = arith.shli %xor3A_479, %shift_left3A_482 : vector<32x1792xi32>
    %shift_right_logical3A_484 = arith.constant 6 : i32
    %shift_right_logical3A_485 = vector.broadcast %shift_right_logical3A_484 : i32 to vector<32x1792xi32>
    %shift_right_logical3A_486 = arith.shrui %xor3A_479, %shift_right_logical3A_485 : vector<32x1792xi32>
    %or3A_487 = arith.ori %shift_left3A_483, %shift_right_logical3A_486 : vector<32x1792xi32>
    %xor3A_488 = arith.xori %add3A_480, %or3A_487 : vector<32x1792xi32>
    %add3A_489 = arith.addi %add3A_480, %xor3A_488 : vector<32x1792xi32>
    %shift_left3A_490 = arith.constant 6 : i32
    %shift_left3A_491 = vector.broadcast %shift_left3A_490 : i32 to vector<32x1792xi32>
    %shift_left3A_492 = arith.shli %xor3A_488, %shift_left3A_491 : vector<32x1792xi32>
    %shift_right_logical3A_493 = arith.constant 26 : i32
    %shift_right_logical3A_494 = vector.broadcast %shift_right_logical3A_493 : i32 to vector<32x1792xi32>
    %shift_right_logical3A_495 = arith.shrui %xor3A_488, %shift_right_logical3A_494 : vector<32x1792xi32>
    %or3A_496 = arith.ori %shift_left3A_492, %shift_right_logical3A_495 : vector<32x1792xi32>
    %xor3A_497 = arith.xori %add3A_489, %or3A_496 : vector<32x1792xi32>
    %add3A_498 = arith.constant -514511544 : i32
    %add3A_499 = vector.broadcast %add3A_498 : i32 to vector<32x1792xi32>
    %add3A_500 = arith.addi %add3A_489, %add3A_499 : vector<32x1792xi32>
    %add3A_501 = arith.constant 928981908 : i32
    %add3A_502 = vector.broadcast %add3A_501 : i32 to vector<32x1792xi32>
    %add3A_503 = arith.addi %xor3A_497, %add3A_502 : vector<32x1792xi32>
    %xor3A_504 = arith.xori %add3A_500, %add3A_503 : vector<32x1792xi32>
    %shift_right_logical3A_505 = arith.constant 9 : i32
    %shift_right_logical3A_506 = vector.broadcast %shift_right_logical3A_505 : i32 to vector<32x1792xi32>
    %shift_right_logical3A_507 = arith.shrui %xor3A_504, %shift_right_logical3A_506 : vector<32x1792xi32>
    %or3A_508 = arith.constant 1065353216 : i32
    %or3A_509 = vector.broadcast %or3A_508 : i32 to vector<32x1792xi32>
    %or3A_510 = arith.ori %shift_right_logical3A_507, %or3A_509 : vector<32x1792xi32>
    %bitcast_convert_type3A_511 = tpu.bitcast %or3A_510 : vector<32x1792xi32> -> vector<32x1792xf32>
    %sub3A_512 = arith.constant 1.000000e+00 : f32
    %sub3A_513 = vector.broadcast %sub3A_512 : f32 to vector<32x1792xf32>
    %sub3A_514 = arith.subf %bitcast_convert_type3A_511, %sub3A_513 : vector<32x1792xf32>
    %log3A_515 = math.log %sub3A_514 : vector<32x1792xf32>
    %neg3A_516 = arith.constant 0.000000e+00 : f32
    %neg3A_517 = vector.broadcast %neg3A_516 : f32 to vector<32x1792xf32>
    %neg3A_518 = arith.subf %neg3A_517, %log3A_515 : vector<32x1792xf32>
    %log3A_519 = math.log %neg3A_518 : vector<32x1792xf32>
    %neg3A_520 = arith.constant 0.000000e+00 : f32
    %neg3A_521 = vector.broadcast %neg3A_520 : f32 to vector<32x1792xf32>
    %neg3A_522 = arith.subf %neg3A_521, %log3A_519 : vector<32x1792xf32>
    %add3A_523 = arith.addf %select_n3A, %neg3A_522 : vector<32x1792xf32>
    %reduce_max3A_524 = arith.constant dense<0xFF800000> : vector<32xf32>
    %reduce_max3A_525 = vector.multi_reduction <maximumf>, %add3A_523, %reduce_max3A_524 [1] : vector<32x1792xf32> to vector<32xf32>
    %broadcast_in_dim3A_526 = vector.shape_cast %reduce_max3A_525 : vector<32xf32> to vector<32x1xf32>
    %get3A_527 = arith.constant 0 : index
    %get3A_528 = arith.constant 0 : index
    %get3A_529 = vector.load %arg8[%get3A_527, %get3A_528] : memref<32x128xf32, #tpu.memory_space<vmem>>, vector<32x128xf32>
    %gt3A_530 = vector.broadcast %broadcast_in_dim3A_526 : vector<32x1xf32> to vector<32x128xf32>
    %gt3A_531 = arith.cmpf ogt, %gt3A_530, %get3A_529 : vector<32x128xf32>
    %broadcast_in_dim3A_532 = vector.shape_cast %broadcast_in_dim3A_526 : vector<32x1xf32> to vector<32x1xf32>
    %broadcast_in_dim3A_533 = vector.broadcast %broadcast_in_dim3A_532 : vector<32x1xf32> to vector<32x128xf32>
    %select_n3A_534 = arith.select %gt3A_531, %broadcast_in_dim3A_533, %get3A_529 : vector<32x128xi1>, vector<32x128xf32>
    %swap3A_535 = arith.constant 0 : index
    %swap3A_536 = arith.constant 0 : index
    %swap3A_537 = vector.load %arg8[%swap3A_535, %swap3A_536] : memref<32x128xf32, #tpu.memory_space<vmem>>, vector<32x128xf32>
    tpu.vector_store %arg8[%swap3A_535, %swap3A_536], %select_n3A_534 {strides = array<i32>} : memref<32x128xf32, #tpu.memory_space<vmem>>, vector<32x128xf32>,
    %get3A_538 = arith.constant 0 : index
    %get3A_539 = arith.constant 0 : index
    %get3A_540 = vector.load %arg18[%get3A_538, %get3A_539] : memref<32x128xi32, #tpu.memory_space<vmem>>, vector<32x128xi32>
    %broadcast_in_dim3A_541 = vector.broadcast %arg0 : i32 to vector<32x128xi32>
    %select_n3A_542 = arith.select %gt3A_531, %broadcast_in_dim3A_541, %get3A_540 : vector<32x128xi1>, vector<32x128xi32>
    %swap3A_543 = arith.constant 0 : index
    %swap3A_544 = arith.constant 0 : index
    %swap3A_545 = vector.load %arg18[%swap3A_543, %swap3A_544] : memref<32x128xi32, #tpu.memory_space<vmem>>, vector<32x128xi32>
    tpu.vector_store %arg18[%swap3A_543, %swap3A_544], %select_n3A_542 {strides = array<i32>} : memref<32x128xi32, #tpu.memory_space<vmem>>, vector<32x128xi32>,
    %add3A_546 = arith.constant -777280227 : i32
    %add3A_547 = vector.broadcast %add3A_546 : i32 to vector<32x1792xi32>
    %add3A_548 = arith.addi %add3A_39, %add3A_547 : vector<32x1792xi32>
    %broadcast_in_dim3A_549 = arith.constant 928981903 : i32
    %broadcast_in_dim3A_550 = vector.broadcast %broadcast_in_dim3A_549 : i32 to vector<32x1792xi32>
    %add3A_551 = arith.addi %broadcast_in_dim3A_550, %add3A_548 : vector<32x1792xi32>
    %shift_left3A_552 = arith.constant 13 : i32
    %shift_left3A_553 = vector.broadcast %shift_left3A_552 : i32 to vector<32x1792xi32>
    %shift_left3A_554 = arith.shli %add3A_548, %shift_left3A_553 : vector<32x1792xi32>
    %shift_right_logical3A_555 = arith.constant 19 : i32
    %shift_right_logical3A_556 = vector.broadcast %shift_right_logical3A_555 : i32 to vector<32x1792xi32>
    %shift_right_logical3A_557 = arith.shrui %add3A_548, %shift_right_logical3A_556 : vector<32x1792xi32>
    %or3A_558 = arith.ori %shift_left3A_554, %shift_right_logical3A_557 : vector<32x1792xi32>
    %xor3A_559 = arith.xori %add3A_551, %or3A_558 : vector<32x1792xi32>
    %add3A_560 = arith.addi %add3A_551, %xor3A_559 : vector<32x1792xi32>
    %shift_left3A_561 = arith.constant 15 : i32
    %shift_left3A_562 = vector.broadcast %shift_left3A_561 : i32 to vector<32x1792xi32>
    %shift_left3A_563 = arith.shli %xor3A_559, %shift_left3A_562 : vector<32x1792xi32>
    %shift_right_logical3A_564 = arith.constant 17 : i32
    %shift_right_logical3A_565 = vector.broadcast %shift_right_logical3A_564 : i32 to vector<32x1792xi32>
    %shift_right_logical3A_566 = arith.shrui %xor3A_559, %shift_right_logical3A_565 : vector<32x1792xi32>
    %or3A_567 = arith.ori %shift_left3A_563, %shift_right_logical3A_566 : vector<32x1792xi32>
    %xor3A_568 = arith.xori %add3A_560, %or3A_567 : vector<32x1792xi32>
    %add3A_569 = arith.addi %add3A_560, %xor3A_568 : vector<32x1792xi32>
    %shift_left3A_570 = arith.constant 26 : i32
    %shift_left3A_571 = vector.broadcast %shift_left3A_570 : i32 to vector<32x1792xi32>
    %shift_left3A_572 = arith.shli %xor3A_568, %shift_left3A_571 : vector<32x1792xi32>
    %shift_right_logical3A_573 = arith.constant 6 : i32
    %shift_right_logical3A_574 = vector.broadcast %shift_right_logical3A_573 : i32 to vector<32x1792xi32>
    %shift_right_logical3A_575 = arith.shrui %xor3A_568, %shift_right_logical3A_574 : vector<32x1792xi32>
    %or3A_576 = arith.ori %shift_left3A_572, %shift_right_logical3A_575 : vector<32x1792xi32>
    %xor3A_577 = arith.xori %add3A_569, %or3A_576 : vector<32x1792xi32>
    %add3A_578 = arith.addi %add3A_569, %xor3A_577 : vector<32x1792xi32>
    %shift_left3A_579 = arith.constant 6 : i32
    %shift_left3A_580 = vector.broadcast %shift_left3A_579 : i32 to vector<32x1792xi32>
    %shift_left3A_581 = arith.shli %xor3A_577, %shift_left3A_580 : vector<32x1792xi32>
    %shift_right_logical3A_582 = arith.constant 26 : i32
    %shift_right_logical3A_583 = vector.broadcast %shift_right_logical3A_582 : i32 to vector<32x1792xi32>
    %shift_right_logical3A_584 = arith.shrui %xor3A_577, %shift_right_logical3A_583 : vector<32x1792xi32>
    %or3A_585 = arith.ori %shift_left3A_581, %shift_right_logical3A_584 : vector<32x1792xi32>
    %xor3A_586 = arith.xori %add3A_578, %or3A_585 : vector<32x1792xi32>
    %add3A_587 = arith.constant -841280227 : i32
    %add3A_588 = vector.broadcast %add3A_587 : i32 to vector<32x1792xi32>
    %add3A_589 = arith.addi %add3A_578, %add3A_588 : vector<32x1792xi32>
    %add3A_590 = arith.constant -514511543 : i32
    %add3A_591 = vector.broadcast %add3A_590 : i32 to vector<32x1792xi32>
    %add3A_592 = arith.addi %xor3A_586, %add3A_591 : vector<32x1792xi32>
    %add3A_593 = arith.addi %add3A_589, %add3A_592 : vector<32x1792xi32>
    %shift_left3A_594 = arith.constant 17 : i32
    %shift_left3A_595 = vector.broadcast %shift_left3A_594 : i32 to vector<32x1792xi32>
    %shift_left3A_596 = arith.shli %add3A_592, %shift_left3A_595 : vector<32x1792xi32>
    %shift_right_logical3A_597 = arith.constant 15 : i32
    %shift_right_logical3A_598 = vector.broadcast %shift_right_logical3A_597 : i32 to vector<32x1792xi32>
    %shift_right_logical3A_599 = arith.shrui %add3A_592, %shift_right_logical3A_598 : vector<32x1792xi32>
    %or3A_600 = arith.ori %shift_left3A_596, %shift_right_logical3A_599 : vector<32x1792xi32>
    %xor3A_601 = arith.xori %add3A_593, %or3A_600 : vector<32x1792xi32>
    %add3A_602 = arith.addi %add3A_593, %xor3A_601 : vector<32x1792xi32>
    %shift_left3A_603 = arith.constant 29 : i32
    %shift_left3A_604 = vector.broadcast %shift_left3A_603 : i32 to vector<32x1792xi32>
    %shift_left3A_605 = arith.shli %xor3A_601, %shift_left3A_604 : vector<32x1792xi32>
    %shift_right_logical3A_606 = arith.constant 3 : i32
    %shift_right_logical3A_607 = vector.broadcast %shift_right_logical3A_606 : i32 to vector<32x1792xi32>
    %shift_right_logical3A_608 = arith.shrui %xor3A_601, %shift_right_logical3A_607 : vector<32x1792xi32>
    %or3A_609 = arith.ori %shift_left3A_605, %shift_right_logical3A_608 : vector<32x1792xi32>
    %xor3A_610 = arith.xori %add3A_602, %or3A_609 : vector<32x1792xi32>
    %add3A_611 = arith.addi %add3A_602, %xor3A_610 : vector<32x1792xi32>
    %shift_left3A_612 = arith.constant 16 : i32
    %shift_left3A_613 = vector.broadcast %shift_left3A_612 : i32 to vector<32x1792xi32>
    %shift_left3A_614 = arith.shli %xor3A_610, %shift_left3A_613 : vector<32x1792xi32>
    %shift_right_logical3A_615 = arith.constant 16 : i32
    %shift_right_logical3A_616 = vector.broadcast %shift_right_logical3A_615 : i32 to vector<32x1792xi32>
    %shift_right_logical3A_617 = arith.shrui %xor3A_610, %shift_right_logical3A_616 : vector<32x1792xi32>
    %or3A_618 = arith.ori %shift_left3A_614, %shift_right_logical3A_617 : vector<32x1792xi32>
    %xor3A_619 = arith.xori %add3A_611, %or3A_618 : vector<32x1792xi32>
    %add3A_620 = arith.addi %add3A_611, %xor3A_619 : vector<32x1792xi32>
    %shift_left3A_621 = arith.constant 24 : i32
    %shift_left3A_622 = vector.broadcast %shift_left3A_621 : i32 to vector<32x1792xi32>
    %shift_left3A_623 = arith.shli %xor3A_619, %shift_left3A_622 : vector<32x1792xi32>
    %shift_right_logical3A_624 = arith.constant 8 : i32
    %shift_right_logical3A_625 = vector.broadcast %shift_right_logical3A_624 : i32 to vector<32x1792xi32>
    %shift_right_logical3A_626 = arith.shrui %xor3A_619, %shift_right_logical3A_625 : vector<32x1792xi32>
    %or3A_627 = arith.ori %shift_left3A_623, %shift_right_logical3A_626 : vector<32x1792xi32>
    %xor3A_628 = arith.xori %add3A_620, %or3A_627 : vector<32x1792xi32>
    %add3A_629 = arith.constant -514511544 : i32
    %add3A_630 = vector.broadcast %add3A_629 : i32 to vector<32x1792xi32>
    %add3A_631 = arith.addi %add3A_620, %add3A_630 : vector<32x1792xi32>
    %add3A_632 = arith.constant 928981905 : i32
    %add3A_633 = vector.broadcast %add3A_632 : i32 to vector<32x1792xi32>
    %add3A_634 = arith.addi %xor3A_628, %add3A_633 : vector<32x1792xi32>
    %add3A_635 = arith.addi %add3A_631, %add3A_634 : vector<32x1792xi32>
    %shift_left3A_636 = arith.constant 13 : i32
    %shift_left3A_637 = vector.broadcast %shift_left3A_636 : i32 to vector<32x1792xi32>
    %shift_left3A_638 = arith.shli %add3A_634, %shift_left3A_637 : vector<32x1792xi32>
    %shift_right_logical3A_639 = arith.constant 19 : i32
    %shift_right_logical3A_640 = vector.broadcast %shift_right_logical3A_639 : i32 to vector<32x1792xi32>
    %shift_right_logical3A_641 = arith.shrui %add3A_634, %shift_right_logical3A_640 : vector<32x1792xi32>
    %or3A_642 = arith.ori %shift_left3A_638, %shift_right_logical3A_641 : vector<32x1792xi32>
    %xor3A_643 = arith.xori %add3A_635, %or3A_642 : vector<32x1792xi32>
    %add3A_644 = arith.addi %add3A_635, %xor3A_643 : vector<32x1792xi32>
    %shift_left3A_645 = arith.constant 15 : i32
    %shift_left3A_646 = vector.broadcast %shift_left3A_645 : i32 to vector<32x1792xi32>
    %shift_left3A_647 = arith.shli %xor3A_643, %shift_left3A_646 : vector<32x1792xi32>
    %shift_right_logical3A_648 = arith.constant 17 : i32
    %shift_right_logical3A_649 = vector.broadcast %shift_right_logical3A_648 : i32 to vector<32x1792xi32>
    %shift_right_logical3A_650 = arith.shrui %xor3A_643, %shift_right_logical3A_649 : vector<32x1792xi32>
    %or3A_651 = arith.ori %shift_left3A_647, %shift_right_logical3A_650 : vector<32x1792xi32>
    %xor3A_652 = arith.xori %add3A_644, %or3A_651 : vector<32x1792xi32>
    %add3A_653 = arith.addi %add3A_644, %xor3A_652 : vector<32x1792xi32>
    %shift_left3A_654 = arith.constant 26 : i32
    %shift_left3A_655 = vector.broadcast %shift_left3A_654 : i32 to vector<32x1792xi32>
    %shift_left3A_656 = arith.shli %xor3A_652, %shift_left3A_655 : vector<32x1792xi32>
    %shift_right_logical3A_657 = arith.constant 6 : i32
    %shift_right_logical3A_658 = vector.broadcast %shift_right_logical3A_657 : i32 to vector<32x1792xi32>
    %shift_right_logical3A_659 = arith.shrui %xor3A_652, %shift_right_logical3A_658 : vector<32x1792xi32>
    %or3A_660 = arith.ori %shift_left3A_656, %shift_right_logical3A_659 : vector<32x1792xi32>
    %xor3A_661 = arith.xori %add3A_653, %or3A_660 : vector<32x1792xi32>
    %add3A_662 = arith.addi %add3A_653, %xor3A_661 : vector<32x1792xi32>
    %shift_left3A_663 = arith.constant 6 : i32
    %shift_left3A_664 = vector.broadcast %shift_left3A_663 : i32 to vector<32x1792xi32>
    %shift_left3A_665 = arith.shli %xor3A_661, %shift_left3A_664 : vector<32x1792xi32>
    %shift_right_logical3A_666 = arith.constant 26 : i32
    %shift_right_logical3A_667 = vector.broadcast %shift_right_logical3A_666 : i32 to vector<32x1792xi32>
    %shift_right_logical3A_668 = arith.shrui %xor3A_661, %shift_right_logical3A_667 : vector<32x1792xi32>
    %or3A_669 = arith.ori %shift_left3A_665, %shift_right_logical3A_668 : vector<32x1792xi32>
    %xor3A_670 = arith.xori %add3A_662, %or3A_669 : vector<32x1792xi32>
    %add3A_671 = arith.constant 928981903 : i32
    %add3A_672 = vector.broadcast %add3A_671 : i32 to vector<32x1792xi32>
    %add3A_673 = arith.addi %add3A_662, %add3A_672 : vector<32x1792xi32>
    %add3A_674 = arith.constant -841280224 : i32
    %add3A_675 = vector.broadcast %add3A_674 : i32 to vector<32x1792xi32>
    %add3A_676 = arith.addi %xor3A_670, %add3A_675 : vector<32x1792xi32>
    %add3A_677 = arith.addi %add3A_673, %add3A_676 : vector<32x1792xi32>
    %shift_left3A_678 = arith.constant 17 : i32
    %shift_left3A_679 = vector.broadcast %shift_left3A_678 : i32 to vector<32x1792xi32>
    %shift_left3A_680 = arith.shli %add3A_676, %shift_left3A_679 : vector<32x1792xi32>
    %shift_right_logical3A_681 = arith.constant 15 : i32
    %shift_right_logical3A_682 = vector.broadcast %shift_right_logical3A_681 : i32 to vector<32x1792xi32>
    %shift_right_logical3A_683 = arith.shrui %add3A_676, %shift_right_logical3A_682 : vector<32x1792xi32>
    %or3A_684 = arith.ori %shift_left3A_680, %shift_right_logical3A_683 : vector<32x1792xi32>
    %xor3A_685 = arith.xori %add3A_677, %or3A_684 : vector<32x1792xi32>
    %add3A_686 = arith.addi %add3A_677, %xor3A_685 : vector<32x1792xi32>
    %shift_left3A_687 = arith.constant 29 : i32
    %shift_left3A_688 = vector.broadcast %shift_left3A_687 : i32 to vector<32x1792xi32>
    %shift_left3A_689 = arith.shli %xor3A_685, %shift_left3A_688 : vector<32x1792xi32>
    %shift_right_logical3A_690 = arith.constant 3 : i32
    %shift_right_logical3A_691 = vector.broadcast %shift_right_logical3A_690 : i32 to vector<32x1792xi32>
    %shift_right_logical3A_692 = arith.shrui %xor3A_685, %shift_right_logical3A_691 : vector<32x1792xi32>
    %or3A_693 = arith.ori %shift_left3A_689, %shift_right_logical3A_692 : vector<32x1792xi32>
    %xor3A_694 = arith.xori %add3A_686, %or3A_693 : vector<32x1792xi32>
    %add3A_695 = arith.addi %add3A_686, %xor3A_694 : vector<32x1792xi32>
    %shift_left3A_696 = arith.constant 16 : i32
    %shift_left3A_697 = vector.broadcast %shift_left3A_696 : i32 to vector<32x1792xi32>
    %shift_left3A_698 = arith.shli %xor3A_694, %shift_left3A_697 : vector<32x1792xi32>
    %shift_right_logical3A_699 = arith.constant 16 : i32
    %shift_right_logical3A_700 = vector.broadcast %shift_right_logical3A_699 : i32 to vector<32x1792xi32>
    %shift_right_logical3A_701 = arith.shrui %xor3A_694, %shift_right_logical3A_700 : vector<32x1792xi32>
    %or3A_702 = arith.ori %shift_left3A_698, %shift_right_logical3A_701 : vector<32x1792xi32>
    %xor3A_703 = arith.xori %add3A_695, %or3A_702 : vector<32x1792xi32>
    %add3A_704 = arith.addi %add3A_695, %xor3A_703 : vector<32x1792xi32>
    %shift_left3A_705 = arith.constant 24 : i32
    %shift_left3A_706 = vector.broadcast %shift_left3A_705 : i32 to vector<32x1792xi32>
    %shift_left3A_707 = arith.shli %xor3A_703, %shift_left3A_706 : vector<32x1792xi32>
    %shift_right_logical3A_708 = arith.constant 8 : i32
    %shift_right_logical3A_709 = vector.broadcast %shift_right_logical3A_708 : i32 to vector<32x1792xi32>
    %shift_right_logical3A_710 = arith.shrui %xor3A_703, %shift_right_logical3A_709 : vector<32x1792xi32>
    %or3A_711 = arith.ori %shift_left3A_707, %shift_right_logical3A_710 : vector<32x1792xi32>
    %xor3A_712 = arith.xori %add3A_704, %or3A_711 : vector<32x1792xi32>
    %add3A_713 = arith.constant -841280227 : i32
    %add3A_714 = vector.broadcast %add3A_713 : i32 to vector<32x1792xi32>
    %add3A_715 = arith.addi %add3A_704, %add3A_714 : vector<32x1792xi32>
    %add3A_716 = arith.constant -514511540 : i32
    %add3A_717 = vector.broadcast %add3A_716 : i32 to vector<32x1792xi32>
    %add3A_718 = arith.addi %xor3A_712, %add3A_717 : vector<32x1792xi32>
    %add3A_719 = arith.addi %add3A_715, %add3A_718 : vector<32x1792xi32>
    %shift_left3A_720 = arith.constant 13 : i32
    %shift_left3A_721 = vector.broadcast %shift_left3A_720 : i32 to vector<32x1792xi32>
    %shift_left3A_722 = arith.shli %add3A_718, %shift_left3A_721 : vector<32x1792xi32>
    %shift_right_logical3A_723 = arith.constant 19 : i32
    %shift_right_logical3A_724 = vector.broadcast %shift_right_logical3A_723 : i32 to vector<32x1792xi32>
    %shift_right_logical3A_725 = arith.shrui %add3A_718, %shift_right_logical3A_724 : vector<32x1792xi32>
    %or3A_726 = arith.ori %shift_left3A_722, %shift_right_logical3A_725 : vector<32x1792xi32>
    %xor3A_727 = arith.xori %add3A_719, %or3A_726 : vector<32x1792xi32>
    %add3A_728 = arith.addi %add3A_719, %xor3A_727 : vector<32x1792xi32>
    %shift_left3A_729 = arith.constant 15 : i32
    %shift_left3A_730 = vector.broadcast %shift_left3A_729 : i32 to vector<32x1792xi32>
    %shift_left3A_731 = arith.shli %xor3A_727, %shift_left3A_730 : vector<32x1792xi32>
    %shift_right_logical3A_732 = arith.constant 17 : i32
    %shift_right_logical3A_733 = vector.broadcast %shift_right_logical3A_732 : i32 to vector<32x1792xi32>
    %shift_right_logical3A_734 = arith.shrui %xor3A_727, %shift_right_logical3A_733 : vector<32x1792xi32>
    %or3A_735 = arith.ori %shift_left3A_731, %shift_right_logical3A_734 : vector<32x1792xi32>
    %xor3A_736 = arith.xori %add3A_728, %or3A_735 : vector<32x1792xi32>
    %add3A_737 = arith.addi %add3A_728, %xor3A_736 : vector<32x1792xi32>
    %shift_left3A_738 = arith.constant 26 : i32
    %shift_left3A_739 = vector.broadcast %shift_left3A_738 : i32 to vector<32x1792xi32>
    %shift_left3A_740 = arith.shli %xor3A_736, %shift_left3A_739 : vector<32x1792xi32>
    %shift_right_logical3A_741 = arith.constant 6 : i32
    %shift_right_logical3A_742 = vector.broadcast %shift_right_logical3A_741 : i32 to vector<32x1792xi32>
    %shift_right_logical3A_743 = arith.shrui %xor3A_736, %shift_right_logical3A_742 : vector<32x1792xi32>
    %or3A_744 = arith.ori %shift_left3A_740, %shift_right_logical3A_743 : vector<32x1792xi32>
    %xor3A_745 = arith.xori %add3A_737, %or3A_744 : vector<32x1792xi32>
    %add3A_746 = arith.addi %add3A_737, %xor3A_745 : vector<32x1792xi32>
    %shift_left3A_747 = arith.constant 6 : i32
    %shift_left3A_748 = vector.broadcast %shift_left3A_747 : i32 to vector<32x1792xi32>
    %shift_left3A_749 = arith.shli %xor3A_745, %shift_left3A_748 : vector<32x1792xi32>
    %shift_right_logical3A_750 = arith.constant 26 : i32
    %shift_right_logical3A_751 = vector.broadcast %shift_right_logical3A_750 : i32 to vector<32x1792xi32>
    %shift_right_logical3A_752 = arith.shrui %xor3A_745, %shift_right_logical3A_751 : vector<32x1792xi32>
    %or3A_753 = arith.ori %shift_left3A_749, %shift_right_logical3A_752 : vector<32x1792xi32>
    %xor3A_754 = arith.xori %add3A_746, %or3A_753 : vector<32x1792xi32>
    %add3A_755 = arith.constant -514511544 : i32
    %add3A_756 = vector.broadcast %add3A_755 : i32 to vector<32x1792xi32>
    %add3A_757 = arith.addi %add3A_746, %add3A_756 : vector<32x1792xi32>
    %add3A_758 = arith.constant 928981908 : i32
    %add3A_759 = vector.broadcast %add3A_758 : i32 to vector<32x1792xi32>
    %add3A_760 = arith.addi %xor3A_754, %add3A_759 : vector<32x1792xi32>
    %xor3A_761 = arith.xori %add3A_757, %add3A_760 : vector<32x1792xi32>
    %shift_right_logical3A_762 = arith.constant 9 : i32
    %shift_right_logical3A_763 = vector.broadcast %shift_right_logical3A_762 : i32 to vector<32x1792xi32>
    %shift_right_logical3A_764 = arith.shrui %xor3A_761, %shift_right_logical3A_763 : vector<32x1792xi32>
    %or3A_765 = arith.constant 1065353216 : i32
    %or3A_766 = vector.broadcast %or3A_765 : i32 to vector<32x1792xi32>
    %or3A_767 = arith.ori %shift_right_logical3A_764, %or3A_766 : vector<32x1792xi32>
    %bitcast_convert_type3A_768 = tpu.bitcast %or3A_767 : vector<32x1792xi32> -> vector<32x1792xf32>
    %sub3A_769 = arith.constant 1.000000e+00 : f32
    %sub3A_770 = vector.broadcast %sub3A_769 : f32 to vector<32x1792xf32>
    %sub3A_771 = arith.subf %bitcast_convert_type3A_768, %sub3A_770 : vector<32x1792xf32>
    %log3A_772 = math.log %sub3A_771 : vector<32x1792xf32>
    %neg3A_773 = arith.constant 0.000000e+00 : f32
    %neg3A_774 = vector.broadcast %neg3A_773 : f32 to vector<32x1792xf32>
    %neg3A_775 = arith.subf %neg3A_774, %log3A_772 : vector<32x1792xf32>
    %log3A_776 = math.log %neg3A_775 : vector<32x1792xf32>
    %neg3A_777 = arith.constant 0.000000e+00 : f32
    %neg3A_778 = vector.broadcast %neg3A_777 : f32 to vector<32x1792xf32>
    %neg3A_779 = arith.subf %neg3A_778, %log3A_776 : vector<32x1792xf32>
    %add3A_780 = arith.addf %select_n3A, %neg3A_779 : vector<32x1792xf32>
    %reduce_max3A_781 = arith.constant dense<0xFF800000> : vector<32xf32>
    %reduce_max3A_782 = vector.multi_reduction <maximumf>, %add3A_780, %reduce_max3A_781 [1] : vector<32x1792xf32> to vector<32xf32>
    %broadcast_in_dim3A_783 = vector.shape_cast %reduce_max3A_782 : vector<32xf32> to vector<32x1xf32>
    %get3A_784 = arith.constant 0 : index
    %get3A_785 = arith.constant 0 : index
    %get3A_786 = vector.load %arg9[%get3A_784, %get3A_785] : memref<32x128xf32, #tpu.memory_space<vmem>>, vector<32x128xf32>
    %gt3A_787 = vector.broadcast %broadcast_in_dim3A_783 : vector<32x1xf32> to vector<32x128xf32>
    %gt3A_788 = arith.cmpf ogt, %gt3A_787, %get3A_786 : vector<32x128xf32>
    %broadcast_in_dim3A_789 = vector.shape_cast %broadcast_in_dim3A_783 : vector<32x1xf32> to vector<32x1xf32>
    %broadcast_in_dim3A_790 = vector.broadcast %broadcast_in_dim3A_789 : vector<32x1xf32> to vector<32x128xf32>
    %select_n3A_791 = arith.select %gt3A_788, %broadcast_in_dim3A_790, %get3A_786 : vector<32x128xi1>, vector<32x128xf32>
    %swap3A_792 = arith.constant 0 : index
    %swap3A_793 = arith.constant 0 : index
    %swap3A_794 = vector.load %arg9[%swap3A_792, %swap3A_793] : memref<32x128xf32, #tpu.memory_space<vmem>>, vector<32x128xf32>
    tpu.vector_store %arg9[%swap3A_792, %swap3A_793], %select_n3A_791 {strides = array<i32>} : memref<32x128xf32, #tpu.memory_space<vmem>>, vector<32x128xf32>,
    %get3A_795 = arith.constant 0 : index
    %get3A_796 = arith.constant 0 : index
    %get3A_797 = vector.load %arg19[%get3A_795, %get3A_796] : memref<32x128xi32, #tpu.memory_space<vmem>>, vector<32x128xi32>
    %broadcast_in_dim3A_798 = vector.broadcast %arg0 : i32 to vector<32x128xi32>
    %select_n3A_799 = arith.select %gt3A_788, %broadcast_in_dim3A_798, %get3A_797 : vector<32x128xi1>, vector<32x128xi32>
    %swap3A_800 = arith.constant 0 : index
    %swap3A_801 = arith.constant 0 : index
    %swap3A_802 = vector.load %arg19[%swap3A_800, %swap3A_801] : memref<32x128xi32, #tpu.memory_space<vmem>>, vector<32x128xi32>
    tpu.vector_store %arg19[%swap3A_800, %swap3A_801], %select_n3A_799 {strides = array<i32>} : memref<32x128xi32, #tpu.memory_space<vmem>>, vector<32x128xi32>,
    %add3A_803 = arith.constant -745280227 : i32
    %add3A_804 = vector.broadcast %add3A_803 : i32 to vector<32x1792xi32>
    %add3A_805 = arith.addi %add3A_39, %add3A_804 : vector<32x1792xi32>
    %broadcast_in_dim3A_806 = arith.constant 928981903 : i32
    %broadcast_in_dim3A_807 = vector.broadcast %broadcast_in_dim3A_806 : i32 to vector<32x1792xi32>
    %add3A_808 = arith.addi %broadcast_in_dim3A_807, %add3A_805 : vector<32x1792xi32>
    %shift_left3A_809 = arith.constant 13 : i32
    %shift_left3A_810 = vector.broadcast %shift_left3A_809 : i32 to vector<32x1792xi32>
    %shift_left3A_811 = arith.shli %add3A_805, %shift_left3A_810 : vector<32x1792xi32>
    %shift_right_logical3A_812 = arith.constant 19 : i32
    %shift_right_logical3A_813 = vector.broadcast %shift_right_logical3A_812 : i32 to vector<32x1792xi32>
    %shift_right_logical3A_814 = arith.shrui %add3A_805, %shift_right_logical3A_813 : vector<32x1792xi32>
    %or3A_815 = arith.ori %shift_left3A_811, %shift_right_logical3A_814 : vector<32x1792xi32>
    %xor3A_816 = arith.xori %add3A_808, %or3A_815 : vector<32x1792xi32>
    %add3A_817 = arith.addi %add3A_808, %xor3A_816 : vector<32x1792xi32>
    %shift_left3A_818 = arith.constant 15 : i32
    %shift_left3A_819 = vector.broadcast %shift_left3A_818 : i32 to vector<32x1792xi32>
    %shift_left3A_820 = arith.shli %xor3A_816, %shift_left3A_819 : vector<32x1792xi32>
    %shift_right_logical3A_821 = arith.constant 17 : i32
    %shift_right_logical3A_822 = vector.broadcast %shift_right_logical3A_821 : i32 to vector<32x1792xi32>
    %shift_right_logical3A_823 = arith.shrui %xor3A_816, %shift_right_logical3A_822 : vector<32x1792xi32>
    %or3A_824 = arith.ori %shift_left3A_820, %shift_right_logical3A_823 : vector<32x1792xi32>
    %xor3A_825 = arith.xori %add3A_817, %or3A_824 : vector<32x1792xi32>
    %add3A_826 = arith.addi %add3A_817, %xor3A_825 : vector<32x1792xi32>
    %shift_left3A_827 = arith.constant 26 : i32
    %shift_left3A_828 = vector.broadcast %shift_left3A_827 : i32 to vector<32x1792xi32>
    %shift_left3A_829 = arith.shli %xor3A_825, %shift_left3A_828 : vector<32x1792xi32>
    %shift_right_logical3A_830 = arith.constant 6 : i32
    %shift_right_logical3A_831 = vector.broadcast %shift_right_logical3A_830 : i32 to vector<32x1792xi32>
    %shift_right_logical3A_832 = arith.shrui %xor3A_825, %shift_right_logical3A_831 : vector<32x1792xi32>
    %or3A_833 = arith.ori %shift_left3A_829, %shift_right_logical3A_832 : vector<32x1792xi32>
    %xor3A_834 = arith.xori %add3A_826, %or3A_833 : vector<32x1792xi32>
    %add3A_835 = arith.addi %add3A_826, %xor3A_834 : vector<32x1792xi32>
    %shift_left3A_836 = arith.constant 6 : i32
    %shift_left3A_837 = vector.broadcast %shift_left3A_836 : i32 to vector<32x1792xi32>
    %shift_left3A_838 = arith.shli %xor3A_834, %shift_left3A_837 : vector<32x1792xi32>
    %shift_right_logical3A_839 = arith.constant 26 : i32
    %shift_right_logical3A_840 = vector.broadcast %shift_right_logical3A_839 : i32 to vector<32x1792xi32>
    %shift_right_logical3A_841 = arith.shrui %xor3A_834, %shift_right_logical3A_840 : vector<32x1792xi32>
    %or3A_842 = arith.ori %shift_left3A_838, %shift_right_logical3A_841 : vector<32x1792xi32>
    %xor3A_843 = arith.xori %add3A_835, %or3A_842 : vector<32x1792xi32>
    %add3A_844 = arith.constant -841280227 : i32
    %add3A_845 = vector.broadcast %add3A_844 : i32 to vector<32x1792xi32>
    %add3A_846 = arith.addi %add3A_835, %add3A_845 : vector<32x1792xi32>
    %add3A_847 = arith.constant -514511543 : i32
    %add3A_848 = vector.broadcast %add3A_847 : i32 to vector<32x1792xi32>
    %add3A_849 = arith.addi %xor3A_843, %add3A_848 : vector<32x1792xi32>
    %add3A_850 = arith.addi %add3A_846, %add3A_849 : vector<32x1792xi32>
    %shift_left3A_851 = arith.constant 17 : i32
    %shift_left3A_852 = vector.broadcast %shift_left3A_851 : i32 to vector<32x1792xi32>
    %shift_left3A_853 = arith.shli %add3A_849, %shift_left3A_852 : vector<32x1792xi32>
    %shift_right_logical3A_854 = arith.constant 15 : i32
    %shift_right_logical3A_855 = vector.broadcast %shift_right_logical3A_854 : i32 to vector<32x1792xi32>
    %shift_right_logical3A_856 = arith.shrui %add3A_849, %shift_right_logical3A_855 : vector<32x1792xi32>
    %or3A_857 = arith.ori %shift_left3A_853, %shift_right_logical3A_856 : vector<32x1792xi32>
    %xor3A_858 = arith.xori %add3A_850, %or3A_857 : vector<32x1792xi32>
    %add3A_859 = arith.addi %add3A_850, %xor3A_858 : vector<32x1792xi32>
    %shift_left3A_860 = arith.constant 29 : i32
    %shift_left3A_861 = vector.broadcast %shift_left3A_860 : i32 to vector<32x1792xi32>
    %shift_left3A_862 = arith.shli %xor3A_858, %shift_left3A_861 : vector<32x1792xi32>
    %shift_right_logical3A_863 = arith.constant 3 : i32
    %shift_right_logical3A_864 = vector.broadcast %shift_right_logical3A_863 : i32 to vector<32x1792xi32>
    %shift_right_logical3A_865 = arith.shrui %xor3A_858, %shift_right_logical3A_864 : vector<32x1792xi32>
    %or3A_866 = arith.ori %shift_left3A_862, %shift_right_logical3A_865 : vector<32x1792xi32>
    %xor3A_867 = arith.xori %add3A_859, %or3A_866 : vector<32x1792xi32>
    %add3A_868 = arith.addi %add3A_859, %xor3A_867 : vector<32x1792xi32>
    %shift_left3A_869 = arith.constant 16 : i32
    %shift_left3A_870 = vector.broadcast %shift_left3A_869 : i32 to vector<32x1792xi32>
    %shift_left3A_871 = arith.shli %xor3A_867, %shift_left3A_870 : vector<32x1792xi32>
    %shift_right_logical3A_872 = arith.constant 16 : i32
    %shift_right_logical3A_873 = vector.broadcast %shift_right_logical3A_872 : i32 to vector<32x1792xi32>
    %shift_right_logical3A_874 = arith.shrui %xor3A_867, %shift_right_logical3A_873 : vector<32x1792xi32>
    %or3A_875 = arith.ori %shift_left3A_871, %shift_right_logical3A_874 : vector<32x1792xi32>
    %xor3A_876 = arith.xori %add3A_868, %or3A_875 : vector<32x1792xi32>
    %add3A_877 = arith.addi %add3A_868, %xor3A_876 : vector<32x1792xi32>
    %shift_left3A_878 = arith.constant 24 : i32
    %shift_left3A_879 = vector.broadcast %shift_left3A_878 : i32 to vector<32x1792xi32>
    %shift_left3A_880 = arith.shli %xor3A_876, %shift_left3A_879 : vector<32x1792xi32>
    %shift_right_logical3A_881 = arith.constant 8 : i32
    %shift_right_logical3A_882 = vector.broadcast %shift_right_logical3A_881 : i32 to vector<32x1792xi32>
    %shift_right_logical3A_883 = arith.shrui %xor3A_876, %shift_right_logical3A_882 : vector<32x1792xi32>
    %or3A_884 = arith.ori %shift_left3A_880, %shift_right_logical3A_883 : vector<32x1792xi32>
    %xor3A_885 = arith.xori %add3A_877, %or3A_884 : vector<32x1792xi32>
    %add3A_886 = arith.constant -514511544 : i32
    %add3A_887 = vector.broadcast %add3A_886 : i32 to vector<32x1792xi32>
    %add3A_888 = arith.addi %add3A_877, %add3A_887 : vector<32x1792xi32>
    %add3A_889 = arith.constant 928981905 : i32
    %add3A_890 = vector.broadcast %add3A_889 : i32 to vector<32x1792xi32>
    %add3A_891 = arith.addi %xor3A_885, %add3A_890 : vector<32x1792xi32>
    %add3A_892 = arith.addi %add3A_888, %add3A_891 : vector<32x1792xi32>
    %shift_left3A_893 = arith.constant 13 : i32
    %shift_left3A_894 = vector.broadcast %shift_left3A_893 : i32 to vector<32x1792xi32>
    %shift_left3A_895 = arith.shli %add3A_891, %shift_left3A_894 : vector<32x1792xi32>
    %shift_right_logical3A_896 = arith.constant 19 : i32
    %shift_right_logical3A_897 = vector.broadcast %shift_right_logical3A_896 : i32 to vector<32x1792xi32>
    %shift_right_logical3A_898 = arith.shrui %add3A_891, %shift_right_logical3A_897 : vector<32x1792xi32>
    %or3A_899 = arith.ori %shift_left3A_895, %shift_right_logical3A_898 : vector<32x1792xi32>
    %xor3A_900 = arith.xori %add3A_892, %or3A_899 : vector<32x1792xi32>
    %add3A_901 = arith.addi %add3A_892, %xor3A_900 : vector<32x1792xi32>
    %shift_left3A_902 = arith.constant 15 : i32
    %shift_left3A_903 = vector.broadcast %shift_left3A_902 : i32 to vector<32x1792xi32>
    %shift_left3A_904 = arith.shli %xor3A_900, %shift_left3A_903 : vector<32x1792xi32>
    %shift_right_logical3A_905 = arith.constant 17 : i32
    %shift_right_logical3A_906 = vector.broadcast %shift_right_logical3A_905 : i32 to vector<32x1792xi32>
    %shift_right_logical3A_907 = arith.shrui %xor3A_900, %shift_right_logical3A_906 : vector<32x1792xi32>
    %or3A_908 = arith.ori %shift_left3A_904, %shift_right_logical3A_907 : vector<32x1792xi32>
    %xor3A_909 = arith.xori %add3A_901, %or3A_908 : vector<32x1792xi32>
    %add3A_910 = arith.addi %add3A_901, %xor3A_909 : vector<32x1792xi32>
    %shift_left3A_911 = arith.constant 26 : i32
    %shift_left3A_912 = vector.broadcast %shift_left3A_911 : i32 to vector<32x1792xi32>
    %shift_left3A_913 = arith.shli %xor3A_909, %shift_left3A_912 : vector<32x1792xi32>
    %shift_right_logical3A_914 = arith.constant 6 : i32
    %shift_right_logical3A_915 = vector.broadcast %shift_right_logical3A_914 : i32 to vector<32x1792xi32>
    %shift_right_logical3A_916 = arith.shrui %xor3A_909, %shift_right_logical3A_915 : vector<32x1792xi32>
    %or3A_917 = arith.ori %shift_left3A_913, %shift_right_logical3A_916 : vector<32x1792xi32>
    %xor3A_918 = arith.xori %add3A_910, %or3A_917 : vector<32x1792xi32>
    %add3A_919 = arith.addi %add3A_910, %xor3A_918 : vector<32x1792xi32>
    %shift_left3A_920 = arith.constant 6 : i32
    %shift_left3A_921 = vector.broadcast %shift_left3A_920 : i32 to vector<32x1792xi32>
    %shift_left3A_922 = arith.shli %xor3A_918, %shift_left3A_921 : vector<32x1792xi32>
    %shift_right_logical3A_923 = arith.constant 26 : i32
    %shift_right_logical3A_924 = vector.broadcast %shift_right_logical3A_923 : i32 to vector<32x1792xi32>
    %shift_right_logical3A_925 = arith.shrui %xor3A_918, %shift_right_logical3A_924 : vector<32x1792xi32>
    %or3A_926 = arith.ori %shift_left3A_922, %shift_right_logical3A_925 : vector<32x1792xi32>
    %xor3A_927 = arith.xori %add3A_919, %or3A_926 : vector<32x1792xi32>
    %add3A_928 = arith.constant 928981903 : i32
    %add3A_929 = vector.broadcast %add3A_928 : i32 to vector<32x1792xi32>
    %add3A_930 = arith.addi %add3A_919, %add3A_929 : vector<32x1792xi32>
    %add3A_931 = arith.constant -841280224 : i32
    %add3A_932 = vector.broadcast %add3A_931 : i32 to vector<32x1792xi32>
    %add3A_933 = arith.addi %xor3A_927, %add3A_932 : vector<32x1792xi32>
    %add3A_934 = arith.addi %add3A_930, %add3A_933 : vector<32x1792xi32>
    %shift_left3A_935 = arith.constant 17 : i32
    %shift_left3A_936 = vector.broadcast %shift_left3A_935 : i32 to vector<32x1792xi32>
    %shift_left3A_937 = arith.shli %add3A_933, %shift_left3A_936 : vector<32x1792xi32>
    %shift_right_logical3A_938 = arith.constant 15 : i32
    %shift_right_logical3A_939 = vector.broadcast %shift_right_logical3A_938 : i32 to vector<32x1792xi32>
    %shift_right_logical3A_940 = arith.shrui %add3A_933, %shift_right_logical3A_939 : vector<32x1792xi32>
    %or3A_941 = arith.ori %shift_left3A_937, %shift_right_logical3A_940 : vector<32x1792xi32>
    %xor3A_942 = arith.xori %add3A_934, %or3A_941 : vector<32x1792xi32>
    %add3A_943 = arith.addi %add3A_934, %xor3A_942 : vector<32x1792xi32>
    %shift_left3A_944 = arith.constant 29 : i32
    %shift_left3A_945 = vector.broadcast %shift_left3A_944 : i32 to vector<32x1792xi32>
    %shift_left3A_946 = arith.shli %xor3A_942, %shift_left3A_945 : vector<32x1792xi32>
    %shift_right_logical3A_947 = arith.constant 3 : i32
    %shift_right_logical3A_948 = vector.broadcast %shift_right_logical3A_947 : i32 to vector<32x1792xi32>
    %shift_right_logical3A_949 = arith.shrui %xor3A_942, %shift_right_logical3A_948 : vector<32x1792xi32>
    %or3A_950 = arith.ori %shift_left3A_946, %shift_right_logical3A_949 : vector<32x1792xi32>
    %xor3A_951 = arith.xori %add3A_943, %or3A_950 : vector<32x1792xi32>
    %add3A_952 = arith.addi %add3A_943, %xor3A_951 : vector<32x1792xi32>
    %shift_left3A_953 = arith.constant 16 : i32
    %shift_left3A_954 = vector.broadcast %shift_left3A_953 : i32 to vector<32x1792xi32>
    %shift_left3A_955 = arith.shli %xor3A_951, %shift_left3A_954 : vector<32x1792xi32>
    %shift_right_logical3A_956 = arith.constant 16 : i32
    %shift_right_logical3A_957 = vector.broadcast %shift_right_logical3A_956 : i32 to vector<32x1792xi32>
    %shift_right_logical3A_958 = arith.shrui %xor3A_951, %shift_right_logical3A_957 : vector<32x1792xi32>
    %or3A_959 = arith.ori %shift_left3A_955, %shift_right_logical3A_958 : vector<32x1792xi32>
    %xor3A_960 = arith.xori %add3A_952, %or3A_959 : vector<32x1792xi32>
    %add3A_961 = arith.addi %add3A_952, %xor3A_960 : vector<32x1792xi32>
    %shift_left3A_962 = arith.constant 24 : i32
    %shift_left3A_963 = vector.broadcast %shift_left3A_962 : i32 to vector<32x1792xi32>
    %shift_left3A_964 = arith.shli %xor3A_960, %shift_left3A_963 : vector<32x1792xi32>
    %shift_right_logical3A_965 = arith.constant 8 : i32
    %shift_right_logical3A_966 = vector.broadcast %shift_right_logical3A_965 : i32 to vector<32x1792xi32>
    %shift_right_logical3A_967 = arith.shrui %xor3A_960, %shift_right_logical3A_966 : vector<32x1792xi32>
    %or3A_968 = arith.ori %shift_left3A_964, %shift_right_logical3A_967 : vector<32x1792xi32>
    %xor3A_969 = arith.xori %add3A_961, %or3A_968 : vector<32x1792xi32>
    %add3A_970 = arith.constant -841280227 : i32
    %add3A_971 = vector.broadcast %add3A_970 : i32 to vector<32x1792xi32>
    %add3A_972 = arith.addi %add3A_961, %add3A_971 : vector<32x1792xi32>
    %add3A_973 = arith.constant -514511540 : i32
    %add3A_974 = vector.broadcast %add3A_973 : i32 to vector<32x1792xi32>
    %add3A_975 = arith.addi %xor3A_969, %add3A_974 : vector<32x1792xi32>
    %add3A_976 = arith.addi %add3A_972, %add3A_975 : vector<32x1792xi32>
    %shift_left3A_977 = arith.constant 13 : i32
    %shift_left3A_978 = vector.broadcast %shift_left3A_977 : i32 to vector<32x1792xi32>
    %shift_left3A_979 = arith.shli %add3A_975, %shift_left3A_978 : vector<32x1792xi32>
    %shift_right_logical3A_980 = arith.constant 19 : i32
    %shift_right_logical3A_981 = vector.broadcast %shift_right_logical3A_980 : i32 to vector<32x1792xi32>
    %shift_right_logical3A_982 = arith.shrui %add3A_975, %shift_right_logical3A_981 : vector<32x1792xi32>
    %or3A_983 = arith.ori %shift_left3A_979, %shift_right_logical3A_982 : vector<32x1792xi32>
    %xor3A_984 = arith.xori %add3A_976, %or3A_983 : vector<32x1792xi32>
    %add3A_985 = arith.addi %add3A_976, %xor3A_984 : vector<32x1792xi32>
    %shift_left3A_986 = arith.constant 15 : i32
    %shift_left3A_987 = vector.broadcast %shift_left3A_986 : i32 to vector<32x1792xi32>
    %shift_left3A_988 = arith.shli %xor3A_984, %shift_left3A_987 : vector<32x1792xi32>
    %shift_right_logical3A_989 = arith.constant 17 : i32
    %shift_right_logical3A_990 = vector.broadcast %shift_right_logical3A_989 : i32 to vector<32x1792xi32>
    %shift_right_logical3A_991 = arith.shrui %xor3A_984, %shift_right_logical3A_990 : vector<32x1792xi32>
    %or3A_992 = arith.ori %shift_left3A_988, %shift_right_logical3A_991 : vector<32x1792xi32>
    %xor3A_993 = arith.xori %add3A_985, %or3A_992 : vector<32x1792xi32>
    %add3A_994 = arith.addi %add3A_985, %xor3A_993 : vector<32x1792xi32>
    %shift_left3A_995 = arith.constant 26 : i32
    %shift_left3A_996 = vector.broadcast %shift_left3A_995 : i32 to vector<32x1792xi32>
    %shift_left3A_997 = arith.shli %xor3A_993, %shift_left3A_996 : vector<32x1792xi32>
    %shift_right_logical3A_998 = arith.constant 6 : i32
    %shift_right_logical3A_999 = vector.broadcast %shift_right_logical3A_998 : i32 to vector<32x1792xi32>
    %shift_right_logical3A_1000 = arith.shrui %xor3A_993, %shift_right_logical3A_999 : vector<32x1792xi32>
    %or3A_1001 = arith.ori %shift_left3A_997, %shift_right_logical3A_1000 : vector<32x1792xi32>
    %xor3A_1002 = arith.xori %add3A_994, %or3A_1001 : vector<32x1792xi32>
    %add3A_1003 = arith.addi %add3A_994, %xor3A_1002 : vector<32x1792xi32>
    %shift_left3A_1004 = arith.constant 6 : i32
    %shift_left3A_1005 = vector.broadcast %shift_left3A_1004 : i32 to vector<32x1792xi32>
    %shift_left3A_1006 = arith.shli %xor3A_1002, %shift_left3A_1005 : vector<32x1792xi32>
    %shift_right_logical3A_1007 = arith.constant 26 : i32
    %shift_right_logical3A_1008 = vector.broadcast %shift_right_logical3A_1007 : i32 to vector<32x1792xi32>
    %shift_right_logical3A_1009 = arith.shrui %xor3A_1002, %shift_right_logical3A_1008 : vector<32x1792xi32>
    %or3A_1010 = arith.ori %shift_left3A_1006, %shift_right_logical3A_1009 : vector<32x1792xi32>
    %xor3A_1011 = arith.xori %add3A_1003, %or3A_1010 : vector<32x1792xi32>
    %add3A_1012 = arith.constant -514511544 : i32
    %add3A_1013 = vector.broadcast %add3A_1012 : i32 to vector<32x1792xi32>
    %add3A_1014 = arith.addi %add3A_1003, %add3A_1013 : vector<32x1792xi32>
    %add3A_1015 = arith.constant 928981908 : i32
    %add3A_1016 = vector.broadcast %add3A_1015 : i32 to vector<32x1792xi32>
    %add3A_1017 = arith.addi %xor3A_1011, %add3A_1016 : vector<32x1792xi32>
    %xor3A_1018 = arith.xori %add3A_1014, %add3A_1017 : vector<32x1792xi32>
    %shift_right_logical3A_1019 = arith.constant 9 : i32
    %shift_right_logical3A_1020 = vector.broadcast %shift_right_logical3A_1019 : i32 to vector<32x1792xi32>
    %shift_right_logical3A_1021 = arith.shrui %xor3A_1018, %shift_right_logical3A_1020 : vector<32x1792xi32>
    %or3A_1022 = arith.constant 1065353216 : i32
    %or3A_1023 = vector.broadcast %or3A_1022 : i32 to vector<32x1792xi32>
    %or3A_1024 = arith.ori %shift_right_logical3A_1021, %or3A_1023 : vector<32x1792xi32>
    %bitcast_convert_type3A_1025 = tpu.bitcast %or3A_1024 : vector<32x1792xi32> -> vector<32x1792xf32>
    %sub3A_1026 = arith.constant 1.000000e+00 : f32
    %sub3A_1027 = vector.broadcast %sub3A_1026 : f32 to vector<32x1792xf32>
    %sub3A_1028 = arith.subf %bitcast_convert_type3A_1025, %sub3A_1027 : vector<32x1792xf32>
    %log3A_1029 = math.log %sub3A_1028 : vector<32x1792xf32>
    %neg3A_1030 = arith.constant 0.000000e+00 : f32
    %neg3A_1031 = vector.broadcast %neg3A_1030 : f32 to vector<32x1792xf32>
    %neg3A_1032 = arith.subf %neg3A_1031, %log3A_1029 : vector<32x1792xf32>
    %log3A_1033 = math.log %neg3A_1032 : vector<32x1792xf32>
    %neg3A_1034 = arith.constant 0.000000e+00 : f32
    %neg3A_1035 = vector.broadcast %neg3A_1034 : f32 to vector<32x1792xf32>
    %neg3A_1036 = arith.subf %neg3A_1035, %log3A_1033 : vector<32x1792xf32>
    %add3A_1037 = arith.addf %select_n3A, %neg3A_1036 : vector<32x1792xf32>
    %reduce_max3A_1038 = arith.constant dense<0xFF800000> : vector<32xf32>
    %reduce_max3A_1039 = vector.multi_reduction <maximumf>, %add3A_1037, %reduce_max3A_1038 [1] : vector<32x1792xf32> to vector<32xf32>
    %broadcast_in_dim3A_1040 = vector.shape_cast %reduce_max3A_1039 : vector<32xf32> to vector<32x1xf32>
    %get3A_1041 = arith.constant 0 : index
    %get3A_1042 = arith.constant 0 : index
    %get3A_1043 = vector.load %arg10[%get3A_1041, %get3A_1042] : memref<32x128xf32, #tpu.memory_space<vmem>>, vector<32x128xf32>
    %gt3A_1044 = vector.broadcast %broadcast_in_dim3A_1040 : vector<32x1xf32> to vector<32x128xf32>
    %gt3A_1045 = arith.cmpf ogt, %gt3A_1044, %get3A_1043 : vector<32x128xf32>
    %broadcast_in_dim3A_1046 = vector.shape_cast %broadcast_in_dim3A_1040 : vector<32x1xf32> to vector<32x1xf32>
    %broadcast_in_dim3A_1047 = vector.broadcast %broadcast_in_dim3A_1046 : vector<32x1xf32> to vector<32x128xf32>
    %select_n3A_1048 = arith.select %gt3A_1045, %broadcast_in_dim3A_1047, %get3A_1043 : vector<32x128xi1>, vector<32x128xf32>
    %swap3A_1049 = arith.constant 0 : index
    %swap3A_1050 = arith.constant 0 : index
    %swap3A_1051 = vector.load %arg10[%swap3A_1049, %swap3A_1050] : memref<32x128xf32, #tpu.memory_space<vmem>>, vector<32x128xf32>
    tpu.vector_store %arg10[%swap3A_1049, %swap3A_1050], %select_n3A_1048 {strides = array<i32>} : memref<32x128xf32, #tpu.memory_space<vmem>>, vector<32x128xf32>,
    %get3A_1052 = arith.constant 0 : index
    %get3A_1053 = arith.constant 0 : index
    %get3A_1054 = vector.load %arg20[%get3A_1052, %get3A_1053] : memref<32x128xi32, #tpu.memory_space<vmem>>, vector<32x128xi32>
    %broadcast_in_dim3A_1055 = vector.broadcast %arg0 : i32 to vector<32x128xi32>
    %select_n3A_1056 = arith.select %gt3A_1045, %broadcast_in_dim3A_1055, %get3A_1054 : vector<32x128xi1>, vector<32x128xi32>
    %swap3A_1057 = arith.constant 0 : index
    %swap3A_1058 = arith.constant 0 : index
    %swap3A_1059 = vector.load %arg20[%swap3A_1057, %swap3A_1058] : memref<32x128xi32, #tpu.memory_space<vmem>>, vector<32x128xi32>
    tpu.vector_store %arg20[%swap3A_1057, %swap3A_1058], %select_n3A_1056 {strides = array<i32>} : memref<32x128xi32, #tpu.memory_space<vmem>>, vector<32x128xi32>,
    %add3A_1060 = arith.constant -713280227 : i32
    %add3A_1061 = vector.broadcast %add3A_1060 : i32 to vector<32x1792xi32>
    %add3A_1062 = arith.addi %add3A_39, %add3A_1061 : vector<32x1792xi32>
    %broadcast_in_dim3A_1063 = arith.constant 928981903 : i32
    %broadcast_in_dim3A_1064 = vector.broadcast %broadcast_in_dim3A_1063 : i32 to vector<32x1792xi32>
    %add3A_1065 = arith.addi %broadcast_in_dim3A_1064, %add3A_1062 : vector<32x1792xi32>
    %shift_left3A_1066 = arith.constant 13 : i32
    %shift_left3A_1067 = vector.broadcast %shift_left3A_1066 : i32 to vector<32x1792xi32>
    %shift_left3A_1068 = arith.shli %add3A_1062, %shift_left3A_1067 : vector<32x1792xi32>
    %shift_right_logical3A_1069 = arith.constant 19 : i32
    %shift_right_logical3A_1070 = vector.broadcast %shift_right_logical3A_1069 : i32 to vector<32x1792xi32>
    %shift_right_logical3A_1071 = arith.shrui %add3A_1062, %shift_right_logical3A_1070 : vector<32x1792xi32>
    %or3A_1072 = arith.ori %shift_left3A_1068, %shift_right_logical3A_1071 : vector<32x1792xi32>
    %xor3A_1073 = arith.xori %add3A_1065, %or3A_1072 : vector<32x1792xi32>
    %add3A_1074 = arith.addi %add3A_1065, %xor3A_1073 : vector<32x1792xi32>
    %shift_left3A_1075 = arith.constant 15 : i32
    %shift_left3A_1076 = vector.broadcast %shift_left3A_1075 : i32 to vector<32x1792xi32>
    %shift_left3A_1077 = arith.shli %xor3A_1073, %shift_left3A_1076 : vector<32x1792xi32>
    %shift_right_logical3A_1078 = arith.constant 17 : i32
    %shift_right_logical3A_1079 = vector.broadcast %shift_right_logical3A_1078 : i32 to vector<32x1792xi32>
    %shift_right_logical3A_1080 = arith.shrui %xor3A_1073, %shift_right_logical3A_1079 : vector<32x1792xi32>
    %or3A_1081 = arith.ori %shift_left3A_1077, %shift_right_logical3A_1080 : vector<32x1792xi32>
    %xor3A_1082 = arith.xori %add3A_1074, %or3A_1081 : vector<32x1792xi32>
    %add3A_1083 = arith.addi %add3A_1074, %xor3A_1082 : vector<32x1792xi32>
    %shift_left3A_1084 = arith.constant 26 : i32
    %shift_left3A_1085 = vector.broadcast %shift_left3A_1084 : i32 to vector<32x1792xi32>
    %shift_left3A_1086 = arith.shli %xor3A_1082, %shift_left3A_1085 : vector<32x1792xi32>
    %shift_right_logical3A_1087 = arith.constant 6 : i32
    %shift_right_logical3A_1088 = vector.broadcast %shift_right_logical3A_1087 : i32 to vector<32x1792xi32>
    %shift_right_logical3A_1089 = arith.shrui %xor3A_1082, %shift_right_logical3A_1088 : vector<32x1792xi32>
    %or3A_1090 = arith.ori %shift_left3A_1086, %shift_right_logical3A_1089 : vector<32x1792xi32>
    %xor3A_1091 = arith.xori %add3A_1083, %or3A_1090 : vector<32x1792xi32>
    %add3A_1092 = arith.addi %add3A_1083, %xor3A_1091 : vector<32x1792xi32>
    %shift_left3A_1093 = arith.constant 6 : i32
    %shift_left3A_1094 = vector.broadcast %shift_left3A_1093 : i32 to vector<32x1792xi32>
    %shift_left3A_1095 = arith.shli %xor3A_1091, %shift_left3A_1094 : vector<32x1792xi32>
    %shift_right_logical3A_1096 = arith.constant 26 : i32
    %shift_right_logical3A_1097 = vector.broadcast %shift_right_logical3A_1096 : i32 to vector<32x1792xi32>
    %shift_right_logical3A_1098 = arith.shrui %xor3A_1091, %shift_right_logical3A_1097 : vector<32x1792xi32>
    %or3A_1099 = arith.ori %shift_left3A_1095, %shift_right_logical3A_1098 : vector<32x1792xi32>
    %xor3A_1100 = arith.xori %add3A_1092, %or3A_1099 : vector<32x1792xi32>
    %add3A_1101 = arith.constant -841280227 : i32
    %add3A_1102 = vector.broadcast %add3A_1101 : i32 to vector<32x1792xi32>
    %add3A_1103 = arith.addi %add3A_1092, %add3A_1102 : vector<32x1792xi32>
    %add3A_1104 = arith.constant -514511543 : i32
    %add3A_1105 = vector.broadcast %add3A_1104 : i32 to vector<32x1792xi32>
    %add3A_1106 = arith.addi %xor3A_1100, %add3A_1105 : vector<32x1792xi32>
    %add3A_1107 = arith.addi %add3A_1103, %add3A_1106 : vector<32x1792xi32>
    %shift_left3A_1108 = arith.constant 17 : i32
    %shift_left3A_1109 = vector.broadcast %shift_left3A_1108 : i32 to vector<32x1792xi32>
    %shift_left3A_1110 = arith.shli %add3A_1106, %shift_left3A_1109 : vector<32x1792xi32>
    %shift_right_logical3A_1111 = arith.constant 15 : i32
    %shift_right_logical3A_1112 = vector.broadcast %shift_right_logical3A_1111 : i32 to vector<32x1792xi32>
    %shift_right_logical3A_1113 = arith.shrui %add3A_1106, %shift_right_logical3A_1112 : vector<32x1792xi32>
    %or3A_1114 = arith.ori %shift_left3A_1110, %shift_right_logical3A_1113 : vector<32x1792xi32>
    %xor3A_1115 = arith.xori %add3A_1107, %or3A_1114 : vector<32x1792xi32>
    %add3A_1116 = arith.addi %add3A_1107, %xor3A_1115 : vector<32x1792xi32>
    %shift_left3A_1117 = arith.constant 29 : i32
    %shift_left3A_1118 = vector.broadcast %shift_left3A_1117 : i32 to vector<32x1792xi32>
    %shift_left3A_1119 = arith.shli %xor3A_1115, %shift_left3A_1118 : vector<32x1792xi32>
    %shift_right_logical3A_1120 = arith.constant 3 : i32
    %shift_right_logical3A_1121 = vector.broadcast %shift_right_logical3A_1120 : i32 to vector<32x1792xi32>
    %shift_right_logical3A_1122 = arith.shrui %xor3A_1115, %shift_right_logical3A_1121 : vector<32x1792xi32>
    %or3A_1123 = arith.ori %shift_left3A_1119, %shift_right_logical3A_1122 : vector<32x1792xi32>
    %xor3A_1124 = arith.xori %add3A_1116, %or3A_1123 : vector<32x1792xi32>
    %add3A_1125 = arith.addi %add3A_1116, %xor3A_1124 : vector<32x1792xi32>
    %shift_left3A_1126 = arith.constant 16 : i32
    %shift_left3A_1127 = vector.broadcast %shift_left3A_1126 : i32 to vector<32x1792xi32>
    %shift_left3A_1128 = arith.shli %xor3A_1124, %shift_left3A_1127 : vector<32x1792xi32>
    %shift_right_logical3A_1129 = arith.constant 16 : i32
    %shift_right_logical3A_1130 = vector.broadcast %shift_right_logical3A_1129 : i32 to vector<32x1792xi32>
    %shift_right_logical3A_1131 = arith.shrui %xor3A_1124, %shift_right_logical3A_1130 : vector<32x1792xi32>
    %or3A_1132 = arith.ori %shift_left3A_1128, %shift_right_logical3A_1131 : vector<32x1792xi32>
    %xor3A_1133 = arith.xori %add3A_1125, %or3A_1132 : vector<32x1792xi32>
    %add3A_1134 = arith.addi %add3A_1125, %xor3A_1133 : vector<32x1792xi32>
    %shift_left3A_1135 = arith.constant 24 : i32
    %shift_left3A_1136 = vector.broadcast %shift_left3A_1135 : i32 to vector<32x1792xi32>
    %shift_left3A_1137 = arith.shli %xor3A_1133, %shift_left3A_1136 : vector<32x1792xi32>
    %shift_right_logical3A_1138 = arith.constant 8 : i32
    %shift_right_logical3A_1139 = vector.broadcast %shift_right_logical3A_1138 : i32 to vector<32x1792xi32>
    %shift_right_logical3A_1140 = arith.shrui %xor3A_1133, %shift_right_logical3A_1139 : vector<32x1792xi32>
    %or3A_1141 = arith.ori %shift_left3A_1137, %shift_right_logical3A_1140 : vector<32x1792xi32>
    %xor3A_1142 = arith.xori %add3A_1134, %or3A_1141 : vector<32x1792xi32>
    %add3A_1143 = arith.constant -514511544 : i32
    %add3A_1144 = vector.broadcast %add3A_1143 : i32 to vector<32x1792xi32>
    %add3A_1145 = arith.addi %add3A_1134, %add3A_1144 : vector<32x1792xi32>
    %add3A_1146 = arith.constant 928981905 : i32
    %add3A_1147 = vector.broadcast %add3A_1146 : i32 to vector<32x1792xi32>
    %add3A_1148 = arith.addi %xor3A_1142, %add3A_1147 : vector<32x1792xi32>
    %add3A_1149 = arith.addi %add3A_1145, %add3A_1148 : vector<32x1792xi32>
    %shift_left3A_1150 = arith.constant 13 : i32
    %shift_left3A_1151 = vector.broadcast %shift_left3A_1150 : i32 to vector<32x1792xi32>
    %shift_left3A_1152 = arith.shli %add3A_1148, %shift_left3A_1151 : vector<32x1792xi32>
    %shift_right_logical3A_1153 = arith.constant 19 : i32
    %shift_right_logical3A_1154 = vector.broadcast %shift_right_logical3A_1153 : i32 to vector<32x1792xi32>
    %shift_right_logical3A_1155 = arith.shrui %add3A_1148, %shift_right_logical3A_1154 : vector<32x1792xi32>
    %or3A_1156 = arith.ori %shift_left3A_1152, %shift_right_logical3A_1155 : vector<32x1792xi32>
    %xor3A_1157 = arith.xori %add3A_1149, %or3A_1156 : vector<32x1792xi32>
    %add3A_1158 = arith.addi %add3A_1149, %xor3A_1157 : vector<32x1792xi32>
    %shift_left3A_1159 = arith.constant 15 : i32
    %shift_left3A_1160 = vector.broadcast %shift_left3A_1159 : i32 to vector<32x1792xi32>
    %shift_left3A_1161 = arith.shli %xor3A_1157, %shift_left3A_1160 : vector<32x1792xi32>
    %shift_right_logical3A_1162 = arith.constant 17 : i32
    %shift_right_logical3A_1163 = vector.broadcast %shift_right_logical3A_1162 : i32 to vector<32x1792xi32>
    %shift_right_logical3A_1164 = arith.shrui %xor3A_1157, %shift_right_logical3A_1163 : vector<32x1792xi32>
    %or3A_1165 = arith.ori %shift_left3A_1161, %shift_right_logical3A_1164 : vector<32x1792xi32>
    %xor3A_1166 = arith.xori %add3A_1158, %or3A_1165 : vector<32x1792xi32>
    %add3A_1167 = arith.addi %add3A_1158, %xor3A_1166 : vector<32x1792xi32>
    %shift_left3A_1168 = arith.constant 26 : i32
    %shift_left3A_1169 = vector.broadcast %shift_left3A_1168 : i32 to vector<32x1792xi32>
    %shift_left3A_1170 = arith.shli %xor3A_1166, %shift_left3A_1169 : vector<32x1792xi32>
    %shift_right_logical3A_1171 = arith.constant 6 : i32
    %shift_right_logical3A_1172 = vector.broadcast %shift_right_logical3A_1171 : i32 to vector<32x1792xi32>
    %shift_right_logical3A_1173 = arith.shrui %xor3A_1166, %shift_right_logical3A_1172 : vector<32x1792xi32>
    %or3A_1174 = arith.ori %shift_left3A_1170, %shift_right_logical3A_1173 : vector<32x1792xi32>
    %xor3A_1175 = arith.xori %add3A_1167, %or3A_1174 : vector<32x1792xi32>
    %add3A_1176 = arith.addi %add3A_1167, %xor3A_1175 : vector<32x1792xi32>
    %shift_left3A_1177 = arith.constant 6 : i32
    %shift_left3A_1178 = vector.broadcast %shift_left3A_1177 : i32 to vector<32x1792xi32>
    %shift_left3A_1179 = arith.shli %xor3A_1175, %shift_left3A_1178 : vector<32x1792xi32>
    %shift_right_logical3A_1180 = arith.constant 26 : i32
    %shift_right_logical3A_1181 = vector.broadcast %shift_right_logical3A_1180 : i32 to vector<32x1792xi32>
    %shift_right_logical3A_1182 = arith.shrui %xor3A_1175, %shift_right_logical3A_1181 : vector<32x1792xi32>
    %or3A_1183 = arith.ori %shift_left3A_1179, %shift_right_logical3A_1182 : vector<32x1792xi32>
    %xor3A_1184 = arith.xori %add3A_1176, %or3A_1183 : vector<32x1792xi32>
    %add3A_1185 = arith.constant 928981903 : i32
    %add3A_1186 = vector.broadcast %add3A_1185 : i32 to vector<32x1792xi32>
    %add3A_1187 = arith.addi %add3A_1176, %add3A_1186 : vector<32x1792xi32>
    %add3A_1188 = arith.constant -841280224 : i32
    %add3A_1189 = vector.broadcast %add3A_1188 : i32 to vector<32x1792xi32>
    %add3A_1190 = arith.addi %xor3A_1184, %add3A_1189 : vector<32x1792xi32>
    %add3A_1191 = arith.addi %add3A_1187, %add3A_1190 : vector<32x1792xi32>
    %shift_left3A_1192 = arith.constant 17 : i32
    %shift_left3A_1193 = vector.broadcast %shift_left3A_1192 : i32 to vector<32x1792xi32>
    %shift_left3A_1194 = arith.shli %add3A_1190, %shift_left3A_1193 : vector<32x1792xi32>
    %shift_right_logical3A_1195 = arith.constant 15 : i32
    %shift_right_logical3A_1196 = vector.broadcast %shift_right_logical3A_1195 : i32 to vector<32x1792xi32>
    %shift_right_logical3A_1197 = arith.shrui %add3A_1190, %shift_right_logical3A_1196 : vector<32x1792xi32>
    %or3A_1198 = arith.ori %shift_left3A_1194, %shift_right_logical3A_1197 : vector<32x1792xi32>
    %xor3A_1199 = arith.xori %add3A_1191, %or3A_1198 : vector<32x1792xi32>
    %add3A_1200 = arith.addi %add3A_1191, %xor3A_1199 : vector<32x1792xi32>
    %shift_left3A_1201 = arith.constant 29 : i32
    %shift_left3A_1202 = vector.broadcast %shift_left3A_1201 : i32 to vector<32x1792xi32>
    %shift_left3A_1203 = arith.shli %xor3A_1199, %shift_left3A_1202 : vector<32x1792xi32>
    %shift_right_logical3A_1204 = arith.constant 3 : i32
    %shift_right_logical3A_1205 = vector.broadcast %shift_right_logical3A_1204 : i32 to vector<32x1792xi32>
    %shift_right_logical3A_1206 = arith.shrui %xor3A_1199, %shift_right_logical3A_1205 : vector<32x1792xi32>
    %or3A_1207 = arith.ori %shift_left3A_1203, %shift_right_logical3A_1206 : vector<32x1792xi32>
    %xor3A_1208 = arith.xori %add3A_1200, %or3A_1207 : vector<32x1792xi32>
    %add3A_1209 = arith.addi %add3A_1200, %xor3A_1208 : vector<32x1792xi32>
    %shift_left3A_1210 = arith.constant 16 : i32
    %shift_left3A_1211 = vector.broadcast %shift_left3A_1210 : i32 to vector<32x1792xi32>
    %shift_left3A_1212 = arith.shli %xor3A_1208, %shift_left3A_1211 : vector<32x1792xi32>
    %shift_right_logical3A_1213 = arith.constant 16 : i32
    %shift_right_logical3A_1214 = vector.broadcast %shift_right_logical3A_1213 : i32 to vector<32x1792xi32>
    %shift_right_logical3A_1215 = arith.shrui %xor3A_1208, %shift_right_logical3A_1214 : vector<32x1792xi32>
    %or3A_1216 = arith.ori %shift_left3A_1212, %shift_right_logical3A_1215 : vector<32x1792xi32>
    %xor3A_1217 = arith.xori %add3A_1209, %or3A_1216 : vector<32x1792xi32>
    %add3A_1218 = arith.addi %add3A_1209, %xor3A_1217 : vector<32x1792xi32>
    %shift_left3A_1219 = arith.constant 24 : i32
    %shift_left3A_1220 = vector.broadcast %shift_left3A_1219 : i32 to vector<32x1792xi32>
    %shift_left3A_1221 = arith.shli %xor3A_1217, %shift_left3A_1220 : vector<32x1792xi32>
    %shift_right_logical3A_1222 = arith.constant 8 : i32
    %shift_right_logical3A_1223 = vector.broadcast %shift_right_logical3A_1222 : i32 to vector<32x1792xi32>
    %shift_right_logical3A_1224 = arith.shrui %xor3A_1217, %shift_right_logical3A_1223 : vector<32x1792xi32>
    %or3A_1225 = arith.ori %shift_left3A_1221, %shift_right_logical3A_1224 : vector<32x1792xi32>
    %xor3A_1226 = arith.xori %add3A_1218, %or3A_1225 : vector<32x1792xi32>
    %add3A_1227 = arith.constant -841280227 : i32
    %add3A_1228 = vector.broadcast %add3A_1227 : i32 to vector<32x1792xi32>
    %add3A_1229 = arith.addi %add3A_1218, %add3A_1228 : vector<32x1792xi32>
    %add3A_1230 = arith.constant -514511540 : i32
    %add3A_1231 = vector.broadcast %add3A_1230 : i32 to vector<32x1792xi32>
    %add3A_1232 = arith.addi %xor3A_1226, %add3A_1231 : vector<32x1792xi32>
    %add3A_1233 = arith.addi %add3A_1229, %add3A_1232 : vector<32x1792xi32>
    %shift_left3A_1234 = arith.constant 13 : i32
    %shift_left3A_1235 = vector.broadcast %shift_left3A_1234 : i32 to vector<32x1792xi32>
    %shift_left3A_1236 = arith.shli %add3A_1232, %shift_left3A_1235 : vector<32x1792xi32>
    %shift_right_logical3A_1237 = arith.constant 19 : i32
    %shift_right_logical3A_1238 = vector.broadcast %shift_right_logical3A_1237 : i32 to vector<32x1792xi32>
    %shift_right_logical3A_1239 = arith.shrui %add3A_1232, %shift_right_logical3A_1238 : vector<32x1792xi32>
    %or3A_1240 = arith.ori %shift_left3A_1236, %shift_right_logical3A_1239 : vector<32x1792xi32>
    %xor3A_1241 = arith.xori %add3A_1233, %or3A_1240 : vector<32x1792xi32>
    %add3A_1242 = arith.addi %add3A_1233, %xor3A_1241 : vector<32x1792xi32>
    %shift_left3A_1243 = arith.constant 15 : i32
    %shift_left3A_1244 = vector.broadcast %shift_left3A_1243 : i32 to vector<32x1792xi32>
    %shift_left3A_1245 = arith.shli %xor3A_1241, %shift_left3A_1244 : vector<32x1792xi32>
    %shift_right_logical3A_1246 = arith.constant 17 : i32
    %shift_right_logical3A_1247 = vector.broadcast %shift_right_logical3A_1246 : i32 to vector<32x1792xi32>
    %shift_right_logical3A_1248 = arith.shrui %xor3A_1241, %shift_right_logical3A_1247 : vector<32x1792xi32>
    %or3A_1249 = arith.ori %shift_left3A_1245, %shift_right_logical3A_1248 : vector<32x1792xi32>
    %xor3A_1250 = arith.xori %add3A_1242, %or3A_1249 : vector<32x1792xi32>
    %add3A_1251 = arith.addi %add3A_1242, %xor3A_1250 : vector<32x1792xi32>
    %shift_left3A_1252 = arith.constant 26 : i32
    %shift_left3A_1253 = vector.broadcast %shift_left3A_1252 : i32 to vector<32x1792xi32>
    %shift_left3A_1254 = arith.shli %xor3A_1250, %shift_left3A_1253 : vector<32x1792xi32>
    %shift_right_logical3A_1255 = arith.constant 6 : i32
    %shift_right_logical3A_1256 = vector.broadcast %shift_right_logical3A_1255 : i32 to vector<32x1792xi32>
    %shift_right_logical3A_1257 = arith.shrui %xor3A_1250, %shift_right_logical3A_1256 : vector<32x1792xi32>
    %or3A_1258 = arith.ori %shift_left3A_1254, %shift_right_logical3A_1257 : vector<32x1792xi32>
    %xor3A_1259 = arith.xori %add3A_1251, %or3A_1258 : vector<32x1792xi32>
    %add3A_1260 = arith.addi %add3A_1251, %xor3A_1259 : vector<32x1792xi32>
    %shift_left3A_1261 = arith.constant 6 : i32
    %shift_left3A_1262 = vector.broadcast %shift_left3A_1261 : i32 to vector<32x1792xi32>
    %shift_left3A_1263 = arith.shli %xor3A_1259, %shift_left3A_1262 : vector<32x1792xi32>
    %shift_right_logical3A_1264 = arith.constant 26 : i32
    %shift_right_logical3A_1265 = vector.broadcast %shift_right_logical3A_1264 : i32 to vector<32x1792xi32>
    %shift_right_logical3A_1266 = arith.shrui %xor3A_1259, %shift_right_logical3A_1265 : vector<32x1792xi32>
    %or3A_1267 = arith.ori %shift_left3A_1263, %shift_right_logical3A_1266 : vector<32x1792xi32>
    %xor3A_1268 = arith.xori %add3A_1260, %or3A_1267 : vector<32x1792xi32>
    %add3A_1269 = arith.constant -514511544 : i32
    %add3A_1270 = vector.broadcast %add3A_1269 : i32 to vector<32x1792xi32>
    %add3A_1271 = arith.addi %add3A_1260, %add3A_1270 : vector<32x1792xi32>
    %add3A_1272 = arith.constant 928981908 : i32
    %add3A_1273 = vector.broadcast %add3A_1272 : i32 to vector<32x1792xi32>
    %add3A_1274 = arith.addi %xor3A_1268, %add3A_1273 : vector<32x1792xi32>
    %xor3A_1275 = arith.xori %add3A_1271, %add3A_1274 : vector<32x1792xi32>
    %shift_right_logical3A_1276 = arith.constant 9 : i32
    %shift_right_logical3A_1277 = vector.broadcast %shift_right_logical3A_1276 : i32 to vector<32x1792xi32>
    %shift_right_logical3A_1278 = arith.shrui %xor3A_1275, %shift_right_logical3A_1277 : vector<32x1792xi32>
    %or3A_1279 = arith.constant 1065353216 : i32
    %or3A_1280 = vector.broadcast %or3A_1279 : i32 to vector<32x1792xi32>
    %or3A_1281 = arith.ori %shift_right_logical3A_1278, %or3A_1280 : vector<32x1792xi32>
    %bitcast_convert_type3A_1282 = tpu.bitcast %or3A_1281 : vector<32x1792xi32> -> vector<32x1792xf32>
    %sub3A_1283 = arith.constant 1.000000e+00 : f32
    %sub3A_1284 = vector.broadcast %sub3A_1283 : f32 to vector<32x1792xf32>
    %sub3A_1285 = arith.subf %bitcast_convert_type3A_1282, %sub3A_1284 : vector<32x1792xf32>
    %log3A_1286 = math.log %sub3A_1285 : vector<32x1792xf32>
    %neg3A_1287 = arith.constant 0.000000e+00 : f32
    %neg3A_1288 = vector.broadcast %neg3A_1287 : f32 to vector<32x1792xf32>
    %neg3A_1289 = arith.subf %neg3A_1288, %log3A_1286 : vector<32x1792xf32>
    %log3A_1290 = math.log %neg3A_1289 : vector<32x1792xf32>
    %neg3A_1291 = arith.constant 0.000000e+00 : f32
    %neg3A_1292 = vector.broadcast %neg3A_1291 : f32 to vector<32x1792xf32>
    %neg3A_1293 = arith.subf %neg3A_1292, %log3A_1290 : vector<32x1792xf32>
    %add3A_1294 = arith.addf %select_n3A, %neg3A_1293 : vector<32x1792xf32>
    %reduce_max3A_1295 = arith.constant dense<0xFF800000> : vector<32xf32>
    %reduce_max3A_1296 = vector.multi_reduction <maximumf>, %add3A_1294, %reduce_max3A_1295 [1] : vector<32x1792xf32> to vector<32xf32>
    %broadcast_in_dim3A_1297 = vector.shape_cast %reduce_max3A_1296 : vector<32xf32> to vector<32x1xf32>
    %get3A_1298 = arith.constant 0 : index
    %get3A_1299 = arith.constant 0 : index
    %get3A_1300 = vector.load %arg11[%get3A_1298, %get3A_1299] : memref<32x128xf32, #tpu.memory_space<vmem>>, vector<32x128xf32>
    %gt3A_1301 = vector.broadcast %broadcast_in_dim3A_1297 : vector<32x1xf32> to vector<32x128xf32>
    %gt3A_1302 = arith.cmpf ogt, %gt3A_1301, %get3A_1300 : vector<32x128xf32>
    %broadcast_in_dim3A_1303 = vector.shape_cast %broadcast_in_dim3A_1297 : vector<32x1xf32> to vector<32x1xf32>
    %broadcast_in_dim3A_1304 = vector.broadcast %broadcast_in_dim3A_1303 : vector<32x1xf32> to vector<32x128xf32>
    %select_n3A_1305 = arith.select %gt3A_1302, %broadcast_in_dim3A_1304, %get3A_1300 : vector<32x128xi1>, vector<32x128xf32>
    %swap3A_1306 = arith.constant 0 : index
    %swap3A_1307 = arith.constant 0 : index
    %swap3A_1308 = vector.load %arg11[%swap3A_1306, %swap3A_1307] : memref<32x128xf32, #tpu.memory_space<vmem>>, vector<32x128xf32>
    tpu.vector_store %arg11[%swap3A_1306, %swap3A_1307], %select_n3A_1305 {strides = array<i32>} : memref<32x128xf32, #tpu.memory_space<vmem>>, vector<32x128xf32>,
    %get3A_1309 = arith.constant 0 : index
    %get3A_1310 = arith.constant 0 : index
    %get3A_1311 = vector.load %arg21[%get3A_1309, %get3A_1310] : memref<32x128xi32, #tpu.memory_space<vmem>>, vector<32x128xi32>
    %broadcast_in_dim3A_1312 = vector.broadcast %arg0 : i32 to vector<32x128xi32>
    %select_n3A_1313 = arith.select %gt3A_1302, %broadcast_in_dim3A_1312, %get3A_1311 : vector<32x128xi1>, vector<32x128xi32>
    %swap3A_1314 = arith.constant 0 : index
    %swap3A_1315 = arith.constant 0 : index
    %swap3A_1316 = vector.load %arg21[%swap3A_1314, %swap3A_1315] : memref<32x128xi32, #tpu.memory_space<vmem>>, vector<32x128xi32>
    tpu.vector_store %arg21[%swap3A_1314, %swap3A_1315], %select_n3A_1313 {strides = array<i32>} : memref<32x128xi32, #tpu.memory_space<vmem>>, vector<32x128xi32>,
    %add3A_1317 = arith.constant -681280227 : i32
    %add3A_1318 = vector.broadcast %add3A_1317 : i32 to vector<32x1792xi32>
    %add3A_1319 = arith.addi %add3A_39, %add3A_1318 : vector<32x1792xi32>
    %broadcast_in_dim3A_1320 = arith.constant 928981903 : i32
    %broadcast_in_dim3A_1321 = vector.broadcast %broadcast_in_dim3A_1320 : i32 to vector<32x1792xi32>
    %add3A_1322 = arith.addi %broadcast_in_dim3A_1321, %add3A_1319 : vector<32x1792xi32>
    %shift_left3A_1323 = arith.constant 13 : i32
    %shift_left3A_1324 = vector.broadcast %shift_left3A_1323 : i32 to vector<32x1792xi32>
    %shift_left3A_1325 = arith.shli %add3A_1319, %shift_left3A_1324 : vector<32x1792xi32>
    %shift_right_logical3A_1326 = arith.constant 19 : i32
    %shift_right_logical3A_1327 = vector.broadcast %shift_right_logical3A_1326 : i32 to vector<32x1792xi32>
    %shift_right_logical3A_1328 = arith.shrui %add3A_1319, %shift_right_logical3A_1327 : vector<32x1792xi32>
    %or3A_1329 = arith.ori %shift_left3A_1325, %shift_right_logical3A_1328 : vector<32x1792xi32>
    %xor3A_1330 = arith.xori %add3A_1322, %or3A_1329 : vector<32x1792xi32>
    %add3A_1331 = arith.addi %add3A_1322, %xor3A_1330 : vector<32x1792xi32>
    %shift_left3A_1332 = arith.constant 15 : i32
    %shift_left3A_1333 = vector.broadcast %shift_left3A_1332 : i32 to vector<32x1792xi32>
    %shift_left3A_1334 = arith.shli %xor3A_1330, %shift_left3A_1333 : vector<32x1792xi32>
    %shift_right_logical3A_1335 = arith.constant 17 : i32
    %shift_right_logical3A_1336 = vector.broadcast %shift_right_logical3A_1335 : i32 to vector<32x1792xi32>
    %shift_right_logical3A_1337 = arith.shrui %xor3A_1330, %shift_right_logical3A_1336 : vector<32x1792xi32>
    %or3A_1338 = arith.ori %shift_left3A_1334, %shift_right_logical3A_1337 : vector<32x1792xi32>
    %xor3A_1339 = arith.xori %add3A_1331, %or3A_1338 : vector<32x1792xi32>
    %add3A_1340 = arith.addi %add3A_1331, %xor3A_1339 : vector<32x1792xi32>
    %shift_left3A_1341 = arith.constant 26 : i32
    %shift_left3A_1342 = vector.broadcast %shift_left3A_1341 : i32 to vector<32x1792xi32>
    %shift_left3A_1343 = arith.shli %xor3A_1339, %shift_left3A_1342 : vector<32x1792xi32>
    %shift_right_logical3A_1344 = arith.constant 6 : i32
    %shift_right_logical3A_1345 = vector.broadcast %shift_right_logical3A_1344 : i32 to vector<32x1792xi32>
    %shift_right_logical3A_1346 = arith.shrui %xor3A_1339, %shift_right_logical3A_1345 : vector<32x1792xi32>
    %or3A_1347 = arith.ori %shift_left3A_1343, %shift_right_logical3A_1346 : vector<32x1792xi32>
    %xor3A_1348 = arith.xori %add3A_1340, %or3A_1347 : vector<32x1792xi32>
    %add3A_1349 = arith.addi %add3A_1340, %xor3A_1348 : vector<32x1792xi32>
    %shift_left3A_1350 = arith.constant 6 : i32
    %shift_left3A_1351 = vector.broadcast %shift_left3A_1350 : i32 to vector<32x1792xi32>
    %shift_left3A_1352 = arith.shli %xor3A_1348, %shift_left3A_1351 : vector<32x1792xi32>
    %shift_right_logical3A_1353 = arith.constant 26 : i32
    %shift_right_logical3A_1354 = vector.broadcast %shift_right_logical3A_1353 : i32 to vector<32x1792xi32>
    %shift_right_logical3A_1355 = arith.shrui %xor3A_1348, %shift_right_logical3A_1354 : vector<32x1792xi32>
    %or3A_1356 = arith.ori %shift_left3A_1352, %shift_right_logical3A_1355 : vector<32x1792xi32>
    %xor3A_1357 = arith.xori %add3A_1349, %or3A_1356 : vector<32x1792xi32>
    %add3A_1358 = arith.constant -841280227 : i32
    %add3A_1359 = vector.broadcast %add3A_1358 : i32 to vector<32x1792xi32>
    %add3A_1360 = arith.addi %add3A_1349, %add3A_1359 : vector<32x1792xi32>
    %add3A_1361 = arith.constant -514511543 : i32
    %add3A_1362 = vector.broadcast %add3A_1361 : i32 to vector<32x1792xi32>
    %add3A_1363 = arith.addi %xor3A_1357, %add3A_1362 : vector<32x1792xi32>
    %add3A_1364 = arith.addi %add3A_1360, %add3A_1363 : vector<32x1792xi32>
    %shift_left3A_1365 = arith.constant 17 : i32
    %shift_left3A_1366 = vector.broadcast %shift_left3A_1365 : i32 to vector<32x1792xi32>
    %shift_left3A_1367 = arith.shli %add3A_1363, %shift_left3A_1366 : vector<32x1792xi32>
    %shift_right_logical3A_1368 = arith.constant 15 : i32
    %shift_right_logical3A_1369 = vector.broadcast %shift_right_logical3A_1368 : i32 to vector<32x1792xi32>
    %shift_right_logical3A_1370 = arith.shrui %add3A_1363, %shift_right_logical3A_1369 : vector<32x1792xi32>
    %or3A_1371 = arith.ori %shift_left3A_1367, %shift_right_logical3A_1370 : vector<32x1792xi32>
    %xor3A_1372 = arith.xori %add3A_1364, %or3A_1371 : vector<32x1792xi32>
    %add3A_1373 = arith.addi %add3A_1364, %xor3A_1372 : vector<32x1792xi32>
    %shift_left3A_1374 = arith.constant 29 : i32
    %shift_left3A_1375 = vector.broadcast %shift_left3A_1374 : i32 to vector<32x1792xi32>
    %shift_left3A_1376 = arith.shli %xor3A_1372, %shift_left3A_1375 : vector<32x1792xi32>
    %shift_right_logical3A_1377 = arith.constant 3 : i32
    %shift_right_logical3A_1378 = vector.broadcast %shift_right_logical3A_1377 : i32 to vector<32x1792xi32>
    %shift_right_logical3A_1379 = arith.shrui %xor3A_1372, %shift_right_logical3A_1378 : vector<32x1792xi32>
    %or3A_1380 = arith.ori %shift_left3A_1376, %shift_right_logical3A_1379 : vector<32x1792xi32>
    %xor3A_1381 = arith.xori %add3A_1373, %or3A_1380 : vector<32x1792xi32>
    %add3A_1382 = arith.addi %add3A_1373, %xor3A_1381 : vector<32x1792xi32>
    %shift_left3A_1383 = arith.constant 16 : i32
    %shift_left3A_1384 = vector.broadcast %shift_left3A_1383 : i32 to vector<32x1792xi32>
    %shift_left3A_1385 = arith.shli %xor3A_1381, %shift_left3A_1384 : vector<32x1792xi32>
    %shift_right_logical3A_1386 = arith.constant 16 : i32
    %shift_right_logical3A_1387 = vector.broadcast %shift_right_logical3A_1386 : i32 to vector<32x1792xi32>
    %shift_right_logical3A_1388 = arith.shrui %xor3A_1381, %shift_right_logical3A_1387 : vector<32x1792xi32>
    %or3A_1389 = arith.ori %shift_left3A_1385, %shift_right_logical3A_1388 : vector<32x1792xi32>
    %xor3A_1390 = arith.xori %add3A_1382, %or3A_1389 : vector<32x1792xi32>
    %add3A_1391 = arith.addi %add3A_1382, %xor3A_1390 : vector<32x1792xi32>
    %shift_left3A_1392 = arith.constant 24 : i32
    %shift_left3A_1393 = vector.broadcast %shift_left3A_1392 : i32 to vector<32x1792xi32>
    %shift_left3A_1394 = arith.shli %xor3A_1390, %shift_left3A_1393 : vector<32x1792xi32>
    %shift_right_logical3A_1395 = arith.constant 8 : i32
    %shift_right_logical3A_1396 = vector.broadcast %shift_right_logical3A_1395 : i32 to vector<32x1792xi32>
    %shift_right_logical3A_1397 = arith.shrui %xor3A_1390, %shift_right_logical3A_1396 : vector<32x1792xi32>
    %or3A_1398 = arith.ori %shift_left3A_1394, %shift_right_logical3A_1397 : vector<32x1792xi32>
    %xor3A_1399 = arith.xori %add3A_1391, %or3A_1398 : vector<32x1792xi32>
    %add3A_1400 = arith.constant -514511544 : i32
    %add3A_1401 = vector.broadcast %add3A_1400 : i32 to vector<32x1792xi32>
    %add3A_1402 = arith.addi %add3A_1391, %add3A_1401 : vector<32x1792xi32>
    %add3A_1403 = arith.constant 928981905 : i32
    %add3A_1404 = vector.broadcast %add3A_1403 : i32 to vector<32x1792xi32>
    %add3A_1405 = arith.addi %xor3A_1399, %add3A_1404 : vector<32x1792xi32>
    %add3A_1406 = arith.addi %add3A_1402, %add3A_1405 : vector<32x1792xi32>
    %shift_left3A_1407 = arith.constant 13 : i32
    %shift_left3A_1408 = vector.broadcast %shift_left3A_1407 : i32 to vector<32x1792xi32>
    %shift_left3A_1409 = arith.shli %add3A_1405, %shift_left3A_1408 : vector<32x1792xi32>
    %shift_right_logical3A_1410 = arith.constant 19 : i32
    %shift_right_logical3A_1411 = vector.broadcast %shift_right_logical3A_1410 : i32 to vector<32x1792xi32>
    %shift_right_logical3A_1412 = arith.shrui %add3A_1405, %shift_right_logical3A_1411 : vector<32x1792xi32>
    %or3A_1413 = arith.ori %shift_left3A_1409, %shift_right_logical3A_1412 : vector<32x1792xi32>
    %xor3A_1414 = arith.xori %add3A_1406, %or3A_1413 : vector<32x1792xi32>
    %add3A_1415 = arith.addi %add3A_1406, %xor3A_1414 : vector<32x1792xi32>
    %shift_left3A_1416 = arith.constant 15 : i32
    %shift_left3A_1417 = vector.broadcast %shift_left3A_1416 : i32 to vector<32x1792xi32>
    %shift_left3A_1418 = arith.shli %xor3A_1414, %shift_left3A_1417 : vector<32x1792xi32>
    %shift_right_logical3A_1419 = arith.constant 17 : i32
    %shift_right_logical3A_1420 = vector.broadcast %shift_right_logical3A_1419 : i32 to vector<32x1792xi32>
    %shift_right_logical3A_1421 = arith.shrui %xor3A_1414, %shift_right_logical3A_1420 : vector<32x1792xi32>
    %or3A_1422 = arith.ori %shift_left3A_1418, %shift_right_logical3A_1421 : vector<32x1792xi32>
    %xor3A_1423 = arith.xori %add3A_1415, %or3A_1422 : vector<32x1792xi32>
    %add3A_1424 = arith.addi %add3A_1415, %xor3A_1423 : vector<32x1792xi32>
    %shift_left3A_1425 = arith.constant 26 : i32
    %shift_left3A_1426 = vector.broadcast %shift_left3A_1425 : i32 to vector<32x1792xi32>
    %shift_left3A_1427 = arith.shli %xor3A_1423, %shift_left3A_1426 : vector<32x1792xi32>
    %shift_right_logical3A_1428 = arith.constant 6 : i32
    %shift_right_logical3A_1429 = vector.broadcast %shift_right_logical3A_1428 : i32 to vector<32x1792xi32>
    %shift_right_logical3A_1430 = arith.shrui %xor3A_1423, %shift_right_logical3A_1429 : vector<32x1792xi32>
    %or3A_1431 = arith.ori %shift_left3A_1427, %shift_right_logical3A_1430 : vector<32x1792xi32>
    %xor3A_1432 = arith.xori %add3A_1424, %or3A_1431 : vector<32x1792xi32>
    %add3A_1433 = arith.addi %add3A_1424, %xor3A_1432 : vector<32x1792xi32>
    %shift_left3A_1434 = arith.constant 6 : i32
    %shift_left3A_1435 = vector.broadcast %shift_left3A_1434 : i32 to vector<32x1792xi32>
    %shift_left3A_1436 = arith.shli %xor3A_1432, %shift_left3A_1435 : vector<32x1792xi32>
    %shift_right_logical3A_1437 = arith.constant 26 : i32
    %shift_right_logical3A_1438 = vector.broadcast %shift_right_logical3A_1437 : i32 to vector<32x1792xi32>
    %shift_right_logical3A_1439 = arith.shrui %xor3A_1432, %shift_right_logical3A_1438 : vector<32x1792xi32>
    %or3A_1440 = arith.ori %shift_left3A_1436, %shift_right_logical3A_1439 : vector<32x1792xi32>
    %xor3A_1441 = arith.xori %add3A_1433, %or3A_1440 : vector<32x1792xi32>
    %add3A_1442 = arith.constant 928981903 : i32
    %add3A_1443 = vector.broadcast %add3A_1442 : i32 to vector<32x1792xi32>
    %add3A_1444 = arith.addi %add3A_1433, %add3A_1443 : vector<32x1792xi32>
    %add3A_1445 = arith.constant -841280224 : i32
    %add3A_1446 = vector.broadcast %add3A_1445 : i32 to vector<32x1792xi32>
    %add3A_1447 = arith.addi %xor3A_1441, %add3A_1446 : vector<32x1792xi32>
    %add3A_1448 = arith.addi %add3A_1444, %add3A_1447 : vector<32x1792xi32>
    %shift_left3A_1449 = arith.constant 17 : i32
    %shift_left3A_1450 = vector.broadcast %shift_left3A_1449 : i32 to vector<32x1792xi32>
    %shift_left3A_1451 = arith.shli %add3A_1447, %shift_left3A_1450 : vector<32x1792xi32>
    %shift_right_logical3A_1452 = arith.constant 15 : i32
    %shift_right_logical3A_1453 = vector.broadcast %shift_right_logical3A_1452 : i32 to vector<32x1792xi32>
    %shift_right_logical3A_1454 = arith.shrui %add3A_1447, %shift_right_logical3A_1453 : vector<32x1792xi32>
    %or3A_1455 = arith.ori %shift_left3A_1451, %shift_right_logical3A_1454 : vector<32x1792xi32>
    %xor3A_1456 = arith.xori %add3A_1448, %or3A_1455 : vector<32x1792xi32>
    %add3A_1457 = arith.addi %add3A_1448, %xor3A_1456 : vector<32x1792xi32>
    %shift_left3A_1458 = arith.constant 29 : i32
    %shift_left3A_1459 = vector.broadcast %shift_left3A_1458 : i32 to vector<32x1792xi32>
    %shift_left3A_1460 = arith.shli %xor3A_1456, %shift_left3A_1459 : vector<32x1792xi32>
    %shift_right_logical3A_1461 = arith.constant 3 : i32
    %shift_right_logical3A_1462 = vector.broadcast %shift_right_logical3A_1461 : i32 to vector<32x1792xi32>
    %shift_right_logical3A_1463 = arith.shrui %xor3A_1456, %shift_right_logical3A_1462 : vector<32x1792xi32>
    %or3A_1464 = arith.ori %shift_left3A_1460, %shift_right_logical3A_1463 : vector<32x1792xi32>
    %xor3A_1465 = arith.xori %add3A_1457, %or3A_1464 : vector<32x1792xi32>
    %add3A_1466 = arith.addi %add3A_1457, %xor3A_1465 : vector<32x1792xi32>
    %shift_left3A_1467 = arith.constant 16 : i32
    %shift_left3A_1468 = vector.broadcast %shift_left3A_1467 : i32 to vector<32x1792xi32>
    %shift_left3A_1469 = arith.shli %xor3A_1465, %shift_left3A_1468 : vector<32x1792xi32>
    %shift_right_logical3A_1470 = arith.constant 16 : i32
    %shift_right_logical3A_1471 = vector.broadcast %shift_right_logical3A_1470 : i32 to vector<32x1792xi32>
    %shift_right_logical3A_1472 = arith.shrui %xor3A_1465, %shift_right_logical3A_1471 : vector<32x1792xi32>
    %or3A_1473 = arith.ori %shift_left3A_1469, %shift_right_logical3A_1472 : vector<32x1792xi32>
    %xor3A_1474 = arith.xori %add3A_1466, %or3A_1473 : vector<32x1792xi32>
    %add3A_1475 = arith.addi %add3A_1466, %xor3A_1474 : vector<32x1792xi32>
    %shift_left3A_1476 = arith.constant 24 : i32
    %shift_left3A_1477 = vector.broadcast %shift_left3A_1476 : i32 to vector<32x1792xi32>
    %shift_left3A_1478 = arith.shli %xor3A_1474, %shift_left3A_1477 : vector<32x1792xi32>
    %shift_right_logical3A_1479 = arith.constant 8 : i32
    %shift_right_logical3A_1480 = vector.broadcast %shift_right_logical3A_1479 : i32 to vector<32x1792xi32>
    %shift_right_logical3A_1481 = arith.shrui %xor3A_1474, %shift_right_logical3A_1480 : vector<32x1792xi32>
    %or3A_1482 = arith.ori %shift_left3A_1478, %shift_right_logical3A_1481 : vector<32x1792xi32>
    %xor3A_1483 = arith.xori %add3A_1475, %or3A_1482 : vector<32x1792xi32>
    %add3A_1484 = arith.constant -841280227 : i32
    %add3A_1485 = vector.broadcast %add3A_1484 : i32 to vector<32x1792xi32>
    %add3A_1486 = arith.addi %add3A_1475, %add3A_1485 : vector<32x1792xi32>
    %add3A_1487 = arith.constant -514511540 : i32
    %add3A_1488 = vector.broadcast %add3A_1487 : i32 to vector<32x1792xi32>
    %add3A_1489 = arith.addi %xor3A_1483, %add3A_1488 : vector<32x1792xi32>
    %add3A_1490 = arith.addi %add3A_1486, %add3A_1489 : vector<32x1792xi32>
    %shift_left3A_1491 = arith.constant 13 : i32
    %shift_left3A_1492 = vector.broadcast %shift_left3A_1491 : i32 to vector<32x1792xi32>
    %shift_left3A_1493 = arith.shli %add3A_1489, %shift_left3A_1492 : vector<32x1792xi32>
    %shift_right_logical3A_1494 = arith.constant 19 : i32
    %shift_right_logical3A_1495 = vector.broadcast %shift_right_logical3A_1494 : i32 to vector<32x1792xi32>
    %shift_right_logical3A_1496 = arith.shrui %add3A_1489, %shift_right_logical3A_1495 : vector<32x1792xi32>
    %or3A_1497 = arith.ori %shift_left3A_1493, %shift_right_logical3A_1496 : vector<32x1792xi32>
    %xor3A_1498 = arith.xori %add3A_1490, %or3A_1497 : vector<32x1792xi32>
    %add3A_1499 = arith.addi %add3A_1490, %xor3A_1498 : vector<32x1792xi32>
    %shift_left3A_1500 = arith.constant 15 : i32
    %shift_left3A_1501 = vector.broadcast %shift_left3A_1500 : i32 to vector<32x1792xi32>
    %shift_left3A_1502 = arith.shli %xor3A_1498, %shift_left3A_1501 : vector<32x1792xi32>
    %shift_right_logical3A_1503 = arith.constant 17 : i32
    %shift_right_logical3A_1504 = vector.broadcast %shift_right_logical3A_1503 : i32 to vector<32x1792xi32>
    %shift_right_logical3A_1505 = arith.shrui %xor3A_1498, %shift_right_logical3A_1504 : vector<32x1792xi32>
    %or3A_1506 = arith.ori %shift_left3A_1502, %shift_right_logical3A_1505 : vector<32x1792xi32>
    %xor3A_1507 = arith.xori %add3A_1499, %or3A_1506 : vector<32x1792xi32>
    %add3A_1508 = arith.addi %add3A_1499, %xor3A_1507 : vector<32x1792xi32>
    %shift_left3A_1509 = arith.constant 26 : i32
    %shift_left3A_1510 = vector.broadcast %shift_left3A_1509 : i32 to vector<32x1792xi32>
    %shift_left3A_1511 = arith.shli %xor3A_1507, %shift_left3A_1510 : vector<32x1792xi32>
    %shift_right_logical3A_1512 = arith.constant 6 : i32
    %shift_right_logical3A_1513 = vector.broadcast %shift_right_logical3A_1512 : i32 to vector<32x1792xi32>
    %shift_right_logical3A_1514 = arith.shrui %xor3A_1507, %shift_right_logical3A_1513 : vector<32x1792xi32>
    %or3A_1515 = arith.ori %shift_left3A_1511, %shift_right_logical3A_1514 : vector<32x1792xi32>
    %xor3A_1516 = arith.xori %add3A_1508, %or3A_1515 : vector<32x1792xi32>
    %add3A_1517 = arith.addi %add3A_1508, %xor3A_1516 : vector<32x1792xi32>
    %shift_left3A_1518 = arith.constant 6 : i32
    %shift_left3A_1519 = vector.broadcast %shift_left3A_1518 : i32 to vector<32x1792xi32>
    %shift_left3A_1520 = arith.shli %xor3A_1516, %shift_left3A_1519 : vector<32x1792xi32>
    %shift_right_logical3A_1521 = arith.constant 26 : i32
    %shift_right_logical3A_1522 = vector.broadcast %shift_right_logical3A_1521 : i32 to vector<32x1792xi32>
    %shift_right_logical3A_1523 = arith.shrui %xor3A_1516, %shift_right_logical3A_1522 : vector<32x1792xi32>
    %or3A_1524 = arith.ori %shift_left3A_1520, %shift_right_logical3A_1523 : vector<32x1792xi32>
    %xor3A_1525 = arith.xori %add3A_1517, %or3A_1524 : vector<32x1792xi32>
    %add3A_1526 = arith.constant -514511544 : i32
    %add3A_1527 = vector.broadcast %add3A_1526 : i32 to vector<32x1792xi32>
    %add3A_1528 = arith.addi %add3A_1517, %add3A_1527 : vector<32x1792xi32>
    %add3A_1529 = arith.constant 928981908 : i32
    %add3A_1530 = vector.broadcast %add3A_1529 : i32 to vector<32x1792xi32>
    %add3A_1531 = arith.addi %xor3A_1525, %add3A_1530 : vector<32x1792xi32>
    %xor3A_1532 = arith.xori %add3A_1528, %add3A_1531 : vector<32x1792xi32>
    %shift_right_logical3A_1533 = arith.constant 9 : i32
    %shift_right_logical3A_1534 = vector.broadcast %shift_right_logical3A_1533 : i32 to vector<32x1792xi32>
    %shift_right_logical3A_1535 = arith.shrui %xor3A_1532, %shift_right_logical3A_1534 : vector<32x1792xi32>
    %or3A_1536 = arith.constant 1065353216 : i32
    %or3A_1537 = vector.broadcast %or3A_1536 : i32 to vector<32x1792xi32>
    %or3A_1538 = arith.ori %shift_right_logical3A_1535, %or3A_1537 : vector<32x1792xi32>
    %bitcast_convert_type3A_1539 = tpu.bitcast %or3A_1538 : vector<32x1792xi32> -> vector<32x1792xf32>
    %sub3A_1540 = arith.constant 1.000000e+00 : f32
    %sub3A_1541 = vector.broadcast %sub3A_1540 : f32 to vector<32x1792xf32>
    %sub3A_1542 = arith.subf %bitcast_convert_type3A_1539, %sub3A_1541 : vector<32x1792xf32>
    %log3A_1543 = math.log %sub3A_1542 : vector<32x1792xf32>
    %neg3A_1544 = arith.constant 0.000000e+00 : f32
    %neg3A_1545 = vector.broadcast %neg3A_1544 : f32 to vector<32x1792xf32>
    %neg3A_1546 = arith.subf %neg3A_1545, %log3A_1543 : vector<32x1792xf32>
    %log3A_1547 = math.log %neg3A_1546 : vector<32x1792xf32>
    %neg3A_1548 = arith.constant 0.000000e+00 : f32
    %neg3A_1549 = vector.broadcast %neg3A_1548 : f32 to vector<32x1792xf32>
    %neg3A_1550 = arith.subf %neg3A_1549, %log3A_1547 : vector<32x1792xf32>
    %add3A_1551 = arith.addf %select_n3A, %neg3A_1550 : vector<32x1792xf32>
    %reduce_max3A_1552 = arith.constant dense<0xFF800000> : vector<32xf32>
    %reduce_max3A_1553 = vector.multi_reduction <maximumf>, %add3A_1551, %reduce_max3A_1552 [1] : vector<32x1792xf32> to vector<32xf32>
    %broadcast_in_dim3A_1554 = vector.shape_cast %reduce_max3A_1553 : vector<32xf32> to vector<32x1xf32>
    %get3A_1555 = arith.constant 0 : index
    %get3A_1556 = arith.constant 0 : index
    %get3A_1557 = vector.load %arg12[%get3A_1555, %get3A_1556] : memref<32x128xf32, #tpu.memory_space<vmem>>, vector<32x128xf32>
    %gt3A_1558 = vector.broadcast %broadcast_in_dim3A_1554 : vector<32x1xf32> to vector<32x128xf32>
    %gt3A_1559 = arith.cmpf ogt, %gt3A_1558, %get3A_1557 : vector<32x128xf32>
    %broadcast_in_dim3A_1560 = vector.shape_cast %broadcast_in_dim3A_1554 : vector<32x1xf32> to vector<32x1xf32>
    %broadcast_in_dim3A_1561 = vector.broadcast %broadcast_in_dim3A_1560 : vector<32x1xf32> to vector<32x128xf32>
    %select_n3A_1562 = arith.select %gt3A_1559, %broadcast_in_dim3A_1561, %get3A_1557 : vector<32x128xi1>, vector<32x128xf32>
    %swap3A_1563 = arith.constant 0 : index
    %swap3A_1564 = arith.constant 0 : index
    %swap3A_1565 = vector.load %arg12[%swap3A_1563, %swap3A_1564] : memref<32x128xf32, #tpu.memory_space<vmem>>, vector<32x128xf32>
    tpu.vector_store %arg12[%swap3A_1563, %swap3A_1564], %select_n3A_1562 {strides = array<i32>} : memref<32x128xf32, #tpu.memory_space<vmem>>, vector<32x128xf32>,
    %get3A_1566 = arith.constant 0 : index
    %get3A_1567 = arith.constant 0 : index
    %get3A_1568 = vector.load %arg22[%get3A_1566, %get3A_1567] : memref<32x128xi32, #tpu.memory_space<vmem>>, vector<32x128xi32>
    %broadcast_in_dim3A_1569 = vector.broadcast %arg0 : i32 to vector<32x128xi32>
    %select_n3A_1570 = arith.select %gt3A_1559, %broadcast_in_dim3A_1569, %get3A_1568 : vector<32x128xi1>, vector<32x128xi32>
    %swap3A_1571 = arith.constant 0 : index
    %swap3A_1572 = arith.constant 0 : index
    %swap3A_1573 = vector.load %arg22[%swap3A_1571, %swap3A_1572] : memref<32x128xi32, #tpu.memory_space<vmem>>, vector<32x128xi32>
    tpu.vector_store %arg22[%swap3A_1571, %swap3A_1572], %select_n3A_1570 {strides = array<i32>} : memref<32x128xi32, #tpu.memory_space<vmem>>, vector<32x128xi32>,
    %add3A_1574 = arith.constant -649280227 : i32
    %add3A_1575 = vector.broadcast %add3A_1574 : i32 to vector<32x1792xi32>
    %add3A_1576 = arith.addi %add3A_39, %add3A_1575 : vector<32x1792xi32>
    %broadcast_in_dim3A_1577 = arith.constant 928981903 : i32
    %broadcast_in_dim3A_1578 = vector.broadcast %broadcast_in_dim3A_1577 : i32 to vector<32x1792xi32>
    %add3A_1579 = arith.addi %broadcast_in_dim3A_1578, %add3A_1576 : vector<32x1792xi32>
    %shift_left3A_1580 = arith.constant 13 : i32
    %shift_left3A_1581 = vector.broadcast %shift_left3A_1580 : i32 to vector<32x1792xi32>
    %shift_left3A_1582 = arith.shli %add3A_1576, %shift_left3A_1581 : vector<32x1792xi32>
    %shift_right_logical3A_1583 = arith.constant 19 : i32
    %shift_right_logical3A_1584 = vector.broadcast %shift_right_logical3A_1583 : i32 to vector<32x1792xi32>
    %shift_right_logical3A_1585 = arith.shrui %add3A_1576, %shift_right_logical3A_1584 : vector<32x1792xi32>
    %or3A_1586 = arith.ori %shift_left3A_1582, %shift_right_logical3A_1585 : vector<32x1792xi32>
    %xor3A_1587 = arith.xori %add3A_1579, %or3A_1586 : vector<32x1792xi32>
    %add3A_1588 = arith.addi %add3A_1579, %xor3A_1587 : vector<32x1792xi32>
    %shift_left3A_1589 = arith.constant 15 : i32
    %shift_left3A_1590 = vector.broadcast %shift_left3A_1589 : i32 to vector<32x1792xi32>
    %shift_left3A_1591 = arith.shli %xor3A_1587, %shift_left3A_1590 : vector<32x1792xi32>
    %shift_right_logical3A_1592 = arith.constant 17 : i32
    %shift_right_logical3A_1593 = vector.broadcast %shift_right_logical3A_1592 : i32 to vector<32x1792xi32>
    %shift_right_logical3A_1594 = arith.shrui %xor3A_1587, %shift_right_logical3A_1593 : vector<32x1792xi32>
    %or3A_1595 = arith.ori %shift_left3A_1591, %shift_right_logical3A_1594 : vector<32x1792xi32>
    %xor3A_1596 = arith.xori %add3A_1588, %or3A_1595 : vector<32x1792xi32>
    %add3A_1597 = arith.addi %add3A_1588, %xor3A_1596 : vector<32x1792xi32>
    %shift_left3A_1598 = arith.constant 26 : i32
    %shift_left3A_1599 = vector.broadcast %shift_left3A_1598 : i32 to vector<32x1792xi32>
    %shift_left3A_1600 = arith.shli %xor3A_1596, %shift_left3A_1599 : vector<32x1792xi32>
    %shift_right_logical3A_1601 = arith.constant 6 : i32
    %shift_right_logical3A_1602 = vector.broadcast %shift_right_logical3A_1601 : i32 to vector<32x1792xi32>
    %shift_right_logical3A_1603 = arith.shrui %xor3A_1596, %shift_right_logical3A_1602 : vector<32x1792xi32>
    %or3A_1604 = arith.ori %shift_left3A_1600, %shift_right_logical3A_1603 : vector<32x1792xi32>
    %xor3A_1605 = arith.xori %add3A_1597, %or3A_1604 : vector<32x1792xi32>
    %add3A_1606 = arith.addi %add3A_1597, %xor3A_1605 : vector<32x1792xi32>
    %shift_left3A_1607 = arith.constant 6 : i32
    %shift_left3A_1608 = vector.broadcast %shift_left3A_1607 : i32 to vector<32x1792xi32>
    %shift_left3A_1609 = arith.shli %xor3A_1605, %shift_left3A_1608 : vector<32x1792xi32>
    %shift_right_logical3A_1610 = arith.constant 26 : i32
    %shift_right_logical3A_1611 = vector.broadcast %shift_right_logical3A_1610 : i32 to vector<32x1792xi32>
    %shift_right_logical3A_1612 = arith.shrui %xor3A_1605, %shift_right_logical3A_1611 : vector<32x1792xi32>
    %or3A_1613 = arith.ori %shift_left3A_1609, %shift_right_logical3A_1612 : vector<32x1792xi32>
    %xor3A_1614 = arith.xori %add3A_1606, %or3A_1613 : vector<32x1792xi32>
    %add3A_1615 = arith.constant -841280227 : i32
    %add3A_1616 = vector.broadcast %add3A_1615 : i32 to vector<32x1792xi32>
    %add3A_1617 = arith.addi %add3A_1606, %add3A_1616 : vector<32x1792xi32>
    %add3A_1618 = arith.constant -514511543 : i32
    %add3A_1619 = vector.broadcast %add3A_1618 : i32 to vector<32x1792xi32>
    %add3A_1620 = arith.addi %xor3A_1614, %add3A_1619 : vector<32x1792xi32>
    %add3A_1621 = arith.addi %add3A_1617, %add3A_1620 : vector<32x1792xi32>
    %shift_left3A_1622 = arith.constant 17 : i32
    %shift_left3A_1623 = vector.broadcast %shift_left3A_1622 : i32 to vector<32x1792xi32>
    %shift_left3A_1624 = arith.shli %add3A_1620, %shift_left3A_1623 : vector<32x1792xi32>
    %shift_right_logical3A_1625 = arith.constant 15 : i32
    %shift_right_logical3A_1626 = vector.broadcast %shift_right_logical3A_1625 : i32 to vector<32x1792xi32>
    %shift_right_logical3A_1627 = arith.shrui %add3A_1620, %shift_right_logical3A_1626 : vector<32x1792xi32>
    %or3A_1628 = arith.ori %shift_left3A_1624, %shift_right_logical3A_1627 : vector<32x1792xi32>
    %xor3A_1629 = arith.xori %add3A_1621, %or3A_1628 : vector<32x1792xi32>
    %add3A_1630 = arith.addi %add3A_1621, %xor3A_1629 : vector<32x1792xi32>
    %shift_left3A_1631 = arith.constant 29 : i32
    %shift_left3A_1632 = vector.broadcast %shift_left3A_1631 : i32 to vector<32x1792xi32>
    %shift_left3A_1633 = arith.shli %xor3A_1629, %shift_left3A_1632 : vector<32x1792xi32>
    %shift_right_logical3A_1634 = arith.constant 3 : i32
    %shift_right_logical3A_1635 = vector.broadcast %shift_right_logical3A_1634 : i32 to vector<32x1792xi32>
    %shift_right_logical3A_1636 = arith.shrui %xor3A_1629, %shift_right_logical3A_1635 : vector<32x1792xi32>
    %or3A_1637 = arith.ori %shift_left3A_1633, %shift_right_logical3A_1636 : vector<32x1792xi32>
    %xor3A_1638 = arith.xori %add3A_1630, %or3A_1637 : vector<32x1792xi32>
    %add3A_1639 = arith.addi %add3A_1630, %xor3A_1638 : vector<32x1792xi32>
    %shift_left3A_1640 = arith.constant 16 : i32
    %shift_left3A_1641 = vector.broadcast %shift_left3A_1640 : i32 to vector<32x1792xi32>
    %shift_left3A_1642 = arith.shli %xor3A_1638, %shift_left3A_1641 : vector<32x1792xi32>
    %shift_right_logical3A_1643 = arith.constant 16 : i32
    %shift_right_logical3A_1644 = vector.broadcast %shift_right_logical3A_1643 : i32 to vector<32x1792xi32>
    %shift_right_logical3A_1645 = arith.shrui %xor3A_1638, %shift_right_logical3A_1644 : vector<32x1792xi32>
    %or3A_1646 = arith.ori %shift_left3A_1642, %shift_right_logical3A_1645 : vector<32x1792xi32>
    %xor3A_1647 = arith.xori %add3A_1639, %or3A_1646 : vector<32x1792xi32>
    %add3A_1648 = arith.addi %add3A_1639, %xor3A_1647 : vector<32x1792xi32>
    %shift_left3A_1649 = arith.constant 24 : i32
    %shift_left3A_1650 = vector.broadcast %shift_left3A_1649 : i32 to vector<32x1792xi32>
    %shift_left3A_1651 = arith.shli %xor3A_1647, %shift_left3A_1650 : vector<32x1792xi32>
    %shift_right_logical3A_1652 = arith.constant 8 : i32
    %shift_right_logical3A_1653 = vector.broadcast %shift_right_logical3A_1652 : i32 to vector<32x1792xi32>
    %shift_right_logical3A_1654 = arith.shrui %xor3A_1647, %shift_right_logical3A_1653 : vector<32x1792xi32>
    %or3A_1655 = arith.ori %shift_left3A_1651, %shift_right_logical3A_1654 : vector<32x1792xi32>
    %xor3A_1656 = arith.xori %add3A_1648, %or3A_1655 : vector<32x1792xi32>
    %add3A_1657 = arith.constant -514511544 : i32
    %add3A_1658 = vector.broadcast %add3A_1657 : i32 to vector<32x1792xi32>
    %add3A_1659 = arith.addi %add3A_1648, %add3A_1658 : vector<32x1792xi32>
    %add3A_1660 = arith.constant 928981905 : i32
    %add3A_1661 = vector.broadcast %add3A_1660 : i32 to vector<32x1792xi32>
    %add3A_1662 = arith.addi %xor3A_1656, %add3A_1661 : vector<32x1792xi32>
    %add3A_1663 = arith.addi %add3A_1659, %add3A_1662 : vector<32x1792xi32>
    %shift_left3A_1664 = arith.constant 13 : i32
    %shift_left3A_1665 = vector.broadcast %shift_left3A_1664 : i32 to vector<32x1792xi32>
    %shift_left3A_1666 = arith.shli %add3A_1662, %shift_left3A_1665 : vector<32x1792xi32>
    %shift_right_logical3A_1667 = arith.constant 19 : i32
    %shift_right_logical3A_1668 = vector.broadcast %shift_right_logical3A_1667 : i32 to vector<32x1792xi32>
    %shift_right_logical3A_1669 = arith.shrui %add3A_1662, %shift_right_logical3A_1668 : vector<32x1792xi32>
    %or3A_1670 = arith.ori %shift_left3A_1666, %shift_right_logical3A_1669 : vector<32x1792xi32>
    %xor3A_1671 = arith.xori %add3A_1663, %or3A_1670 : vector<32x1792xi32>
    %add3A_1672 = arith.addi %add3A_1663, %xor3A_1671 : vector<32x1792xi32>
    %shift_left3A_1673 = arith.constant 15 : i32
    %shift_left3A_1674 = vector.broadcast %shift_left3A_1673 : i32 to vector<32x1792xi32>
    %shift_left3A_1675 = arith.shli %xor3A_1671, %shift_left3A_1674 : vector<32x1792xi32>
    %shift_right_logical3A_1676 = arith.constant 17 : i32
    %shift_right_logical3A_1677 = vector.broadcast %shift_right_logical3A_1676 : i32 to vector<32x1792xi32>
    %shift_right_logical3A_1678 = arith.shrui %xor3A_1671, %shift_right_logical3A_1677 : vector<32x1792xi32>
    %or3A_1679 = arith.ori %shift_left3A_1675, %shift_right_logical3A_1678 : vector<32x1792xi32>
    %xor3A_1680 = arith.xori %add3A_1672, %or3A_1679 : vector<32x1792xi32>
    %add3A_1681 = arith.addi %add3A_1672, %xor3A_1680 : vector<32x1792xi32>
    %shift_left3A_1682 = arith.constant 26 : i32
    %shift_left3A_1683 = vector.broadcast %shift_left3A_1682 : i32 to vector<32x1792xi32>
    %shift_left3A_1684 = arith.shli %xor3A_1680, %shift_left3A_1683 : vector<32x1792xi32>
    %shift_right_logical3A_1685 = arith.constant 6 : i32
    %shift_right_logical3A_1686 = vector.broadcast %shift_right_logical3A_1685 : i32 to vector<32x1792xi32>
    %shift_right_logical3A_1687 = arith.shrui %xor3A_1680, %shift_right_logical3A_1686 : vector<32x1792xi32>
    %or3A_1688 = arith.ori %shift_left3A_1684, %shift_right_logical3A_1687 : vector<32x1792xi32>
    %xor3A_1689 = arith.xori %add3A_1681, %or3A_1688 : vector<32x1792xi32>
    %add3A_1690 = arith.addi %add3A_1681, %xor3A_1689 : vector<32x1792xi32>
    %shift_left3A_1691 = arith.constant 6 : i32
    %shift_left3A_1692 = vector.broadcast %shift_left3A_1691 : i32 to vector<32x1792xi32>
    %shift_left3A_1693 = arith.shli %xor3A_1689, %shift_left3A_1692 : vector<32x1792xi32>
    %shift_right_logical3A_1694 = arith.constant 26 : i32
    %shift_right_logical3A_1695 = vector.broadcast %shift_right_logical3A_1694 : i32 to vector<32x1792xi32>
    %shift_right_logical3A_1696 = arith.shrui %xor3A_1689, %shift_right_logical3A_1695 : vector<32x1792xi32>
    %or3A_1697 = arith.ori %shift_left3A_1693, %shift_right_logical3A_1696 : vector<32x1792xi32>
    %xor3A_1698 = arith.xori %add3A_1690, %or3A_1697 : vector<32x1792xi32>
    %add3A_1699 = arith.constant 928981903 : i32
    %add3A_1700 = vector.broadcast %add3A_1699 : i32 to vector<32x1792xi32>
    %add3A_1701 = arith.addi %add3A_1690, %add3A_1700 : vector<32x1792xi32>
    %add3A_1702 = arith.constant -841280224 : i32
    %add3A_1703 = vector.broadcast %add3A_1702 : i32 to vector<32x1792xi32>
    %add3A_1704 = arith.addi %xor3A_1698, %add3A_1703 : vector<32x1792xi32>
    %add3A_1705 = arith.addi %add3A_1701, %add3A_1704 : vector<32x1792xi32>
    %shift_left3A_1706 = arith.constant 17 : i32
    %shift_left3A_1707 = vector.broadcast %shift_left3A_1706 : i32 to vector<32x1792xi32>
    %shift_left3A_1708 = arith.shli %add3A_1704, %shift_left3A_1707 : vector<32x1792xi32>
    %shift_right_logical3A_1709 = arith.constant 15 : i32
    %shift_right_logical3A_1710 = vector.broadcast %shift_right_logical3A_1709 : i32 to vector<32x1792xi32>
    %shift_right_logical3A_1711 = arith.shrui %add3A_1704, %shift_right_logical3A_1710 : vector<32x1792xi32>
    %or3A_1712 = arith.ori %shift_left3A_1708, %shift_right_logical3A_1711 : vector<32x1792xi32>
    %xor3A_1713 = arith.xori %add3A_1705, %or3A_1712 : vector<32x1792xi32>
    %add3A_1714 = arith.addi %add3A_1705, %xor3A_1713 : vector<32x1792xi32>
    %shift_left3A_1715 = arith.constant 29 : i32
    %shift_left3A_1716 = vector.broadcast %shift_left3A_1715 : i32 to vector<32x1792xi32>
    %shift_left3A_1717 = arith.shli %xor3A_1713, %shift_left3A_1716 : vector<32x1792xi32>
    %shift_right_logical3A_1718 = arith.constant 3 : i32
    %shift_right_logical3A_1719 = vector.broadcast %shift_right_logical3A_1718 : i32 to vector<32x1792xi32>
    %shift_right_logical3A_1720 = arith.shrui %xor3A_1713, %shift_right_logical3A_1719 : vector<32x1792xi32>
    %or3A_1721 = arith.ori %shift_left3A_1717, %shift_right_logical3A_1720 : vector<32x1792xi32>
    %xor3A_1722 = arith.xori %add3A_1714, %or3A_1721 : vector<32x1792xi32>
    %add3A_1723 = arith.addi %add3A_1714, %xor3A_1722 : vector<32x1792xi32>
    %shift_left3A_1724 = arith.constant 16 : i32
    %shift_left3A_1725 = vector.broadcast %shift_left3A_1724 : i32 to vector<32x1792xi32>
    %shift_left3A_1726 = arith.shli %xor3A_1722, %shift_left3A_1725 : vector<32x1792xi32>
    %shift_right_logical3A_1727 = arith.constant 16 : i32
    %shift_right_logical3A_1728 = vector.broadcast %shift_right_logical3A_1727 : i32 to vector<32x1792xi32>
    %shift_right_logical3A_1729 = arith.shrui %xor3A_1722, %shift_right_logical3A_1728 : vector<32x1792xi32>
    %or3A_1730 = arith.ori %shift_left3A_1726, %shift_right_logical3A_1729 : vector<32x1792xi32>
    %xor3A_1731 = arith.xori %add3A_1723, %or3A_1730 : vector<32x1792xi32>
    %add3A_1732 = arith.addi %add3A_1723, %xor3A_1731 : vector<32x1792xi32>
    %shift_left3A_1733 = arith.constant 24 : i32
    %shift_left3A_1734 = vector.broadcast %shift_left3A_1733 : i32 to vector<32x1792xi32>
    %shift_left3A_1735 = arith.shli %xor3A_1731, %shift_left3A_1734 : vector<32x1792xi32>
    %shift_right_logical3A_1736 = arith.constant 8 : i32
    %shift_right_logical3A_1737 = vector.broadcast %shift_right_logical3A_1736 : i32 to vector<32x1792xi32>
    %shift_right_logical3A_1738 = arith.shrui %xor3A_1731, %shift_right_logical3A_1737 : vector<32x1792xi32>
    %or3A_1739 = arith.ori %shift_left3A_1735, %shift_right_logical3A_1738 : vector<32x1792xi32>
    %xor3A_1740 = arith.xori %add3A_1732, %or3A_1739 : vector<32x1792xi32>
    %add3A_1741 = arith.constant -841280227 : i32
    %add3A_1742 = vector.broadcast %add3A_1741 : i32 to vector<32x1792xi32>
    %add3A_1743 = arith.addi %add3A_1732, %add3A_1742 : vector<32x1792xi32>
    %add3A_1744 = arith.constant -514511540 : i32
    %add3A_1745 = vector.broadcast %add3A_1744 : i32 to vector<32x1792xi32>
    %add3A_1746 = arith.addi %xor3A_1740, %add3A_1745 : vector<32x1792xi32>
    %add3A_1747 = arith.addi %add3A_1743, %add3A_1746 : vector<32x1792xi32>
    %shift_left3A_1748 = arith.constant 13 : i32
    %shift_left3A_1749 = vector.broadcast %shift_left3A_1748 : i32 to vector<32x1792xi32>
    %shift_left3A_1750 = arith.shli %add3A_1746, %shift_left3A_1749 : vector<32x1792xi32>
    %shift_right_logical3A_1751 = arith.constant 19 : i32
    %shift_right_logical3A_1752 = vector.broadcast %shift_right_logical3A_1751 : i32 to vector<32x1792xi32>
    %shift_right_logical3A_1753 = arith.shrui %add3A_1746, %shift_right_logical3A_1752 : vector<32x1792xi32>
    %or3A_1754 = arith.ori %shift_left3A_1750, %shift_right_logical3A_1753 : vector<32x1792xi32>
    %xor3A_1755 = arith.xori %add3A_1747, %or3A_1754 : vector<32x1792xi32>
    %add3A_1756 = arith.addi %add3A_1747, %xor3A_1755 : vector<32x1792xi32>
    %shift_left3A_1757 = arith.constant 15 : i32
    %shift_left3A_1758 = vector.broadcast %shift_left3A_1757 : i32 to vector<32x1792xi32>
    %shift_left3A_1759 = arith.shli %xor3A_1755, %shift_left3A_1758 : vector<32x1792xi32>
    %shift_right_logical3A_1760 = arith.constant 17 : i32
    %shift_right_logical3A_1761 = vector.broadcast %shift_right_logical3A_1760 : i32 to vector<32x1792xi32>
    %shift_right_logical3A_1762 = arith.shrui %xor3A_1755, %shift_right_logical3A_1761 : vector<32x1792xi32>
    %or3A_1763 = arith.ori %shift_left3A_1759, %shift_right_logical3A_1762 : vector<32x1792xi32>
    %xor3A_1764 = arith.xori %add3A_1756, %or3A_1763 : vector<32x1792xi32>
    %add3A_1765 = arith.addi %add3A_1756, %xor3A_1764 : vector<32x1792xi32>
    %shift_left3A_1766 = arith.constant 26 : i32
    %shift_left3A_1767 = vector.broadcast %shift_left3A_1766 : i32 to vector<32x1792xi32>
    %shift_left3A_1768 = arith.shli %xor3A_1764, %shift_left3A_1767 : vector<32x1792xi32>
    %shift_right_logical3A_1769 = arith.constant 6 : i32
    %shift_right_logical3A_1770 = vector.broadcast %shift_right_logical3A_1769 : i32 to vector<32x1792xi32>
    %shift_right_logical3A_1771 = arith.shrui %xor3A_1764, %shift_right_logical3A_1770 : vector<32x1792xi32>
    %or3A_1772 = arith.ori %shift_left3A_1768, %shift_right_logical3A_1771 : vector<32x1792xi32>
    %xor3A_1773 = arith.xori %add3A_1765, %or3A_1772 : vector<32x1792xi32>
    %add3A_1774 = arith.addi %add3A_1765, %xor3A_1773 : vector<32x1792xi32>
    %shift_left3A_1775 = arith.constant 6 : i32
    %shift_left3A_1776 = vector.broadcast %shift_left3A_1775 : i32 to vector<32x1792xi32>
    %shift_left3A_1777 = arith.shli %xor3A_1773, %shift_left3A_1776 : vector<32x1792xi32>
    %shift_right_logical3A_1778 = arith.constant 26 : i32
    %shift_right_logical3A_1779 = vector.broadcast %shift_right_logical3A_1778 : i32 to vector<32x1792xi32>
    %shift_right_logical3A_1780 = arith.shrui %xor3A_1773, %shift_right_logical3A_1779 : vector<32x1792xi32>
    %or3A_1781 = arith.ori %shift_left3A_1777, %shift_right_logical3A_1780 : vector<32x1792xi32>
    %xor3A_1782 = arith.xori %add3A_1774, %or3A_1781 : vector<32x1792xi32>
    %add3A_1783 = arith.constant -514511544 : i32
    %add3A_1784 = vector.broadcast %add3A_1783 : i32 to vector<32x1792xi32>
    %add3A_1785 = arith.addi %add3A_1774, %add3A_1784 : vector<32x1792xi32>
    %add3A_1786 = arith.constant 928981908 : i32
    %add3A_1787 = vector.broadcast %add3A_1786 : i32 to vector<32x1792xi32>
    %add3A_1788 = arith.addi %xor3A_1782, %add3A_1787 : vector<32x1792xi32>
    %xor3A_1789 = arith.xori %add3A_1785, %add3A_1788 : vector<32x1792xi32>
    %shift_right_logical3A_1790 = arith.constant 9 : i32
    %shift_right_logical3A_1791 = vector.broadcast %shift_right_logical3A_1790 : i32 to vector<32x1792xi32>
    %shift_right_logical3A_1792 = arith.shrui %xor3A_1789, %shift_right_logical3A_1791 : vector<32x1792xi32>
    %or3A_1793 = arith.constant 1065353216 : i32
    %or3A_1794 = vector.broadcast %or3A_1793 : i32 to vector<32x1792xi32>
    %or3A_1795 = arith.ori %shift_right_logical3A_1792, %or3A_1794 : vector<32x1792xi32>
    %bitcast_convert_type3A_1796 = tpu.bitcast %or3A_1795 : vector<32x1792xi32> -> vector<32x1792xf32>
    %sub3A_1797 = arith.constant 1.000000e+00 : f32
    %sub3A_1798 = vector.broadcast %sub3A_1797 : f32 to vector<32x1792xf32>
    %sub3A_1799 = arith.subf %bitcast_convert_type3A_1796, %sub3A_1798 : vector<32x1792xf32>
    %log3A_1800 = math.log %sub3A_1799 : vector<32x1792xf32>
    %neg3A_1801 = arith.constant 0.000000e+00 : f32
    %neg3A_1802 = vector.broadcast %neg3A_1801 : f32 to vector<32x1792xf32>
    %neg3A_1803 = arith.subf %neg3A_1802, %log3A_1800 : vector<32x1792xf32>
    %log3A_1804 = math.log %neg3A_1803 : vector<32x1792xf32>
    %neg3A_1805 = arith.constant 0.000000e+00 : f32
    %neg3A_1806 = vector.broadcast %neg3A_1805 : f32 to vector<32x1792xf32>
    %neg3A_1807 = arith.subf %neg3A_1806, %log3A_1804 : vector<32x1792xf32>
    %add3A_1808 = arith.addf %select_n3A, %neg3A_1807 : vector<32x1792xf32>
    %reduce_max3A_1809 = arith.constant dense<0xFF800000> : vector<32xf32>
    %reduce_max3A_1810 = vector.multi_reduction <maximumf>, %add3A_1808, %reduce_max3A_1809 [1] : vector<32x1792xf32> to vector<32xf32>
    %broadcast_in_dim3A_1811 = vector.shape_cast %reduce_max3A_1810 : vector<32xf32> to vector<32x1xf32>
    %get3A_1812 = arith.constant 0 : index
    %get3A_1813 = arith.constant 0 : index
    %get3A_1814 = vector.load %arg13[%get3A_1812, %get3A_1813] : memref<32x128xf32, #tpu.memory_space<vmem>>, vector<32x128xf32>
    %gt3A_1815 = vector.broadcast %broadcast_in_dim3A_1811 : vector<32x1xf32> to vector<32x128xf32>
    %gt3A_1816 = arith.cmpf ogt, %gt3A_1815, %get3A_1814 : vector<32x128xf32>
    %broadcast_in_dim3A_1817 = vector.shape_cast %broadcast_in_dim3A_1811 : vector<32x1xf32> to vector<32x1xf32>
    %broadcast_in_dim3A_1818 = vector.broadcast %broadcast_in_dim3A_1817 : vector<32x1xf32> to vector<32x128xf32>
    %select_n3A_1819 = arith.select %gt3A_1816, %broadcast_in_dim3A_1818, %get3A_1814 : vector<32x128xi1>, vector<32x128xf32>
    %swap3A_1820 = arith.constant 0 : index
    %swap3A_1821 = arith.constant 0 : index
    %swap3A_1822 = vector.load %arg13[%swap3A_1820, %swap3A_1821] : memref<32x128xf32, #tpu.memory_space<vmem>>, vector<32x128xf32>
    tpu.vector_store %arg13[%swap3A_1820, %swap3A_1821], %select_n3A_1819 {strides = array<i32>} : memref<32x128xf32, #tpu.memory_space<vmem>>, vector<32x128xf32>,
    %get3A_1823 = arith.constant 0 : index
    %get3A_1824 = arith.constant 0 : index
    %get3A_1825 = vector.load %arg23[%get3A_1823, %get3A_1824] : memref<32x128xi32, #tpu.memory_space<vmem>>, vector<32x128xi32>
    %broadcast_in_dim3A_1826 = vector.broadcast %arg0 : i32 to vector<32x128xi32>
    %select_n3A_1827 = arith.select %gt3A_1816, %broadcast_in_dim3A_1826, %get3A_1825 : vector<32x128xi1>, vector<32x128xi32>
    %swap3A_1828 = arith.constant 0 : index
    %swap3A_1829 = arith.constant 0 : index
    %swap3A_1830 = vector.load %arg23[%swap3A_1828, %swap3A_1829] : memref<32x128xi32, #tpu.memory_space<vmem>>, vector<32x128xi32>
    tpu.vector_store %arg23[%swap3A_1828, %swap3A_1829], %select_n3A_1827 {strides = array<i32>} : memref<32x128xi32, #tpu.memory_space<vmem>>, vector<32x128xi32>,
    %add3A_1831 = arith.constant -617280227 : i32
    %add3A_1832 = vector.broadcast %add3A_1831 : i32 to vector<32x1792xi32>
    %add3A_1833 = arith.addi %add3A_39, %add3A_1832 : vector<32x1792xi32>
    %broadcast_in_dim3A_1834 = arith.constant 928981903 : i32
    %broadcast_in_dim3A_1835 = vector.broadcast %broadcast_in_dim3A_1834 : i32 to vector<32x1792xi32>
    %add3A_1836 = arith.addi %broadcast_in_dim3A_1835, %add3A_1833 : vector<32x1792xi32>
    %shift_left3A_1837 = arith.constant 13 : i32
    %shift_left3A_1838 = vector.broadcast %shift_left3A_1837 : i32 to vector<32x1792xi32>
    %shift_left3A_1839 = arith.shli %add3A_1833, %shift_left3A_1838 : vector<32x1792xi32>
    %shift_right_logical3A_1840 = arith.constant 19 : i32
    %shift_right_logical3A_1841 = vector.broadcast %shift_right_logical3A_1840 : i32 to vector<32x1792xi32>
    %shift_right_logical3A_1842 = arith.shrui %add3A_1833, %shift_right_logical3A_1841 : vector<32x1792xi32>
    %or3A_1843 = arith.ori %shift_left3A_1839, %shift_right_logical3A_1842 : vector<32x1792xi32>
    %xor3A_1844 = arith.xori %add3A_1836, %or3A_1843 : vector<32x1792xi32>
    %add3A_1845 = arith.addi %add3A_1836, %xor3A_1844 : vector<32x1792xi32>
    %shift_left3A_1846 = arith.constant 15 : i32
    %shift_left3A_1847 = vector.broadcast %shift_left3A_1846 : i32 to vector<32x1792xi32>
    %shift_left3A_1848 = arith.shli %xor3A_1844, %shift_left3A_1847 : vector<32x1792xi32>
    %shift_right_logical3A_1849 = arith.constant 17 : i32
    %shift_right_logical3A_1850 = vector.broadcast %shift_right_logical3A_1849 : i32 to vector<32x1792xi32>
    %shift_right_logical3A_1851 = arith.shrui %xor3A_1844, %shift_right_logical3A_1850 : vector<32x1792xi32>
    %or3A_1852 = arith.ori %shift_left3A_1848, %shift_right_logical3A_1851 : vector<32x1792xi32>
    %xor3A_1853 = arith.xori %add3A_1845, %or3A_1852 : vector<32x1792xi32>
    %add3A_1854 = arith.addi %add3A_1845, %xor3A_1853 : vector<32x1792xi32>
    %shift_left3A_1855 = arith.constant 26 : i32
    %shift_left3A_1856 = vector.broadcast %shift_left3A_1855 : i32 to vector<32x1792xi32>
    %shift_left3A_1857 = arith.shli %xor3A_1853, %shift_left3A_1856 : vector<32x1792xi32>
    %shift_right_logical3A_1858 = arith.constant 6 : i32
    %shift_right_logical3A_1859 = vector.broadcast %shift_right_logical3A_1858 : i32 to vector<32x1792xi32>
    %shift_right_logical3A_1860 = arith.shrui %xor3A_1853, %shift_right_logical3A_1859 : vector<32x1792xi32>
    %or3A_1861 = arith.ori %shift_left3A_1857, %shift_right_logical3A_1860 : vector<32x1792xi32>
    %xor3A_1862 = arith.xori %add3A_1854, %or3A_1861 : vector<32x1792xi32>
    %add3A_1863 = arith.addi %add3A_1854, %xor3A_1862 : vector<32x1792xi32>
    %shift_left3A_1864 = arith.constant 6 : i32
    %shift_left3A_1865 = vector.broadcast %shift_left3A_1864 : i32 to vector<32x1792xi32>
    %shift_left3A_1866 = arith.shli %xor3A_1862, %shift_left3A_1865 : vector<32x1792xi32>
    %shift_right_logical3A_1867 = arith.constant 26 : i32
    %shift_right_logical3A_1868 = vector.broadcast %shift_right_logical3A_1867 : i32 to vector<32x1792xi32>
    %shift_right_logical3A_1869 = arith.shrui %xor3A_1862, %shift_right_logical3A_1868 : vector<32x1792xi32>
    %or3A_1870 = arith.ori %shift_left3A_1866, %shift_right_logical3A_1869 : vector<32x1792xi32>
    %xor3A_1871 = arith.xori %add3A_1863, %or3A_1870 : vector<32x1792xi32>
    %add3A_1872 = arith.constant -841280227 : i32
    %add3A_1873 = vector.broadcast %add3A_1872 : i32 to vector<32x1792xi32>
    %add3A_1874 = arith.addi %add3A_1863, %add3A_1873 : vector<32x1792xi32>
    %add3A_1875 = arith.constant -514511543 : i32
    %add3A_1876 = vector.broadcast %add3A_1875 : i32 to vector<32x1792xi32>
    %add3A_1877 = arith.addi %xor3A_1871, %add3A_1876 : vector<32x1792xi32>
    %add3A_1878 = arith.addi %add3A_1874, %add3A_1877 : vector<32x1792xi32>
    %shift_left3A_1879 = arith.constant 17 : i32
    %shift_left3A_1880 = vector.broadcast %shift_left3A_1879 : i32 to vector<32x1792xi32>
    %shift_left3A_1881 = arith.shli %add3A_1877, %shift_left3A_1880 : vector<32x1792xi32>
    %shift_right_logical3A_1882 = arith.constant 15 : i32
    %shift_right_logical3A_1883 = vector.broadcast %shift_right_logical3A_1882 : i32 to vector<32x1792xi32>
    %shift_right_logical3A_1884 = arith.shrui %add3A_1877, %shift_right_logical3A_1883 : vector<32x1792xi32>
    %or3A_1885 = arith.ori %shift_left3A_1881, %shift_right_logical3A_1884 : vector<32x1792xi32>
    %xor3A_1886 = arith.xori %add3A_1878, %or3A_1885 : vector<32x1792xi32>
    %add3A_1887 = arith.addi %add3A_1878, %xor3A_1886 : vector<32x1792xi32>
    %shift_left3A_1888 = arith.constant 29 : i32
    %shift_left3A_1889 = vector.broadcast %shift_left3A_1888 : i32 to vector<32x1792xi32>
    %shift_left3A_1890 = arith.shli %xor3A_1886, %shift_left3A_1889 : vector<32x1792xi32>
    %shift_right_logical3A_1891 = arith.constant 3 : i32
    %shift_right_logical3A_1892 = vector.broadcast %shift_right_logical3A_1891 : i32 to vector<32x1792xi32>
    %shift_right_logical3A_1893 = arith.shrui %xor3A_1886, %shift_right_logical3A_1892 : vector<32x1792xi32>
    %or3A_1894 = arith.ori %shift_left3A_1890, %shift_right_logical3A_1893 : vector<32x1792xi32>
    %xor3A_1895 = arith.xori %add3A_1887, %or3A_1894 : vector<32x1792xi32>
    %add3A_1896 = arith.addi %add3A_1887, %xor3A_1895 : vector<32x1792xi32>
    %shift_left3A_1897 = arith.constant 16 : i32
    %shift_left3A_1898 = vector.broadcast %shift_left3A_1897 : i32 to vector<32x1792xi32>
    %shift_left3A_1899 = arith.shli %xor3A_1895, %shift_left3A_1898 : vector<32x1792xi32>
    %shift_right_logical3A_1900 = arith.constant 16 : i32
    %shift_right_logical3A_1901 = vector.broadcast %shift_right_logical3A_1900 : i32 to vector<32x1792xi32>
    %shift_right_logical3A_1902 = arith.shrui %xor3A_1895, %shift_right_logical3A_1901 : vector<32x1792xi32>
    %or3A_1903 = arith.ori %shift_left3A_1899, %shift_right_logical3A_1902 : vector<32x1792xi32>
    %xor3A_1904 = arith.xori %add3A_1896, %or3A_1903 : vector<32x1792xi32>
    %add3A_1905 = arith.addi %add3A_1896, %xor3A_1904 : vector<32x1792xi32>
    %shift_left3A_1906 = arith.constant 24 : i32
    %shift_left3A_1907 = vector.broadcast %shift_left3A_1906 : i32 to vector<32x1792xi32>
    %shift_left3A_1908 = arith.shli %xor3A_1904, %shift_left3A_1907 : vector<32x1792xi32>
    %shift_right_logical3A_1909 = arith.constant 8 : i32
    %shift_right_logical3A_1910 = vector.broadcast %shift_right_logical3A_1909 : i32 to vector<32x1792xi32>
    %shift_right_logical3A_1911 = arith.shrui %xor3A_1904, %shift_right_logical3A_1910 : vector<32x1792xi32>
    %or3A_1912 = arith.ori %shift_left3A_1908, %shift_right_logical3A_1911 : vector<32x1792xi32>
    %xor3A_1913 = arith.xori %add3A_1905, %or3A_1912 : vector<32x1792xi32>
    %add3A_1914 = arith.constant -514511544 : i32
    %add3A_1915 = vector.broadcast %add3A_1914 : i32 to vector<32x1792xi32>
    %add3A_1916 = arith.addi %add3A_1905, %add3A_1915 : vector<32x1792xi32>
    %add3A_1917 = arith.constant 928981905 : i32
    %add3A_1918 = vector.broadcast %add3A_1917 : i32 to vector<32x1792xi32>
    %add3A_1919 = arith.addi %xor3A_1913, %add3A_1918 : vector<32x1792xi32>
    %add3A_1920 = arith.addi %add3A_1916, %add3A_1919 : vector<32x1792xi32>
    %shift_left3A_1921 = arith.constant 13 : i32
    %shift_left3A_1922 = vector.broadcast %shift_left3A_1921 : i32 to vector<32x1792xi32>
    %shift_left3A_1923 = arith.shli %add3A_1919, %shift_left3A_1922 : vector<32x1792xi32>
    %shift_right_logical3A_1924 = arith.constant 19 : i32
    %shift_right_logical3A_1925 = vector.broadcast %shift_right_logical3A_1924 : i32 to vector<32x1792xi32>
    %shift_right_logical3A_1926 = arith.shrui %add3A_1919, %shift_right_logical3A_1925 : vector<32x1792xi32>
    %or3A_1927 = arith.ori %shift_left3A_1923, %shift_right_logical3A_1926 : vector<32x1792xi32>
    %xor3A_1928 = arith.xori %add3A_1920, %or3A_1927 : vector<32x1792xi32>
    %add3A_1929 = arith.addi %add3A_1920, %xor3A_1928 : vector<32x1792xi32>
    %shift_left3A_1930 = arith.constant 15 : i32
    %shift_left3A_1931 = vector.broadcast %shift_left3A_1930 : i32 to vector<32x1792xi32>
    %shift_left3A_1932 = arith.shli %xor3A_1928, %shift_left3A_1931 : vector<32x1792xi32>
    %shift_right_logical3A_1933 = arith.constant 17 : i32
    %shift_right_logical3A_1934 = vector.broadcast %shift_right_logical3A_1933 : i32 to vector<32x1792xi32>
    %shift_right_logical3A_1935 = arith.shrui %xor3A_1928, %shift_right_logical3A_1934 : vector<32x1792xi32>
    %or3A_1936 = arith.ori %shift_left3A_1932, %shift_right_logical3A_1935 : vector<32x1792xi32>
    %xor3A_1937 = arith.xori %add3A_1929, %or3A_1936 : vector<32x1792xi32>
    %add3A_1938 = arith.addi %add3A_1929, %xor3A_1937 : vector<32x1792xi32>
    %shift_left3A_1939 = arith.constant 26 : i32
    %shift_left3A_1940 = vector.broadcast %shift_left3A_1939 : i32 to vector<32x1792xi32>
    %shift_left3A_1941 = arith.shli %xor3A_1937, %shift_left3A_1940 : vector<32x1792xi32>
    %shift_right_logical3A_1942 = arith.constant 6 : i32
    %shift_right_logical3A_1943 = vector.broadcast %shift_right_logical3A_1942 : i32 to vector<32x1792xi32>
    %shift_right_logical3A_1944 = arith.shrui %xor3A_1937, %shift_right_logical3A_1943 : vector<32x1792xi32>
    %or3A_1945 = arith.ori %shift_left3A_1941, %shift_right_logical3A_1944 : vector<32x1792xi32>
    %xor3A_1946 = arith.xori %add3A_1938, %or3A_1945 : vector<32x1792xi32>
    %add3A_1947 = arith.addi %add3A_1938, %xor3A_1946 : vector<32x1792xi32>
    %shift_left3A_1948 = arith.constant 6 : i32
    %shift_left3A_1949 = vector.broadcast %shift_left3A_1948 : i32 to vector<32x1792xi32>
    %shift_left3A_1950 = arith.shli %xor3A_1946, %shift_left3A_1949 : vector<32x1792xi32>
    %shift_right_logical3A_1951 = arith.constant 26 : i32
    %shift_right_logical3A_1952 = vector.broadcast %shift_right_logical3A_1951 : i32 to vector<32x1792xi32>
    %shift_right_logical3A_1953 = arith.shrui %xor3A_1946, %shift_right_logical3A_1952 : vector<32x1792xi32>
    %or3A_1954 = arith.ori %shift_left3A_1950, %shift_right_logical3A_1953 : vector<32x1792xi32>
    %xor3A_1955 = arith.xori %add3A_1947, %or3A_1954 : vector<32x1792xi32>
    %add3A_1956 = arith.constant 928981903 : i32
    %add3A_1957 = vector.broadcast %add3A_1956 : i32 to vector<32x1792xi32>
    %add3A_1958 = arith.addi %add3A_1947, %add3A_1957 : vector<32x1792xi32>
    %add3A_1959 = arith.constant -841280224 : i32
    %add3A_1960 = vector.broadcast %add3A_1959 : i32 to vector<32x1792xi32>
    %add3A_1961 = arith.addi %xor3A_1955, %add3A_1960 : vector<32x1792xi32>
    %add3A_1962 = arith.addi %add3A_1958, %add3A_1961 : vector<32x1792xi32>
    %shift_left3A_1963 = arith.constant 17 : i32
    %shift_left3A_1964 = vector.broadcast %shift_left3A_1963 : i32 to vector<32x1792xi32>
    %shift_left3A_1965 = arith.shli %add3A_1961, %shift_left3A_1964 : vector<32x1792xi32>
    %shift_right_logical3A_1966 = arith.constant 15 : i32
    %shift_right_logical3A_1967 = vector.broadcast %shift_right_logical3A_1966 : i32 to vector<32x1792xi32>
    %shift_right_logical3A_1968 = arith.shrui %add3A_1961, %shift_right_logical3A_1967 : vector<32x1792xi32>
    %or3A_1969 = arith.ori %shift_left3A_1965, %shift_right_logical3A_1968 : vector<32x1792xi32>
    %xor3A_1970 = arith.xori %add3A_1962, %or3A_1969 : vector<32x1792xi32>
    %add3A_1971 = arith.addi %add3A_1962, %xor3A_1970 : vector<32x1792xi32>
    %shift_left3A_1972 = arith.constant 29 : i32
    %shift_left3A_1973 = vector.broadcast %shift_left3A_1972 : i32 to vector<32x1792xi32>
    %shift_left3A_1974 = arith.shli %xor3A_1970, %shift_left3A_1973 : vector<32x1792xi32>
    %shift_right_logical3A_1975 = arith.constant 3 : i32
    %shift_right_logical3A_1976 = vector.broadcast %shift_right_logical3A_1975 : i32 to vector<32x1792xi32>
    %shift_right_logical3A_1977 = arith.shrui %xor3A_1970, %shift_right_logical3A_1976 : vector<32x1792xi32>
    %or3A_1978 = arith.ori %shift_left3A_1974, %shift_right_logical3A_1977 : vector<32x1792xi32>
    %xor3A_1979 = arith.xori %add3A_1971, %or3A_1978 : vector<32x1792xi32>
    %add3A_1980 = arith.addi %add3A_1971, %xor3A_1979 : vector<32x1792xi32>
    %shift_left3A_1981 = arith.constant 16 : i32
    %shift_left3A_1982 = vector.broadcast %shift_left3A_1981 : i32 to vector<32x1792xi32>
    %shift_left3A_1983 = arith.shli %xor3A_1979, %shift_left3A_1982 : vector<32x1792xi32>
    %shift_right_logical3A_1984 = arith.constant 16 : i32
    %shift_right_logical3A_1985 = vector.broadcast %shift_right_logical3A_1984 : i32 to vector<32x1792xi32>
    %shift_right_logical3A_1986 = arith.shrui %xor3A_1979, %shift_right_logical3A_1985 : vector<32x1792xi32>
    %or3A_1987 = arith.ori %shift_left3A_1983, %shift_right_logical3A_1986 : vector<32x1792xi32>
    %xor3A_1988 = arith.xori %add3A_1980, %or3A_1987 : vector<32x1792xi32>
    %add3A_1989 = arith.addi %add3A_1980, %xor3A_1988 : vector<32x1792xi32>
    %shift_left3A_1990 = arith.constant 24 : i32
    %shift_left3A_1991 = vector.broadcast %shift_left3A_1990 : i32 to vector<32x1792xi32>
    %shift_left3A_1992 = arith.shli %xor3A_1988, %shift_left3A_1991 : vector<32x1792xi32>
    %shift_right_logical3A_1993 = arith.constant 8 : i32
    %shift_right_logical3A_1994 = vector.broadcast %shift_right_logical3A_1993 : i32 to vector<32x1792xi32>
    %shift_right_logical3A_1995 = arith.shrui %xor3A_1988, %shift_right_logical3A_1994 : vector<32x1792xi32>
    %or3A_1996 = arith.ori %shift_left3A_1992, %shift_right_logical3A_1995 : vector<32x1792xi32>
    %xor3A_1997 = arith.xori %add3A_1989, %or3A_1996 : vector<32x1792xi32>
    %add3A_1998 = arith.constant -841280227 : i32
    %add3A_1999 = vector.broadcast %add3A_1998 : i32 to vector<32x1792xi32>
    %add3A_2000 = arith.addi %add3A_1989, %add3A_1999 : vector<32x1792xi32>
    %add3A_2001 = arith.constant -514511540 : i32
    %add3A_2002 = vector.broadcast %add3A_2001 : i32 to vector<32x1792xi32>
    %add3A_2003 = arith.addi %xor3A_1997, %add3A_2002 : vector<32x1792xi32>
    %add3A_2004 = arith.addi %add3A_2000, %add3A_2003 : vector<32x1792xi32>
    %shift_left3A_2005 = arith.constant 13 : i32
    %shift_left3A_2006 = vector.broadcast %shift_left3A_2005 : i32 to vector<32x1792xi32>
    %shift_left3A_2007 = arith.shli %add3A_2003, %shift_left3A_2006 : vector<32x1792xi32>
    %shift_right_logical3A_2008 = arith.constant 19 : i32
    %shift_right_logical3A_2009 = vector.broadcast %shift_right_logical3A_2008 : i32 to vector<32x1792xi32>
    %shift_right_logical3A_2010 = arith.shrui %add3A_2003, %shift_right_logical3A_2009 : vector<32x1792xi32>
    %or3A_2011 = arith.ori %shift_left3A_2007, %shift_right_logical3A_2010 : vector<32x1792xi32>
    %xor3A_2012 = arith.xori %add3A_2004, %or3A_2011 : vector<32x1792xi32>
    %add3A_2013 = arith.addi %add3A_2004, %xor3A_2012 : vector<32x1792xi32>
    %shift_left3A_2014 = arith.constant 15 : i32
    %shift_left3A_2015 = vector.broadcast %shift_left3A_2014 : i32 to vector<32x1792xi32>
    %shift_left3A_2016 = arith.shli %xor3A_2012, %shift_left3A_2015 : vector<32x1792xi32>
    %shift_right_logical3A_2017 = arith.constant 17 : i32
    %shift_right_logical3A_2018 = vector.broadcast %shift_right_logical3A_2017 : i32 to vector<32x1792xi32>
    %shift_right_logical3A_2019 = arith.shrui %xor3A_2012, %shift_right_logical3A_2018 : vector<32x1792xi32>
    %or3A_2020 = arith.ori %shift_left3A_2016, %shift_right_logical3A_2019 : vector<32x1792xi32>
    %xor3A_2021 = arith.xori %add3A_2013, %or3A_2020 : vector<32x1792xi32>
    %add3A_2022 = arith.addi %add3A_2013, %xor3A_2021 : vector<32x1792xi32>
    %shift_left3A_2023 = arith.constant 26 : i32
    %shift_left3A_2024 = vector.broadcast %shift_left3A_2023 : i32 to vector<32x1792xi32>
    %shift_left3A_2025 = arith.shli %xor3A_2021, %shift_left3A_2024 : vector<32x1792xi32>
    %shift_right_logical3A_2026 = arith.constant 6 : i32
    %shift_right_logical3A_2027 = vector.broadcast %shift_right_logical3A_2026 : i32 to vector<32x1792xi32>
    %shift_right_logical3A_2028 = arith.shrui %xor3A_2021, %shift_right_logical3A_2027 : vector<32x1792xi32>
    %or3A_2029 = arith.ori %shift_left3A_2025, %shift_right_logical3A_2028 : vector<32x1792xi32>
    %xor3A_2030 = arith.xori %add3A_2022, %or3A_2029 : vector<32x1792xi32>
    %add3A_2031 = arith.addi %add3A_2022, %xor3A_2030 : vector<32x1792xi32>
    %shift_left3A_2032 = arith.constant 6 : i32
    %shift_left3A_2033 = vector.broadcast %shift_left3A_2032 : i32 to vector<32x1792xi32>
    %shift_left3A_2034 = arith.shli %xor3A_2030, %shift_left3A_2033 : vector<32x1792xi32>
    %shift_right_logical3A_2035 = arith.constant 26 : i32
    %shift_right_logical3A_2036 = vector.broadcast %shift_right_logical3A_2035 : i32 to vector<32x1792xi32>
    %shift_right_logical3A_2037 = arith.shrui %xor3A_2030, %shift_right_logical3A_2036 : vector<32x1792xi32>
    %or3A_2038 = arith.ori %shift_left3A_2034, %shift_right_logical3A_2037 : vector<32x1792xi32>
    %xor3A_2039 = arith.xori %add3A_2031, %or3A_2038 : vector<32x1792xi32>
    %add3A_2040 = arith.constant -514511544 : i32
    %add3A_2041 = vector.broadcast %add3A_2040 : i32 to vector<32x1792xi32>
    %add3A_2042 = arith.addi %add3A_2031, %add3A_2041 : vector<32x1792xi32>
    %add3A_2043 = arith.constant 928981908 : i32
    %add3A_2044 = vector.broadcast %add3A_2043 : i32 to vector<32x1792xi32>
    %add3A_2045 = arith.addi %xor3A_2039, %add3A_2044 : vector<32x1792xi32>
    %xor3A_2046 = arith.xori %add3A_2042, %add3A_2045 : vector<32x1792xi32>
    %shift_right_logical3A_2047 = arith.constant 9 : i32
    %shift_right_logical3A_2048 = vector.broadcast %shift_right_logical3A_2047 : i32 to vector<32x1792xi32>
    %shift_right_logical3A_2049 = arith.shrui %xor3A_2046, %shift_right_logical3A_2048 : vector<32x1792xi32>
    %or3A_2050 = arith.constant 1065353216 : i32
    %or3A_2051 = vector.broadcast %or3A_2050 : i32 to vector<32x1792xi32>
    %or3A_2052 = arith.ori %shift_right_logical3A_2049, %or3A_2051 : vector<32x1792xi32>
    %bitcast_convert_type3A_2053 = tpu.bitcast %or3A_2052 : vector<32x1792xi32> -> vector<32x1792xf32>
    %sub3A_2054 = arith.constant 1.000000e+00 : f32
    %sub3A_2055 = vector.broadcast %sub3A_2054 : f32 to vector<32x1792xf32>
    %sub3A_2056 = arith.subf %bitcast_convert_type3A_2053, %sub3A_2055 : vector<32x1792xf32>
    %log3A_2057 = math.log %sub3A_2056 : vector<32x1792xf32>
    %neg3A_2058 = arith.constant 0.000000e+00 : f32
    %neg3A_2059 = vector.broadcast %neg3A_2058 : f32 to vector<32x1792xf32>
    %neg3A_2060 = arith.subf %neg3A_2059, %log3A_2057 : vector<32x1792xf32>
    %log3A_2061 = math.log %neg3A_2060 : vector<32x1792xf32>
    %neg3A_2062 = arith.constant 0.000000e+00 : f32
    %neg3A_2063 = vector.broadcast %neg3A_2062 : f32 to vector<32x1792xf32>
    %neg3A_2064 = arith.subf %neg3A_2063, %log3A_2061 : vector<32x1792xf32>
    %add3A_2065 = arith.addf %select_n3A, %neg3A_2064 : vector<32x1792xf32>
    %reduce_max3A_2066 = arith.constant dense<0xFF800000> : vector<32xf32>
    %reduce_max3A_2067 = vector.multi_reduction <maximumf>, %add3A_2065, %reduce_max3A_2066 [1] : vector<32x1792xf32> to vector<32xf32>
    %broadcast_in_dim3A_2068 = vector.shape_cast %reduce_max3A_2067 : vector<32xf32> to vector<32x1xf32>
    %get3A_2069 = arith.constant 0 : index
    %get3A_2070 = arith.constant 0 : index
    %get3A_2071 = vector.load %arg14[%get3A_2069, %get3A_2070] : memref<32x128xf32, #tpu.memory_space<vmem>>, vector<32x128xf32>
    %gt3A_2072 = vector.broadcast %broadcast_in_dim3A_2068 : vector<32x1xf32> to vector<32x128xf32>
    %gt3A_2073 = arith.cmpf ogt, %gt3A_2072, %get3A_2071 : vector<32x128xf32>
    %broadcast_in_dim3A_2074 = vector.shape_cast %broadcast_in_dim3A_2068 : vector<32x1xf32> to vector<32x1xf32>
    %broadcast_in_dim3A_2075 = vector.broadcast %broadcast_in_dim3A_2074 : vector<32x1xf32> to vector<32x128xf32>
    %select_n3A_2076 = arith.select %gt3A_2073, %broadcast_in_dim3A_2075, %get3A_2071 : vector<32x128xi1>, vector<32x128xf32>
    %swap3A_2077 = arith.constant 0 : index
    %swap3A_2078 = arith.constant 0 : index
    %swap3A_2079 = vector.load %arg14[%swap3A_2077, %swap3A_2078] : memref<32x128xf32, #tpu.memory_space<vmem>>, vector<32x128xf32>
    tpu.vector_store %arg14[%swap3A_2077, %swap3A_2078], %select_n3A_2076 {strides = array<i32>} : memref<32x128xf32, #tpu.memory_space<vmem>>, vector<32x128xf32>,
    %get3A_2080 = arith.constant 0 : index
    %get3A_2081 = arith.constant 0 : index
    %get3A_2082 = vector.load %arg24[%get3A_2080, %get3A_2081] : memref<32x128xi32, #tpu.memory_space<vmem>>, vector<32x128xi32>
    %broadcast_in_dim3A_2083 = vector.broadcast %arg0 : i32 to vector<32x128xi32>
    %select_n3A_2084 = arith.select %gt3A_2073, %broadcast_in_dim3A_2083, %get3A_2082 : vector<32x128xi1>, vector<32x128xi32>
    %swap3A_2085 = arith.constant 0 : index
    %swap3A_2086 = arith.constant 0 : index
    %swap3A_2087 = vector.load %arg24[%swap3A_2085, %swap3A_2086] : memref<32x128xi32, #tpu.memory_space<vmem>>, vector<32x128xi32>
    tpu.vector_store %arg24[%swap3A_2085, %swap3A_2086], %select_n3A_2084 {strides = array<i32>} : memref<32x128xi32, #tpu.memory_space<vmem>>, vector<32x128xi32>,
    %add3A_2088 = arith.constant -585280227 : i32
    %add3A_2089 = vector.broadcast %add3A_2088 : i32 to vector<32x1792xi32>
    %add3A_2090 = arith.addi %add3A_39, %add3A_2089 : vector<32x1792xi32>
    %broadcast_in_dim3A_2091 = arith.constant 928981903 : i32
    %broadcast_in_dim3A_2092 = vector.broadcast %broadcast_in_dim3A_2091 : i32 to vector<32x1792xi32>
    %add3A_2093 = arith.addi %broadcast_in_dim3A_2092, %add3A_2090 : vector<32x1792xi32>
    %shift_left3A_2094 = arith.constant 13 : i32
    %shift_left3A_2095 = vector.broadcast %shift_left3A_2094 : i32 to vector<32x1792xi32>
    %shift_left3A_2096 = arith.shli %add3A_2090, %shift_left3A_2095 : vector<32x1792xi32>
    %shift_right_logical3A_2097 = arith.constant 19 : i32
    %shift_right_logical3A_2098 = vector.broadcast %shift_right_logical3A_2097 : i32 to vector<32x1792xi32>
    %shift_right_logical3A_2099 = arith.shrui %add3A_2090, %shift_right_logical3A_2098 : vector<32x1792xi32>
    %or3A_2100 = arith.ori %shift_left3A_2096, %shift_right_logical3A_2099 : vector<32x1792xi32>
    %xor3A_2101 = arith.xori %add3A_2093, %or3A_2100 : vector<32x1792xi32>
    %add3A_2102 = arith.addi %add3A_2093, %xor3A_2101 : vector<32x1792xi32>
    %shift_left3A_2103 = arith.constant 15 : i32
    %shift_left3A_2104 = vector.broadcast %shift_left3A_2103 : i32 to vector<32x1792xi32>
    %shift_left3A_2105 = arith.shli %xor3A_2101, %shift_left3A_2104 : vector<32x1792xi32>
    %shift_right_logical3A_2106 = arith.constant 17 : i32
    %shift_right_logical3A_2107 = vector.broadcast %shift_right_logical3A_2106 : i32 to vector<32x1792xi32>
    %shift_right_logical3A_2108 = arith.shrui %xor3A_2101, %shift_right_logical3A_2107 : vector<32x1792xi32>
    %or3A_2109 = arith.ori %shift_left3A_2105, %shift_right_logical3A_2108 : vector<32x1792xi32>
    %xor3A_2110 = arith.xori %add3A_2102, %or3A_2109 : vector<32x1792xi32>
    %add3A_2111 = arith.addi %add3A_2102, %xor3A_2110 : vector<32x1792xi32>
    %shift_left3A_2112 = arith.constant 26 : i32
    %shift_left3A_2113 = vector.broadcast %shift_left3A_2112 : i32 to vector<32x1792xi32>
    %shift_left3A_2114 = arith.shli %xor3A_2110, %shift_left3A_2113 : vector<32x1792xi32>
    %shift_right_logical3A_2115 = arith.constant 6 : i32
    %shift_right_logical3A_2116 = vector.broadcast %shift_right_logical3A_2115 : i32 to vector<32x1792xi32>
    %shift_right_logical3A_2117 = arith.shrui %xor3A_2110, %shift_right_logical3A_2116 : vector<32x1792xi32>
    %or3A_2118 = arith.ori %shift_left3A_2114, %shift_right_logical3A_2117 : vector<32x1792xi32>
    %xor3A_2119 = arith.xori %add3A_2111, %or3A_2118 : vector<32x1792xi32>
    %add3A_2120 = arith.addi %add3A_2111, %xor3A_2119 : vector<32x1792xi32>
    %shift_left3A_2121 = arith.constant 6 : i32
    %shift_left3A_2122 = vector.broadcast %shift_left3A_2121 : i32 to vector<32x1792xi32>
    %shift_left3A_2123 = arith.shli %xor3A_2119, %shift_left3A_2122 : vector<32x1792xi32>
    %shift_right_logical3A_2124 = arith.constant 26 : i32
    %shift_right_logical3A_2125 = vector.broadcast %shift_right_logical3A_2124 : i32 to vector<32x1792xi32>
    %shift_right_logical3A_2126 = arith.shrui %xor3A_2119, %shift_right_logical3A_2125 : vector<32x1792xi32>
    %or3A_2127 = arith.ori %shift_left3A_2123, %shift_right_logical3A_2126 : vector<32x1792xi32>
    %xor3A_2128 = arith.xori %add3A_2120, %or3A_2127 : vector<32x1792xi32>
    %add3A_2129 = arith.constant -841280227 : i32
    %add3A_2130 = vector.broadcast %add3A_2129 : i32 to vector<32x1792xi32>
    %add3A_2131 = arith.addi %add3A_2120, %add3A_2130 : vector<32x1792xi32>
    %add3A_2132 = arith.constant -514511543 : i32
    %add3A_2133 = vector.broadcast %add3A_2132 : i32 to vector<32x1792xi32>
    %add3A_2134 = arith.addi %xor3A_2128, %add3A_2133 : vector<32x1792xi32>
    %add3A_2135 = arith.addi %add3A_2131, %add3A_2134 : vector<32x1792xi32>
    %shift_left3A_2136 = arith.constant 17 : i32
    %shift_left3A_2137 = vector.broadcast %shift_left3A_2136 : i32 to vector<32x1792xi32>
    %shift_left3A_2138 = arith.shli %add3A_2134, %shift_left3A_2137 : vector<32x1792xi32>
    %shift_right_logical3A_2139 = arith.constant 15 : i32
    %shift_right_logical3A_2140 = vector.broadcast %shift_right_logical3A_2139 : i32 to vector<32x1792xi32>
    %shift_right_logical3A_2141 = arith.shrui %add3A_2134, %shift_right_logical3A_2140 : vector<32x1792xi32>
    %or3A_2142 = arith.ori %shift_left3A_2138, %shift_right_logical3A_2141 : vector<32x1792xi32>
    %xor3A_2143 = arith.xori %add3A_2135, %or3A_2142 : vector<32x1792xi32>
    %add3A_2144 = arith.addi %add3A_2135, %xor3A_2143 : vector<32x1792xi32>
    %shift_left3A_2145 = arith.constant 29 : i32
    %shift_left3A_2146 = vector.broadcast %shift_left3A_2145 : i32 to vector<32x1792xi32>
    %shift_left3A_2147 = arith.shli %xor3A_2143, %shift_left3A_2146 : vector<32x1792xi32>
    %shift_right_logical3A_2148 = arith.constant 3 : i32
    %shift_right_logical3A_2149 = vector.broadcast %shift_right_logical3A_2148 : i32 to vector<32x1792xi32>
    %shift_right_logical3A_2150 = arith.shrui %xor3A_2143, %shift_right_logical3A_2149 : vector<32x1792xi32>
    %or3A_2151 = arith.ori %shift_left3A_2147, %shift_right_logical3A_2150 : vector<32x1792xi32>
    %xor3A_2152 = arith.xori %add3A_2144, %or3A_2151 : vector<32x1792xi32>
    %add3A_2153 = arith.addi %add3A_2144, %xor3A_2152 : vector<32x1792xi32>
    %shift_left3A_2154 = arith.constant 16 : i32
    %shift_left3A_2155 = vector.broadcast %shift_left3A_2154 : i32 to vector<32x1792xi32>
    %shift_left3A_2156 = arith.shli %xor3A_2152, %shift_left3A_2155 : vector<32x1792xi32>
    %shift_right_logical3A_2157 = arith.constant 16 : i32
    %shift_right_logical3A_2158 = vector.broadcast %shift_right_logical3A_2157 : i32 to vector<32x1792xi32>
    %shift_right_logical3A_2159 = arith.shrui %xor3A_2152, %shift_right_logical3A_2158 : vector<32x1792xi32>
    %or3A_2160 = arith.ori %shift_left3A_2156, %shift_right_logical3A_2159 : vector<32x1792xi32>
    %xor3A_2161 = arith.xori %add3A_2153, %or3A_2160 : vector<32x1792xi32>
    %add3A_2162 = arith.addi %add3A_2153, %xor3A_2161 : vector<32x1792xi32>
    %shift_left3A_2163 = arith.constant 24 : i32
    %shift_left3A_2164 = vector.broadcast %shift_left3A_2163 : i32 to vector<32x1792xi32>
    %shift_left3A_2165 = arith.shli %xor3A_2161, %shift_left3A_2164 : vector<32x1792xi32>
    %shift_right_logical3A_2166 = arith.constant 8 : i32
    %shift_right_logical3A_2167 = vector.broadcast %shift_right_logical3A_2166 : i32 to vector<32x1792xi32>
    %shift_right_logical3A_2168 = arith.shrui %xor3A_2161, %shift_right_logical3A_2167 : vector<32x1792xi32>
    %or3A_2169 = arith.ori %shift_left3A_2165, %shift_right_logical3A_2168 : vector<32x1792xi32>
    %xor3A_2170 = arith.xori %add3A_2162, %or3A_2169 : vector<32x1792xi32>
    %add3A_2171 = arith.constant -514511544 : i32
    %add3A_2172 = vector.broadcast %add3A_2171 : i32 to vector<32x1792xi32>
    %add3A_2173 = arith.addi %add3A_2162, %add3A_2172 : vector<32x1792xi32>
    %add3A_2174 = arith.constant 928981905 : i32
    %add3A_2175 = vector.broadcast %add3A_2174 : i32 to vector<32x1792xi32>
    %add3A_2176 = arith.addi %xor3A_2170, %add3A_2175 : vector<32x1792xi32>
    %add3A_2177 = arith.addi %add3A_2173, %add3A_2176 : vector<32x1792xi32>
    %shift_left3A_2178 = arith.constant 13 : i32
    %shift_left3A_2179 = vector.broadcast %shift_left3A_2178 : i32 to vector<32x1792xi32>
    %shift_left3A_2180 = arith.shli %add3A_2176, %shift_left3A_2179 : vector<32x1792xi32>
    %shift_right_logical3A_2181 = arith.constant 19 : i32
    %shift_right_logical3A_2182 = vector.broadcast %shift_right_logical3A_2181 : i32 to vector<32x1792xi32>
    %shift_right_logical3A_2183 = arith.shrui %add3A_2176, %shift_right_logical3A_2182 : vector<32x1792xi32>
    %or3A_2184 = arith.ori %shift_left3A_2180, %shift_right_logical3A_2183 : vector<32x1792xi32>
    %xor3A_2185 = arith.xori %add3A_2177, %or3A_2184 : vector<32x1792xi32>
    %add3A_2186 = arith.addi %add3A_2177, %xor3A_2185 : vector<32x1792xi32>
    %shift_left3A_2187 = arith.constant 15 : i32
    %shift_left3A_2188 = vector.broadcast %shift_left3A_2187 : i32 to vector<32x1792xi32>
    %shift_left3A_2189 = arith.shli %xor3A_2185, %shift_left3A_2188 : vector<32x1792xi32>
    %shift_right_logical3A_2190 = arith.constant 17 : i32
    %shift_right_logical3A_2191 = vector.broadcast %shift_right_logical3A_2190 : i32 to vector<32x1792xi32>
    %shift_right_logical3A_2192 = arith.shrui %xor3A_2185, %shift_right_logical3A_2191 : vector<32x1792xi32>
    %or3A_2193 = arith.ori %shift_left3A_2189, %shift_right_logical3A_2192 : vector<32x1792xi32>
    %xor3A_2194 = arith.xori %add3A_2186, %or3A_2193 : vector<32x1792xi32>
    %add3A_2195 = arith.addi %add3A_2186, %xor3A_2194 : vector<32x1792xi32>
    %shift_left3A_2196 = arith.constant 26 : i32
    %shift_left3A_2197 = vector.broadcast %shift_left3A_2196 : i32 to vector<32x1792xi32>
    %shift_left3A_2198 = arith.shli %xor3A_2194, %shift_left3A_2197 : vector<32x1792xi32>
    %shift_right_logical3A_2199 = arith.constant 6 : i32
    %shift_right_logical3A_2200 = vector.broadcast %shift_right_logical3A_2199 : i32 to vector<32x1792xi32>
    %shift_right_logical3A_2201 = arith.shrui %xor3A_2194, %shift_right_logical3A_2200 : vector<32x1792xi32>
    %or3A_2202 = arith.ori %shift_left3A_2198, %shift_right_logical3A_2201 : vector<32x1792xi32>
    %xor3A_2203 = arith.xori %add3A_2195, %or3A_2202 : vector<32x1792xi32>
    %add3A_2204 = arith.addi %add3A_2195, %xor3A_2203 : vector<32x1792xi32>
    %shift_left3A_2205 = arith.constant 6 : i32
    %shift_left3A_2206 = vector.broadcast %shift_left3A_2205 : i32 to vector<32x1792xi32>
    %shift_left3A_2207 = arith.shli %xor3A_2203, %shift_left3A_2206 : vector<32x1792xi32>
    %shift_right_logical3A_2208 = arith.constant 26 : i32
    %shift_right_logical3A_2209 = vector.broadcast %shift_right_logical3A_2208 : i32 to vector<32x1792xi32>
    %shift_right_logical3A_2210 = arith.shrui %xor3A_2203, %shift_right_logical3A_2209 : vector<32x1792xi32>
    %or3A_2211 = arith.ori %shift_left3A_2207, %shift_right_logical3A_2210 : vector<32x1792xi32>
    %xor3A_2212 = arith.xori %add3A_2204, %or3A_2211 : vector<32x1792xi32>
    %add3A_2213 = arith.constant 928981903 : i32
    %add3A_2214 = vector.broadcast %add3A_2213 : i32 to vector<32x1792xi32>
    %add3A_2215 = arith.addi %add3A_2204, %add3A_2214 : vector<32x1792xi32>
    %add3A_2216 = arith.constant -841280224 : i32
    %add3A_2217 = vector.broadcast %add3A_2216 : i32 to vector<32x1792xi32>
    %add3A_2218 = arith.addi %xor3A_2212, %add3A_2217 : vector<32x1792xi32>
    %add3A_2219 = arith.addi %add3A_2215, %add3A_2218 : vector<32x1792xi32>
    %shift_left3A_2220 = arith.constant 17 : i32
    %shift_left3A_2221 = vector.broadcast %shift_left3A_2220 : i32 to vector<32x1792xi32>
    %shift_left3A_2222 = arith.shli %add3A_2218, %shift_left3A_2221 : vector<32x1792xi32>
    %shift_right_logical3A_2223 = arith.constant 15 : i32
    %shift_right_logical3A_2224 = vector.broadcast %shift_right_logical3A_2223 : i32 to vector<32x1792xi32>
    %shift_right_logical3A_2225 = arith.shrui %add3A_2218, %shift_right_logical3A_2224 : vector<32x1792xi32>
    %or3A_2226 = arith.ori %shift_left3A_2222, %shift_right_logical3A_2225 : vector<32x1792xi32>
    %xor3A_2227 = arith.xori %add3A_2219, %or3A_2226 : vector<32x1792xi32>
    %add3A_2228 = arith.addi %add3A_2219, %xor3A_2227 : vector<32x1792xi32>
    %shift_left3A_2229 = arith.constant 29 : i32
    %shift_left3A_2230 = vector.broadcast %shift_left3A_2229 : i32 to vector<32x1792xi32>
    %shift_left3A_2231 = arith.shli %xor3A_2227, %shift_left3A_2230 : vector<32x1792xi32>
    %shift_right_logical3A_2232 = arith.constant 3 : i32
    %shift_right_logical3A_2233 = vector.broadcast %shift_right_logical3A_2232 : i32 to vector<32x1792xi32>
    %shift_right_logical3A_2234 = arith.shrui %xor3A_2227, %shift_right_logical3A_2233 : vector<32x1792xi32>
    %or3A_2235 = arith.ori %shift_left3A_2231, %shift_right_logical3A_2234 : vector<32x1792xi32>
    %xor3A_2236 = arith.xori %add3A_2228, %or3A_2235 : vector<32x1792xi32>
    %add3A_2237 = arith.addi %add3A_2228, %xor3A_2236 : vector<32x1792xi32>
    %shift_left3A_2238 = arith.constant 16 : i32
    %shift_left3A_2239 = vector.broadcast %shift_left3A_2238 : i32 to vector<32x1792xi32>
    %shift_left3A_2240 = arith.shli %xor3A_2236, %shift_left3A_2239 : vector<32x1792xi32>
    %shift_right_logical3A_2241 = arith.constant 16 : i32
    %shift_right_logical3A_2242 = vector.broadcast %shift_right_logical3A_2241 : i32 to vector<32x1792xi32>
    %shift_right_logical3A_2243 = arith.shrui %xor3A_2236, %shift_right_logical3A_2242 : vector<32x1792xi32>
    %or3A_2244 = arith.ori %shift_left3A_2240, %shift_right_logical3A_2243 : vector<32x1792xi32>
    %xor3A_2245 = arith.xori %add3A_2237, %or3A_2244 : vector<32x1792xi32>
    %add3A_2246 = arith.addi %add3A_2237, %xor3A_2245 : vector<32x1792xi32>
    %shift_left3A_2247 = arith.constant 24 : i32
    %shift_left3A_2248 = vector.broadcast %shift_left3A_2247 : i32 to vector<32x1792xi32>
    %shift_left3A_2249 = arith.shli %xor3A_2245, %shift_left3A_2248 : vector<32x1792xi32>
    %shift_right_logical3A_2250 = arith.constant 8 : i32
    %shift_right_logical3A_2251 = vector.broadcast %shift_right_logical3A_2250 : i32 to vector<32x1792xi32>
    %shift_right_logical3A_2252 = arith.shrui %xor3A_2245, %shift_right_logical3A_2251 : vector<32x1792xi32>
    %or3A_2253 = arith.ori %shift_left3A_2249, %shift_right_logical3A_2252 : vector<32x1792xi32>
    %xor3A_2254 = arith.xori %add3A_2246, %or3A_2253 : vector<32x1792xi32>
    %add3A_2255 = arith.constant -841280227 : i32
    %add3A_2256 = vector.broadcast %add3A_2255 : i32 to vector<32x1792xi32>
    %add3A_2257 = arith.addi %add3A_2246, %add3A_2256 : vector<32x1792xi32>
    %add3A_2258 = arith.constant -514511540 : i32
    %add3A_2259 = vector.broadcast %add3A_2258 : i32 to vector<32x1792xi32>
    %add3A_2260 = arith.addi %xor3A_2254, %add3A_2259 : vector<32x1792xi32>
    %add3A_2261 = arith.addi %add3A_2257, %add3A_2260 : vector<32x1792xi32>
    %shift_left3A_2262 = arith.constant 13 : i32
    %shift_left3A_2263 = vector.broadcast %shift_left3A_2262 : i32 to vector<32x1792xi32>
    %shift_left3A_2264 = arith.shli %add3A_2260, %shift_left3A_2263 : vector<32x1792xi32>
    %shift_right_logical3A_2265 = arith.constant 19 : i32
    %shift_right_logical3A_2266 = vector.broadcast %shift_right_logical3A_2265 : i32 to vector<32x1792xi32>
    %shift_right_logical3A_2267 = arith.shrui %add3A_2260, %shift_right_logical3A_2266 : vector<32x1792xi32>
    %or3A_2268 = arith.ori %shift_left3A_2264, %shift_right_logical3A_2267 : vector<32x1792xi32>
    %xor3A_2269 = arith.xori %add3A_2261, %or3A_2268 : vector<32x1792xi32>
    %add3A_2270 = arith.addi %add3A_2261, %xor3A_2269 : vector<32x1792xi32>
    %shift_left3A_2271 = arith.constant 15 : i32
    %shift_left3A_2272 = vector.broadcast %shift_left3A_2271 : i32 to vector<32x1792xi32>
    %shift_left3A_2273 = arith.shli %xor3A_2269, %shift_left3A_2272 : vector<32x1792xi32>
    %shift_right_logical3A_2274 = arith.constant 17 : i32
    %shift_right_logical3A_2275 = vector.broadcast %shift_right_logical3A_2274 : i32 to vector<32x1792xi32>
    %shift_right_logical3A_2276 = arith.shrui %xor3A_2269, %shift_right_logical3A_2275 : vector<32x1792xi32>
    %or3A_2277 = arith.ori %shift_left3A_2273, %shift_right_logical3A_2276 : vector<32x1792xi32>
    %xor3A_2278 = arith.xori %add3A_2270, %or3A_2277 : vector<32x1792xi32>
    %add3A_2279 = arith.addi %add3A_2270, %xor3A_2278 : vector<32x1792xi32>
    %shift_left3A_2280 = arith.constant 26 : i32
    %shift_left3A_2281 = vector.broadcast %shift_left3A_2280 : i32 to vector<32x1792xi32>
    %shift_left3A_2282 = arith.shli %xor3A_2278, %shift_left3A_2281 : vector<32x1792xi32>
    %shift_right_logical3A_2283 = arith.constant 6 : i32
    %shift_right_logical3A_2284 = vector.broadcast %shift_right_logical3A_2283 : i32 to vector<32x1792xi32>
    %shift_right_logical3A_2285 = arith.shrui %xor3A_2278, %shift_right_logical3A_2284 : vector<32x1792xi32>
    %or3A_2286 = arith.ori %shift_left3A_2282, %shift_right_logical3A_2285 : vector<32x1792xi32>
    %xor3A_2287 = arith.xori %add3A_2279, %or3A_2286 : vector<32x1792xi32>
    %add3A_2288 = arith.addi %add3A_2279, %xor3A_2287 : vector<32x1792xi32>
    %shift_left3A_2289 = arith.constant 6 : i32
    %shift_left3A_2290 = vector.broadcast %shift_left3A_2289 : i32 to vector<32x1792xi32>
    %shift_left3A_2291 = arith.shli %xor3A_2287, %shift_left3A_2290 : vector<32x1792xi32>
    %shift_right_logical3A_2292 = arith.constant 26 : i32
    %shift_right_logical3A_2293 = vector.broadcast %shift_right_logical3A_2292 : i32 to vector<32x1792xi32>
    %shift_right_logical3A_2294 = arith.shrui %xor3A_2287, %shift_right_logical3A_2293 : vector<32x1792xi32>
    %or3A_2295 = arith.ori %shift_left3A_2291, %shift_right_logical3A_2294 : vector<32x1792xi32>
    %xor3A_2296 = arith.xori %add3A_2288, %or3A_2295 : vector<32x1792xi32>
    %add3A_2297 = arith.constant -514511544 : i32
    %add3A_2298 = vector.broadcast %add3A_2297 : i32 to vector<32x1792xi32>
    %add3A_2299 = arith.addi %add3A_2288, %add3A_2298 : vector<32x1792xi32>
    %add3A_2300 = arith.constant 928981908 : i32
    %add3A_2301 = vector.broadcast %add3A_2300 : i32 to vector<32x1792xi32>
    %add3A_2302 = arith.addi %xor3A_2296, %add3A_2301 : vector<32x1792xi32>
    %xor3A_2303 = arith.xori %add3A_2299, %add3A_2302 : vector<32x1792xi32>
    %shift_right_logical3A_2304 = arith.constant 9 : i32
    %shift_right_logical3A_2305 = vector.broadcast %shift_right_logical3A_2304 : i32 to vector<32x1792xi32>
    %shift_right_logical3A_2306 = arith.shrui %xor3A_2303, %shift_right_logical3A_2305 : vector<32x1792xi32>
    %or3A_2307 = arith.constant 1065353216 : i32
    %or3A_2308 = vector.broadcast %or3A_2307 : i32 to vector<32x1792xi32>
    %or3A_2309 = arith.ori %shift_right_logical3A_2306, %or3A_2308 : vector<32x1792xi32>
    %bitcast_convert_type3A_2310 = tpu.bitcast %or3A_2309 : vector<32x1792xi32> -> vector<32x1792xf32>
    %sub3A_2311 = arith.constant 1.000000e+00 : f32
    %sub3A_2312 = vector.broadcast %sub3A_2311 : f32 to vector<32x1792xf32>
    %sub3A_2313 = arith.subf %bitcast_convert_type3A_2310, %sub3A_2312 : vector<32x1792xf32>
    %log3A_2314 = math.log %sub3A_2313 : vector<32x1792xf32>
    %neg3A_2315 = arith.constant 0.000000e+00 : f32
    %neg3A_2316 = vector.broadcast %neg3A_2315 : f32 to vector<32x1792xf32>
    %neg3A_2317 = arith.subf %neg3A_2316, %log3A_2314 : vector<32x1792xf32>
    %log3A_2318 = math.log %neg3A_2317 : vector<32x1792xf32>
    %neg3A_2319 = arith.constant 0.000000e+00 : f32
    %neg3A_2320 = vector.broadcast %neg3A_2319 : f32 to vector<32x1792xf32>
    %neg3A_2321 = arith.subf %neg3A_2320, %log3A_2318 : vector<32x1792xf32>
    %add3A_2322 = arith.addf %select_n3A, %neg3A_2321 : vector<32x1792xf32>
    %reduce_max3A_2323 = arith.constant dense<0xFF800000> : vector<32xf32>
    %reduce_max3A_2324 = vector.multi_reduction <maximumf>, %add3A_2322, %reduce_max3A_2323 [1] : vector<32x1792xf32> to vector<32xf32>
    %broadcast_in_dim3A_2325 = vector.shape_cast %reduce_max3A_2324 : vector<32xf32> to vector<32x1xf32>
    %get3A_2326 = arith.constant 0 : index
    %get3A_2327 = arith.constant 0 : index
    %get3A_2328 = vector.load %arg15[%get3A_2326, %get3A_2327] : memref<32x128xf32, #tpu.memory_space<vmem>>, vector<32x128xf32>
    %gt3A_2329 = vector.broadcast %broadcast_in_dim3A_2325 : vector<32x1xf32> to vector<32x128xf32>
    %gt3A_2330 = arith.cmpf ogt, %gt3A_2329, %get3A_2328 : vector<32x128xf32>
    %broadcast_in_dim3A_2331 = vector.shape_cast %broadcast_in_dim3A_2325 : vector<32x1xf32> to vector<32x1xf32>
    %broadcast_in_dim3A_2332 = vector.broadcast %broadcast_in_dim3A_2331 : vector<32x1xf32> to vector<32x128xf32>
    %select_n3A_2333 = arith.select %gt3A_2330, %broadcast_in_dim3A_2332, %get3A_2328 : vector<32x128xi1>, vector<32x128xf32>
    %swap3A_2334 = arith.constant 0 : index
    %swap3A_2335 = arith.constant 0 : index
    %swap3A_2336 = vector.load %arg15[%swap3A_2334, %swap3A_2335] : memref<32x128xf32, #tpu.memory_space<vmem>>, vector<32x128xf32>
    tpu.vector_store %arg15[%swap3A_2334, %swap3A_2335], %select_n3A_2333 {strides = array<i32>} : memref<32x128xf32, #tpu.memory_space<vmem>>, vector<32x128xf32>,
    %get3A_2337 = arith.constant 0 : index
    %get3A_2338 = arith.constant 0 : index
    %get3A_2339 = vector.load %arg25[%get3A_2337, %get3A_2338] : memref<32x128xi32, #tpu.memory_space<vmem>>, vector<32x128xi32>
    %broadcast_in_dim3A_2340 = vector.broadcast %arg0 : i32 to vector<32x128xi32>
    %select_n3A_2341 = arith.select %gt3A_2330, %broadcast_in_dim3A_2340, %get3A_2339 : vector<32x128xi1>, vector<32x128xi32>
    %swap3A_2342 = arith.constant 0 : index
    %swap3A_2343 = arith.constant 0 : index
    %swap3A_2344 = vector.load %arg25[%swap3A_2342, %swap3A_2343] : memref<32x128xi32, #tpu.memory_space<vmem>>, vector<32x128xi32>
    tpu.vector_store %arg25[%swap3A_2342, %swap3A_2343], %select_n3A_2341 {strides = array<i32>} : memref<32x128xi32, #tpu.memory_space<vmem>>, vector<32x128xi32>,
    %add3A_2345 = arith.constant -553280227 : i32
    %add3A_2346 = vector.broadcast %add3A_2345 : i32 to vector<32x1792xi32>
    %add3A_2347 = arith.addi %add3A_39, %add3A_2346 : vector<32x1792xi32>
    %broadcast_in_dim3A_2348 = arith.constant 928981903 : i32
    %broadcast_in_dim3A_2349 = vector.broadcast %broadcast_in_dim3A_2348 : i32 to vector<32x1792xi32>
    %add3A_2350 = arith.addi %broadcast_in_dim3A_2349, %add3A_2347 : vector<32x1792xi32>
    %shift_left3A_2351 = arith.constant 13 : i32
    %shift_left3A_2352 = vector.broadcast %shift_left3A_2351 : i32 to vector<32x1792xi32>
    %shift_left3A_2353 = arith.shli %add3A_2347, %shift_left3A_2352 : vector<32x1792xi32>
    %shift_right_logical3A_2354 = arith.constant 19 : i32
    %shift_right_logical3A_2355 = vector.broadcast %shift_right_logical3A_2354 : i32 to vector<32x1792xi32>
    %shift_right_logical3A_2356 = arith.shrui %add3A_2347, %shift_right_logical3A_2355 : vector<32x1792xi32>
    %or3A_2357 = arith.ori %shift_left3A_2353, %shift_right_logical3A_2356 : vector<32x1792xi32>
    %xor3A_2358 = arith.xori %add3A_2350, %or3A_2357 : vector<32x1792xi32>
    %add3A_2359 = arith.addi %add3A_2350, %xor3A_2358 : vector<32x1792xi32>
    %shift_left3A_2360 = arith.constant 15 : i32
    %shift_left3A_2361 = vector.broadcast %shift_left3A_2360 : i32 to vector<32x1792xi32>
    %shift_left3A_2362 = arith.shli %xor3A_2358, %shift_left3A_2361 : vector<32x1792xi32>
    %shift_right_logical3A_2363 = arith.constant 17 : i32
    %shift_right_logical3A_2364 = vector.broadcast %shift_right_logical3A_2363 : i32 to vector<32x1792xi32>
    %shift_right_logical3A_2365 = arith.shrui %xor3A_2358, %shift_right_logical3A_2364 : vector<32x1792xi32>
    %or3A_2366 = arith.ori %shift_left3A_2362, %shift_right_logical3A_2365 : vector<32x1792xi32>
    %xor3A_2367 = arith.xori %add3A_2359, %or3A_2366 : vector<32x1792xi32>
    %add3A_2368 = arith.addi %add3A_2359, %xor3A_2367 : vector<32x1792xi32>
    %shift_left3A_2369 = arith.constant 26 : i32
    %shift_left3A_2370 = vector.broadcast %shift_left3A_2369 : i32 to vector<32x1792xi32>
    %shift_left3A_2371 = arith.shli %xor3A_2367, %shift_left3A_2370 : vector<32x1792xi32>
    %shift_right_logical3A_2372 = arith.constant 6 : i32
    %shift_right_logical3A_2373 = vector.broadcast %shift_right_logical3A_2372 : i32 to vector<32x1792xi32>
    %shift_right_logical3A_2374 = arith.shrui %xor3A_2367, %shift_right_logical3A_2373 : vector<32x1792xi32>
    %or3A_2375 = arith.ori %shift_left3A_2371, %shift_right_logical3A_2374 : vector<32x1792xi32>
    %xor3A_2376 = arith.xori %add3A_2368, %or3A_2375 : vector<32x1792xi32>
    %add3A_2377 = arith.addi %add3A_2368, %xor3A_2376 : vector<32x1792xi32>
    %shift_left3A_2378 = arith.constant 6 : i32
    %shift_left3A_2379 = vector.broadcast %shift_left3A_2378 : i32 to vector<32x1792xi32>
    %shift_left3A_2380 = arith.shli %xor3A_2376, %shift_left3A_2379 : vector<32x1792xi32>
    %shift_right_logical3A_2381 = arith.constant 26 : i32
    %shift_right_logical3A_2382 = vector.broadcast %shift_right_logical3A_2381 : i32 to vector<32x1792xi32>
    %shift_right_logical3A_2383 = arith.shrui %xor3A_2376, %shift_right_logical3A_2382 : vector<32x1792xi32>
    %or3A_2384 = arith.ori %shift_left3A_2380, %shift_right_logical3A_2383 : vector<32x1792xi32>
    %xor3A_2385 = arith.xori %add3A_2377, %or3A_2384 : vector<32x1792xi32>
    %add3A_2386 = arith.constant -841280227 : i32
    %add3A_2387 = vector.broadcast %add3A_2386 : i32 to vector<32x1792xi32>
    %add3A_2388 = arith.addi %add3A_2377, %add3A_2387 : vector<32x1792xi32>
    %add3A_2389 = arith.constant -514511543 : i32
    %add3A_2390 = vector.broadcast %add3A_2389 : i32 to vector<32x1792xi32>
    %add3A_2391 = arith.addi %xor3A_2385, %add3A_2390 : vector<32x1792xi32>
    %add3A_2392 = arith.addi %add3A_2388, %add3A_2391 : vector<32x1792xi32>
    %shift_left3A_2393 = arith.constant 17 : i32
    %shift_left3A_2394 = vector.broadcast %shift_left3A_2393 : i32 to vector<32x1792xi32>
    %shift_left3A_2395 = arith.shli %add3A_2391, %shift_left3A_2394 : vector<32x1792xi32>
    %shift_right_logical3A_2396 = arith.constant 15 : i32
    %shift_right_logical3A_2397 = vector.broadcast %shift_right_logical3A_2396 : i32 to vector<32x1792xi32>
    %shift_right_logical3A_2398 = arith.shrui %add3A_2391, %shift_right_logical3A_2397 : vector<32x1792xi32>
    %or3A_2399 = arith.ori %shift_left3A_2395, %shift_right_logical3A_2398 : vector<32x1792xi32>
    %xor3A_2400 = arith.xori %add3A_2392, %or3A_2399 : vector<32x1792xi32>
    %add3A_2401 = arith.addi %add3A_2392, %xor3A_2400 : vector<32x1792xi32>
    %shift_left3A_2402 = arith.constant 29 : i32
    %shift_left3A_2403 = vector.broadcast %shift_left3A_2402 : i32 to vector<32x1792xi32>
    %shift_left3A_2404 = arith.shli %xor3A_2400, %shift_left3A_2403 : vector<32x1792xi32>
    %shift_right_logical3A_2405 = arith.constant 3 : i32
    %shift_right_logical3A_2406 = vector.broadcast %shift_right_logical3A_2405 : i32 to vector<32x1792xi32>
    %shift_right_logical3A_2407 = arith.shrui %xor3A_2400, %shift_right_logical3A_2406 : vector<32x1792xi32>
    %or3A_2408 = arith.ori %shift_left3A_2404, %shift_right_logical3A_2407 : vector<32x1792xi32>
    %xor3A_2409 = arith.xori %add3A_2401, %or3A_2408 : vector<32x1792xi32>
    %add3A_2410 = arith.addi %add3A_2401, %xor3A_2409 : vector<32x1792xi32>
    %shift_left3A_2411 = arith.constant 16 : i32
    %shift_left3A_2412 = vector.broadcast %shift_left3A_2411 : i32 to vector<32x1792xi32>
    %shift_left3A_2413 = arith.shli %xor3A_2409, %shift_left3A_2412 : vector<32x1792xi32>
    %shift_right_logical3A_2414 = arith.constant 16 : i32
    %shift_right_logical3A_2415 = vector.broadcast %shift_right_logical3A_2414 : i32 to vector<32x1792xi32>
    %shift_right_logical3A_2416 = arith.shrui %xor3A_2409, %shift_right_logical3A_2415 : vector<32x1792xi32>
    %or3A_2417 = arith.ori %shift_left3A_2413, %shift_right_logical3A_2416 : vector<32x1792xi32>
    %xor3A_2418 = arith.xori %add3A_2410, %or3A_2417 : vector<32x1792xi32>
    %add3A_2419 = arith.addi %add3A_2410, %xor3A_2418 : vector<32x1792xi32>
    %shift_left3A_2420 = arith.constant 24 : i32
    %shift_left3A_2421 = vector.broadcast %shift_left3A_2420 : i32 to vector<32x1792xi32>
    %shift_left3A_2422 = arith.shli %xor3A_2418, %shift_left3A_2421 : vector<32x1792xi32>
    %shift_right_logical3A_2423 = arith.constant 8 : i32
    %shift_right_logical3A_2424 = vector.broadcast %shift_right_logical3A_2423 : i32 to vector<32x1792xi32>
    %shift_right_logical3A_2425 = arith.shrui %xor3A_2418, %shift_right_logical3A_2424 : vector<32x1792xi32>
    %or3A_2426 = arith.ori %shift_left3A_2422, %shift_right_logical3A_2425 : vector<32x1792xi32>
    %xor3A_2427 = arith.xori %add3A_2419, %or3A_2426 : vector<32x1792xi32>
    %add3A_2428 = arith.constant -514511544 : i32
    %add3A_2429 = vector.broadcast %add3A_2428 : i32 to vector<32x1792xi32>
    %add3A_2430 = arith.addi %add3A_2419, %add3A_2429 : vector<32x1792xi32>
    %add3A_2431 = arith.constant 928981905 : i32
    %add3A_2432 = vector.broadcast %add3A_2431 : i32 to vector<32x1792xi32>
    %add3A_2433 = arith.addi %xor3A_2427, %add3A_2432 : vector<32x1792xi32>
    %add3A_2434 = arith.addi %add3A_2430, %add3A_2433 : vector<32x1792xi32>
    %shift_left3A_2435 = arith.constant 13 : i32
    %shift_left3A_2436 = vector.broadcast %shift_left3A_2435 : i32 to vector<32x1792xi32>
    %shift_left3A_2437 = arith.shli %add3A_2433, %shift_left3A_2436 : vector<32x1792xi32>
    %shift_right_logical3A_2438 = arith.constant 19 : i32
    %shift_right_logical3A_2439 = vector.broadcast %shift_right_logical3A_2438 : i32 to vector<32x1792xi32>
    %shift_right_logical3A_2440 = arith.shrui %add3A_2433, %shift_right_logical3A_2439 : vector<32x1792xi32>
    %or3A_2441 = arith.ori %shift_left3A_2437, %shift_right_logical3A_2440 : vector<32x1792xi32>
    %xor3A_2442 = arith.xori %add3A_2434, %or3A_2441 : vector<32x1792xi32>
    %add3A_2443 = arith.addi %add3A_2434, %xor3A_2442 : vector<32x1792xi32>
    %shift_left3A_2444 = arith.constant 15 : i32
    %shift_left3A_2445 = vector.broadcast %shift_left3A_2444 : i32 to vector<32x1792xi32>
    %shift_left3A_2446 = arith.shli %xor3A_2442, %shift_left3A_2445 : vector<32x1792xi32>
    %shift_right_logical3A_2447 = arith.constant 17 : i32
    %shift_right_logical3A_2448 = vector.broadcast %shift_right_logical3A_2447 : i32 to vector<32x1792xi32>
    %shift_right_logical3A_2449 = arith.shrui %xor3A_2442, %shift_right_logical3A_2448 : vector<32x1792xi32>
    %or3A_2450 = arith.ori %shift_left3A_2446, %shift_right_logical3A_2449 : vector<32x1792xi32>
    %xor3A_2451 = arith.xori %add3A_2443, %or3A_2450 : vector<32x1792xi32>
    %add3A_2452 = arith.addi %add3A_2443, %xor3A_2451 : vector<32x1792xi32>
    %shift_left3A_2453 = arith.constant 26 : i32
    %shift_left3A_2454 = vector.broadcast %shift_left3A_2453 : i32 to vector<32x1792xi32>
    %shift_left3A_2455 = arith.shli %xor3A_2451, %shift_left3A_2454 : vector<32x1792xi32>
    %shift_right_logical3A_2456 = arith.constant 6 : i32
    %shift_right_logical3A_2457 = vector.broadcast %shift_right_logical3A_2456 : i32 to vector<32x1792xi32>
    %shift_right_logical3A_2458 = arith.shrui %xor3A_2451, %shift_right_logical3A_2457 : vector<32x1792xi32>
    %or3A_2459 = arith.ori %shift_left3A_2455, %shift_right_logical3A_2458 : vector<32x1792xi32>
    %xor3A_2460 = arith.xori %add3A_2452, %or3A_2459 : vector<32x1792xi32>
    %add3A_2461 = arith.addi %add3A_2452, %xor3A_2460 : vector<32x1792xi32>
    %shift_left3A_2462 = arith.constant 6 : i32
    %shift_left3A_2463 = vector.broadcast %shift_left3A_2462 : i32 to vector<32x1792xi32>
    %shift_left3A_2464 = arith.shli %xor3A_2460, %shift_left3A_2463 : vector<32x1792xi32>
    %shift_right_logical3A_2465 = arith.constant 26 : i32
    %shift_right_logical3A_2466 = vector.broadcast %shift_right_logical3A_2465 : i32 to vector<32x1792xi32>
    %shift_right_logical3A_2467 = arith.shrui %xor3A_2460, %shift_right_logical3A_2466 : vector<32x1792xi32>
    %or3A_2468 = arith.ori %shift_left3A_2464, %shift_right_logical3A_2467 : vector<32x1792xi32>
    %xor3A_2469 = arith.xori %add3A_2461, %or3A_2468 : vector<32x1792xi32>
    %add3A_2470 = arith.constant 928981903 : i32
    %add3A_2471 = vector.broadcast %add3A_2470 : i32 to vector<32x1792xi32>
    %add3A_2472 = arith.addi %add3A_2461, %add3A_2471 : vector<32x1792xi32>
    %add3A_2473 = arith.constant -841280224 : i32
    %add3A_2474 = vector.broadcast %add3A_2473 : i32 to vector<32x1792xi32>
    %add3A_2475 = arith.addi %xor3A_2469, %add3A_2474 : vector<32x1792xi32>
    %add3A_2476 = arith.addi %add3A_2472, %add3A_2475 : vector<32x1792xi32>
    %shift_left3A_2477 = arith.constant 17 : i32
    %shift_left3A_2478 = vector.broadcast %shift_left3A_2477 : i32 to vector<32x1792xi32>
    %shift_left3A_2479 = arith.shli %add3A_2475, %shift_left3A_2478 : vector<32x1792xi32>
    %shift_right_logical3A_2480 = arith.constant 15 : i32
    %shift_right_logical3A_2481 = vector.broadcast %shift_right_logical3A_2480 : i32 to vector<32x1792xi32>
    %shift_right_logical3A_2482 = arith.shrui %add3A_2475, %shift_right_logical3A_2481 : vector<32x1792xi32>
    %or3A_2483 = arith.ori %shift_left3A_2479, %shift_right_logical3A_2482 : vector<32x1792xi32>
    %xor3A_2484 = arith.xori %add3A_2476, %or3A_2483 : vector<32x1792xi32>
    %add3A_2485 = arith.addi %add3A_2476, %xor3A_2484 : vector<32x1792xi32>
    %shift_left3A_2486 = arith.constant 29 : i32
    %shift_left3A_2487 = vector.broadcast %shift_left3A_2486 : i32 to vector<32x1792xi32>
    %shift_left3A_2488 = arith.shli %xor3A_2484, %shift_left3A_2487 : vector<32x1792xi32>
    %shift_right_logical3A_2489 = arith.constant 3 : i32
    %shift_right_logical3A_2490 = vector.broadcast %shift_right_logical3A_2489 : i32 to vector<32x1792xi32>
    %shift_right_logical3A_2491 = arith.shrui %xor3A_2484, %shift_right_logical3A_2490 : vector<32x1792xi32>
    %or3A_2492 = arith.ori %shift_left3A_2488, %shift_right_logical3A_2491 : vector<32x1792xi32>
    %xor3A_2493 = arith.xori %add3A_2485, %or3A_2492 : vector<32x1792xi32>
    %add3A_2494 = arith.addi %add3A_2485, %xor3A_2493 : vector<32x1792xi32>
    %shift_left3A_2495 = arith.constant 16 : i32
    %shift_left3A_2496 = vector.broadcast %shift_left3A_2495 : i32 to vector<32x1792xi32>
    %shift_left3A_2497 = arith.shli %xor3A_2493, %shift_left3A_2496 : vector<32x1792xi32>
    %shift_right_logical3A_2498 = arith.constant 16 : i32
    %shift_right_logical3A_2499 = vector.broadcast %shift_right_logical3A_2498 : i32 to vector<32x1792xi32>
    %shift_right_logical3A_2500 = arith.shrui %xor3A_2493, %shift_right_logical3A_2499 : vector<32x1792xi32>
    %or3A_2501 = arith.ori %shift_left3A_2497, %shift_right_logical3A_2500 : vector<32x1792xi32>
    %xor3A_2502 = arith.xori %add3A_2494, %or3A_2501 : vector<32x1792xi32>
    %add3A_2503 = arith.addi %add3A_2494, %xor3A_2502 : vector<32x1792xi32>
    %shift_left3A_2504 = arith.constant 24 : i32
    %shift_left3A_2505 = vector.broadcast %shift_left3A_2504 : i32 to vector<32x1792xi32>
    %shift_left3A_2506 = arith.shli %xor3A_2502, %shift_left3A_2505 : vector<32x1792xi32>
    %shift_right_logical3A_2507 = arith.constant 8 : i32
    %shift_right_logical3A_2508 = vector.broadcast %shift_right_logical3A_2507 : i32 to vector<32x1792xi32>
    %shift_right_logical3A_2509 = arith.shrui %xor3A_2502, %shift_right_logical3A_2508 : vector<32x1792xi32>
    %or3A_2510 = arith.ori %shift_left3A_2506, %shift_right_logical3A_2509 : vector<32x1792xi32>
    %xor3A_2511 = arith.xori %add3A_2503, %or3A_2510 : vector<32x1792xi32>
    %add3A_2512 = arith.constant -841280227 : i32
    %add3A_2513 = vector.broadcast %add3A_2512 : i32 to vector<32x1792xi32>
    %add3A_2514 = arith.addi %add3A_2503, %add3A_2513 : vector<32x1792xi32>
    %add3A_2515 = arith.constant -514511540 : i32
    %add3A_2516 = vector.broadcast %add3A_2515 : i32 to vector<32x1792xi32>
    %add3A_2517 = arith.addi %xor3A_2511, %add3A_2516 : vector<32x1792xi32>
    %add3A_2518 = arith.addi %add3A_2514, %add3A_2517 : vector<32x1792xi32>
    %shift_left3A_2519 = arith.constant 13 : i32
    %shift_left3A_2520 = vector.broadcast %shift_left3A_2519 : i32 to vector<32x1792xi32>
    %shift_left3A_2521 = arith.shli %add3A_2517, %shift_left3A_2520 : vector<32x1792xi32>
    %shift_right_logical3A_2522 = arith.constant 19 : i32
    %shift_right_logical3A_2523 = vector.broadcast %shift_right_logical3A_2522 : i32 to vector<32x1792xi32>
    %shift_right_logical3A_2524 = arith.shrui %add3A_2517, %shift_right_logical3A_2523 : vector<32x1792xi32>
    %or3A_2525 = arith.ori %shift_left3A_2521, %shift_right_logical3A_2524 : vector<32x1792xi32>
    %xor3A_2526 = arith.xori %add3A_2518, %or3A_2525 : vector<32x1792xi32>
    %add3A_2527 = arith.addi %add3A_2518, %xor3A_2526 : vector<32x1792xi32>
    %shift_left3A_2528 = arith.constant 15 : i32
    %shift_left3A_2529 = vector.broadcast %shift_left3A_2528 : i32 to vector<32x1792xi32>
    %shift_left3A_2530 = arith.shli %xor3A_2526, %shift_left3A_2529 : vector<32x1792xi32>
    %shift_right_logical3A_2531 = arith.constant 17 : i32
    %shift_right_logical3A_2532 = vector.broadcast %shift_right_logical3A_2531 : i32 to vector<32x1792xi32>
    %shift_right_logical3A_2533 = arith.shrui %xor3A_2526, %shift_right_logical3A_2532 : vector<32x1792xi32>
    %or3A_2534 = arith.ori %shift_left3A_2530, %shift_right_logical3A_2533 : vector<32x1792xi32>
    %xor3A_2535 = arith.xori %add3A_2527, %or3A_2534 : vector<32x1792xi32>
    %add3A_2536 = arith.addi %add3A_2527, %xor3A_2535 : vector<32x1792xi32>
    %shift_left3A_2537 = arith.constant 26 : i32
    %shift_left3A_2538 = vector.broadcast %shift_left3A_2537 : i32 to vector<32x1792xi32>
    %shift_left3A_2539 = arith.shli %xor3A_2535, %shift_left3A_2538 : vector<32x1792xi32>
    %shift_right_logical3A_2540 = arith.constant 6 : i32
    %shift_right_logical3A_2541 = vector.broadcast %shift_right_logical3A_2540 : i32 to vector<32x1792xi32>
    %shift_right_logical3A_2542 = arith.shrui %xor3A_2535, %shift_right_logical3A_2541 : vector<32x1792xi32>
    %or3A_2543 = arith.ori %shift_left3A_2539, %shift_right_logical3A_2542 : vector<32x1792xi32>
    %xor3A_2544 = arith.xori %add3A_2536, %or3A_2543 : vector<32x1792xi32>
    %add3A_2545 = arith.addi %add3A_2536, %xor3A_2544 : vector<32x1792xi32>
    %shift_left3A_2546 = arith.constant 6 : i32
    %shift_left3A_2547 = vector.broadcast %shift_left3A_2546 : i32 to vector<32x1792xi32>
    %shift_left3A_2548 = arith.shli %xor3A_2544, %shift_left3A_2547 : vector<32x1792xi32>
    %shift_right_logical3A_2549 = arith.constant 26 : i32
    %shift_right_logical3A_2550 = vector.broadcast %shift_right_logical3A_2549 : i32 to vector<32x1792xi32>
    %shift_right_logical3A_2551 = arith.shrui %xor3A_2544, %shift_right_logical3A_2550 : vector<32x1792xi32>
    %or3A_2552 = arith.ori %shift_left3A_2548, %shift_right_logical3A_2551 : vector<32x1792xi32>
    %xor3A_2553 = arith.xori %add3A_2545, %or3A_2552 : vector<32x1792xi32>
    %add3A_2554 = arith.constant -514511544 : i32
    %add3A_2555 = vector.broadcast %add3A_2554 : i32 to vector<32x1792xi32>
    %add3A_2556 = arith.addi %add3A_2545, %add3A_2555 : vector<32x1792xi32>
    %add3A_2557 = arith.constant 928981908 : i32
    %add3A_2558 = vector.broadcast %add3A_2557 : i32 to vector<32x1792xi32>
    %add3A_2559 = arith.addi %xor3A_2553, %add3A_2558 : vector<32x1792xi32>
    %xor3A_2560 = arith.xori %add3A_2556, %add3A_2559 : vector<32x1792xi32>
    %shift_right_logical3A_2561 = arith.constant 9 : i32
    %shift_right_logical3A_2562 = vector.broadcast %shift_right_logical3A_2561 : i32 to vector<32x1792xi32>
    %shift_right_logical3A_2563 = arith.shrui %xor3A_2560, %shift_right_logical3A_2562 : vector<32x1792xi32>
    %or3A_2564 = arith.constant 1065353216 : i32
    %or3A_2565 = vector.broadcast %or3A_2564 : i32 to vector<32x1792xi32>
    %or3A_2566 = arith.ori %shift_right_logical3A_2563, %or3A_2565 : vector<32x1792xi32>
    %bitcast_convert_type3A_2567 = tpu.bitcast %or3A_2566 : vector<32x1792xi32> -> vector<32x1792xf32>
    %sub3A_2568 = arith.constant 1.000000e+00 : f32
    %sub3A_2569 = vector.broadcast %sub3A_2568 : f32 to vector<32x1792xf32>
    %sub3A_2570 = arith.subf %bitcast_convert_type3A_2567, %sub3A_2569 : vector<32x1792xf32>
    %log3A_2571 = math.log %sub3A_2570 : vector<32x1792xf32>
    %neg3A_2572 = arith.constant 0.000000e+00 : f32
    %neg3A_2573 = vector.broadcast %neg3A_2572 : f32 to vector<32x1792xf32>
    %neg3A_2574 = arith.subf %neg3A_2573, %log3A_2571 : vector<32x1792xf32>
    %log3A_2575 = math.log %neg3A_2574 : vector<32x1792xf32>
    %neg3A_2576 = arith.constant 0.000000e+00 : f32
    %neg3A_2577 = vector.broadcast %neg3A_2576 : f32 to vector<32x1792xf32>
    %neg3A_2578 = arith.subf %neg3A_2577, %log3A_2575 : vector<32x1792xf32>
    %add3A_2579 = arith.addf %select_n3A, %neg3A_2578 : vector<32x1792xf32>
    %reduce_max3A_2580 = arith.constant dense<0xFF800000> : vector<32xf32>
    %reduce_max3A_2581 = vector.multi_reduction <maximumf>, %add3A_2579, %reduce_max3A_2580 [1] : vector<32x1792xf32> to vector<32xf32>
    %broadcast_in_dim3A_2582 = vector.shape_cast %reduce_max3A_2581 : vector<32xf32> to vector<32x1xf32>
    %get3A_2583 = arith.constant 0 : index
    %get3A_2584 = arith.constant 0 : index
    %get3A_2585 = vector.load %arg16[%get3A_2583, %get3A_2584] : memref<32x128xf32, #tpu.memory_space<vmem>>, vector<32x128xf32>
    %gt3A_2586 = vector.broadcast %broadcast_in_dim3A_2582 : vector<32x1xf32> to vector<32x128xf32>
    %gt3A_2587 = arith.cmpf ogt, %gt3A_2586, %get3A_2585 : vector<32x128xf32>
    %broadcast_in_dim3A_2588 = vector.shape_cast %broadcast_in_dim3A_2582 : vector<32x1xf32> to vector<32x1xf32>
    %broadcast_in_dim3A_2589 = vector.broadcast %broadcast_in_dim3A_2588 : vector<32x1xf32> to vector<32x128xf32>
    %select_n3A_2590 = arith.select %gt3A_2587, %broadcast_in_dim3A_2589, %get3A_2585 : vector<32x128xi1>, vector<32x128xf32>
    %swap3A_2591 = arith.constant 0 : index
    %swap3A_2592 = arith.constant 0 : index
    %swap3A_2593 = vector.load %arg16[%swap3A_2591, %swap3A_2592] : memref<32x128xf32, #tpu.memory_space<vmem>>, vector<32x128xf32>
    tpu.vector_store %arg16[%swap3A_2591, %swap3A_2592], %select_n3A_2590 {strides = array<i32>} : memref<32x128xf32, #tpu.memory_space<vmem>>, vector<32x128xf32>,
    %get3A_2594 = arith.constant 0 : index
    %get3A_2595 = arith.constant 0 : index
    %get3A_2596 = vector.load %arg26[%get3A_2594, %get3A_2595] : memref<32x128xi32, #tpu.memory_space<vmem>>, vector<32x128xi32>
    %broadcast_in_dim3A_2597 = vector.broadcast %arg0 : i32 to vector<32x128xi32>
    %select_n3A_2598 = arith.select %gt3A_2587, %broadcast_in_dim3A_2597, %get3A_2596 : vector<32x128xi1>, vector<32x128xi32>
    %swap3A_2599 = arith.constant 0 : index
    %swap3A_2600 = arith.constant 0 : index
    %swap3A_2601 = vector.load %arg26[%swap3A_2599, %swap3A_2600] : memref<32x128xi32, #tpu.memory_space<vmem>>, vector<32x128xi32>
    tpu.vector_store %arg26[%swap3A_2599, %swap3A_2600], %select_n3A_2598 {strides = array<i32>} : memref<32x128xi32, #tpu.memory_space<vmem>>, vector<32x128xi32>,
    %eq3A_2602 = arith.constant 558 : i32
    %eq3A_2603 = arith.cmpi eq, %arg0, %eq3A_2602 : i32
    %convert_element_type3A_2604 = arith.extui %eq3A_2603 : i1 to i32
    %cond3A_2605 = arith.constant 0 : i32
    %cond3A_2606 = arith.cmpi ne, %convert_element_type3A_2604, %cond3A_2605 : i32
    scf.if %cond3A_2606 {
      %get3A_2607 = arith.constant 0 : index
      %get3A_2608 = arith.constant 0 : index
      %get3A_2609 = vector.load %arg17[%get3A_2607, %get3A_2608] : memref<32x128xi32, #tpu.memory_space<vmem>>, vector<32x128xi32>
      %swap3A_2610 = arith.constant 0 : index
      %swap3A_2611 = arith.constant 0 : index
      %swap3A_2612 = arith.constant 0 : index
      %swap3A_2613 = vector.load %arg2[%swap3A_2610, %swap3A_2611, %swap3A_2612] : memref<10x32x128xi32, #tpu.memory_space<vmem>>, vector<1x32x128xi32>
      %swap3A_2614 = vector.shape_cast %swap3A_2613 : vector<1x32x128xi32> to vector<32x128xi32>
      %swap3A_2615 = vector.shape_cast %get3A_2609 : vector<32x128xi32> to vector<1x32x128xi32>
      tpu.vector_store %arg2[%swap3A_2610, %swap3A_2611, %swap3A_2612], %swap3A_2615 {strides = array<i32>} : memref<10x32x128xi32, #tpu.memory_space<vmem>>, vector<1x32x128xi32>,
      %get3A_2616 = arith.constant 0 : index
      %get3A_2617 = arith.constant 0 : index
      %get3A_2618 = vector.load %arg7[%get3A_2616, %get3A_2617] : memref<32x128xf32, #tpu.memory_space<vmem>>, vector<32x128xf32>
      %swap3A_2619 = arith.constant 0 : index
      %swap3A_2620 = arith.constant 0 : index
      %swap3A_2621 = arith.constant 0 : index
      %swap3A_2622 = vector.load %arg3[%swap3A_2619, %swap3A_2620, %swap3A_2621] : memref<10x32x128xf32, #tpu.memory_space<vmem>>, vector<1x32x128xf32>
      %swap3A_2623 = vector.shape_cast %swap3A_2622 : vector<1x32x128xf32> to vector<32x128xf32>
      %swap3A_2624 = vector.shape_cast %get3A_2618 : vector<32x128xf32> to vector<1x32x128xf32>
      tpu.vector_store %arg3[%swap3A_2619, %swap3A_2620, %swap3A_2621], %swap3A_2624 {strides = array<i32>} : memref<10x32x128xf32, #tpu.memory_space<vmem>>, vector<1x32x128xf32>,
      %get3A_2625 = arith.constant 0 : index
      %get3A_2626 = arith.constant 0 : index
      %get3A_2627 = vector.load %arg18[%get3A_2625, %get3A_2626] : memref<32x128xi32, #tpu.memory_space<vmem>>, vector<32x128xi32>
      %swap3A_2628 = arith.constant 1 : index
      %swap3A_2629 = arith.constant 0 : index
      %swap3A_2630 = arith.constant 0 : index
      %swap3A_2631 = vector.load %arg2[%swap3A_2628, %swap3A_2629, %swap3A_2630] : memref<10x32x128xi32, #tpu.memory_space<vmem>>, vector<1x32x128xi32>
      %swap3A_2632 = vector.shape_cast %swap3A_2631 : vector<1x32x128xi32> to vector<32x128xi32>
      %swap3A_2633 = vector.shape_cast %get3A_2627 : vector<32x128xi32> to vector<1x32x128xi32>
      tpu.vector_store %arg2[%swap3A_2628, %swap3A_2629, %swap3A_2630], %swap3A_2633 {strides = array<i32>} : memref<10x32x128xi32, #tpu.memory_space<vmem>>, vector<1x32x128xi32>,
      %get3A_2634 = arith.constant 0 : index
      %get3A_2635 = arith.constant 0 : index
      %get3A_2636 = vector.load %arg8[%get3A_2634, %get3A_2635] : memref<32x128xf32, #tpu.memory_space<vmem>>, vector<32x128xf32>
      %swap3A_2637 = arith.constant 1 : index
      %swap3A_2638 = arith.constant 0 : index
      %swap3A_2639 = arith.constant 0 : index
      %swap3A_2640 = vector.load %arg3[%swap3A_2637, %swap3A_2638, %swap3A_2639] : memref<10x32x128xf32, #tpu.memory_space<vmem>>, vector<1x32x128xf32>
      %swap3A_2641 = vector.shape_cast %swap3A_2640 : vector<1x32x128xf32> to vector<32x128xf32>
      %swap3A_2642 = vector.shape_cast %get3A_2636 : vector<32x128xf32> to vector<1x32x128xf32>
      tpu.vector_store %arg3[%swap3A_2637, %swap3A_2638, %swap3A_2639], %swap3A_2642 {strides = array<i32>} : memref<10x32x128xf32, #tpu.memory_space<vmem>>, vector<1x32x128xf32>,
      %get3A_2643 = arith.constant 0 : index
      %get3A_2644 = arith.constant 0 : index
      %get3A_2645 = vector.load %arg19[%get3A_2643, %get3A_2644] : memref<32x128xi32, #tpu.memory_space<vmem>>, vector<32x128xi32>
      %swap3A_2646 = arith.constant 2 : index
      %swap3A_2647 = arith.constant 0 : index
      %swap3A_2648 = arith.constant 0 : index
      %swap3A_2649 = vector.load %arg2[%swap3A_2646, %swap3A_2647, %swap3A_2648] : memref<10x32x128xi32, #tpu.memory_space<vmem>>, vector<1x32x128xi32>
      %swap3A_2650 = vector.shape_cast %swap3A_2649 : vector<1x32x128xi32> to vector<32x128xi32>
      %swap3A_2651 = vector.shape_cast %get3A_2645 : vector<32x128xi32> to vector<1x32x128xi32>
      tpu.vector_store %arg2[%swap3A_2646, %swap3A_2647, %swap3A_2648], %swap3A_2651 {strides = array<i32>} : memref<10x32x128xi32, #tpu.memory_space<vmem>>, vector<1x32x128xi32>,
      %get3A_2652 = arith.constant 0 : index
      %get3A_2653 = arith.constant 0 : index
      %get3A_2654 = vector.load %arg9[%get3A_2652, %get3A_2653] : memref<32x128xf32, #tpu.memory_space<vmem>>, vector<32x128xf32>
      %swap3A_2655 = arith.constant 2 : index
      %swap3A_2656 = arith.constant 0 : index
      %swap3A_2657 = arith.constant 0 : index
      %swap3A_2658 = vector.load %arg3[%swap3A_2655, %swap3A_2656, %swap3A_2657] : memref<10x32x128xf32, #tpu.memory_space<vmem>>, vector<1x32x128xf32>
      %swap3A_2659 = vector.shape_cast %swap3A_2658 : vector<1x32x128xf32> to vector<32x128xf32>
      %swap3A_2660 = vector.shape_cast %get3A_2654 : vector<32x128xf32> to vector<1x32x128xf32>
      tpu.vector_store %arg3[%swap3A_2655, %swap3A_2656, %swap3A_2657], %swap3A_2660 {strides = array<i32>} : memref<10x32x128xf32, #tpu.memory_space<vmem>>, vector<1x32x128xf32>,
      %get3A_2661 = arith.constant 0 : index
      %get3A_2662 = arith.constant 0 : index
      %get3A_2663 = vector.load %arg20[%get3A_2661, %get3A_2662] : memref<32x128xi32, #tpu.memory_space<vmem>>, vector<32x128xi32>
      %swap3A_2664 = arith.constant 3 : index
      %swap3A_2665 = arith.constant 0 : index
      %swap3A_2666 = arith.constant 0 : index
      %swap3A_2667 = vector.load %arg2[%swap3A_2664, %swap3A_2665, %swap3A_2666] : memref<10x32x128xi32, #tpu.memory_space<vmem>>, vector<1x32x128xi32>
      %swap3A_2668 = vector.shape_cast %swap3A_2667 : vector<1x32x128xi32> to vector<32x128xi32>
      %swap3A_2669 = vector.shape_cast %get3A_2663 : vector<32x128xi32> to vector<1x32x128xi32>
      tpu.vector_store %arg2[%swap3A_2664, %swap3A_2665, %swap3A_2666], %swap3A_2669 {strides = array<i32>} : memref<10x32x128xi32, #tpu.memory_space<vmem>>, vector<1x32x128xi32>,
      %get3A_2670 = arith.constant 0 : index
      %get3A_2671 = arith.constant 0 : index
      %get3A_2672 = vector.load %arg10[%get3A_2670, %get3A_2671] : memref<32x128xf32, #tpu.memory_space<vmem>>, vector<32x128xf32>
      %swap3A_2673 = arith.constant 3 : index
      %swap3A_2674 = arith.constant 0 : index
      %swap3A_2675 = arith.constant 0 : index
      %swap3A_2676 = vector.load %arg3[%swap3A_2673, %swap3A_2674, %swap3A_2675] : memref<10x32x128xf32, #tpu.memory_space<vmem>>, vector<1x32x128xf32>
      %swap3A_2677 = vector.shape_cast %swap3A_2676 : vector<1x32x128xf32> to vector<32x128xf32>
      %swap3A_2678 = vector.shape_cast %get3A_2672 : vector<32x128xf32> to vector<1x32x128xf32>
      tpu.vector_store %arg3[%swap3A_2673, %swap3A_2674, %swap3A_2675], %swap3A_2678 {strides = array<i32>} : memref<10x32x128xf32, #tpu.memory_space<vmem>>, vector<1x32x128xf32>,
      %get3A_2679 = arith.constant 0 : index
      %get3A_2680 = arith.constant 0 : index
      %get3A_2681 = vector.load %arg21[%get3A_2679, %get3A_2680] : memref<32x128xi32, #tpu.memory_space<vmem>>, vector<32x128xi32>
      %swap3A_2682 = arith.constant 4 : index
      %swap3A_2683 = arith.constant 0 : index
      %swap3A_2684 = arith.constant 0 : index
      %swap3A_2685 = vector.load %arg2[%swap3A_2682, %swap3A_2683, %swap3A_2684] : memref<10x32x128xi32, #tpu.memory_space<vmem>>, vector<1x32x128xi32>
      %swap3A_2686 = vector.shape_cast %swap3A_2685 : vector<1x32x128xi32> to vector<32x128xi32>
      %swap3A_2687 = vector.shape_cast %get3A_2681 : vector<32x128xi32> to vector<1x32x128xi32>
      tpu.vector_store %arg2[%swap3A_2682, %swap3A_2683, %swap3A_2684], %swap3A_2687 {strides = array<i32>} : memref<10x32x128xi32, #tpu.memory_space<vmem>>, vector<1x32x128xi32>,
      %get3A_2688 = arith.constant 0 : index
      %get3A_2689 = arith.constant 0 : index
      %get3A_2690 = vector.load %arg11[%get3A_2688, %get3A_2689] : memref<32x128xf32, #tpu.memory_space<vmem>>, vector<32x128xf32>
      %swap3A_2691 = arith.constant 4 : index
      %swap3A_2692 = arith.constant 0 : index
      %swap3A_2693 = arith.constant 0 : index
      %swap3A_2694 = vector.load %arg3[%swap3A_2691, %swap3A_2692, %swap3A_2693] : memref<10x32x128xf32, #tpu.memory_space<vmem>>, vector<1x32x128xf32>
      %swap3A_2695 = vector.shape_cast %swap3A_2694 : vector<1x32x128xf32> to vector<32x128xf32>
      %swap3A_2696 = vector.shape_cast %get3A_2690 : vector<32x128xf32> to vector<1x32x128xf32>
      tpu.vector_store %arg3[%swap3A_2691, %swap3A_2692, %swap3A_2693], %swap3A_2696 {strides = array<i32>} : memref<10x32x128xf32, #tpu.memory_space<vmem>>, vector<1x32x128xf32>,
      %get3A_2697 = arith.constant 0 : index
      %get3A_2698 = arith.constant 0 : index
      %get3A_2699 = vector.load %arg22[%get3A_2697, %get3A_2698] : memref<32x128xi32, #tpu.memory_space<vmem>>, vector<32x128xi32>
      %swap3A_2700 = arith.constant 5 : index
      %swap3A_2701 = arith.constant 0 : index
      %swap3A_2702 = arith.constant 0 : index
      %swap3A_2703 = vector.load %arg2[%swap3A_2700, %swap3A_2701, %swap3A_2702] : memref<10x32x128xi32, #tpu.memory_space<vmem>>, vector<1x32x128xi32>
      %swap3A_2704 = vector.shape_cast %swap3A_2703 : vector<1x32x128xi32> to vector<32x128xi32>
      %swap3A_2705 = vector.shape_cast %get3A_2699 : vector<32x128xi32> to vector<1x32x128xi32>
      tpu.vector_store %arg2[%swap3A_2700, %swap3A_2701, %swap3A_2702], %swap3A_2705 {strides = array<i32>} : memref<10x32x128xi32, #tpu.memory_space<vmem>>, vector<1x32x128xi32>,
      %get3A_2706 = arith.constant 0 : index
      %get3A_2707 = arith.constant 0 : index
      %get3A_2708 = vector.load %arg12[%get3A_2706, %get3A_2707] : memref<32x128xf32, #tpu.memory_space<vmem>>, vector<32x128xf32>
      %swap3A_2709 = arith.constant 5 : index
      %swap3A_2710 = arith.constant 0 : index
      %swap3A_2711 = arith.constant 0 : index
      %swap3A_2712 = vector.load %arg3[%swap3A_2709, %swap3A_2710, %swap3A_2711] : memref<10x32x128xf32, #tpu.memory_space<vmem>>, vector<1x32x128xf32>
      %swap3A_2713 = vector.shape_cast %swap3A_2712 : vector<1x32x128xf32> to vector<32x128xf32>
      %swap3A_2714 = vector.shape_cast %get3A_2708 : vector<32x128xf32> to vector<1x32x128xf32>
      tpu.vector_store %arg3[%swap3A_2709, %swap3A_2710, %swap3A_2711], %swap3A_2714 {strides = array<i32>} : memref<10x32x128xf32, #tpu.memory_space<vmem>>, vector<1x32x128xf32>,
      %get3A_2715 = arith.constant 0 : index
      %get3A_2716 = arith.constant 0 : index
      %get3A_2717 = vector.load %arg23[%get3A_2715, %get3A_2716] : memref<32x128xi32, #tpu.memory_space<vmem>>, vector<32x128xi32>
      %swap3A_2718 = arith.constant 6 : index
      %swap3A_2719 = arith.constant 0 : index
      %swap3A_2720 = arith.constant 0 : index
      %swap3A_2721 = vector.load %arg2[%swap3A_2718, %swap3A_2719, %swap3A_2720] : memref<10x32x128xi32, #tpu.memory_space<vmem>>, vector<1x32x128xi32>
      %swap3A_2722 = vector.shape_cast %swap3A_2721 : vector<1x32x128xi32> to vector<32x128xi32>
      %swap3A_2723 = vector.shape_cast %get3A_2717 : vector<32x128xi32> to vector<1x32x128xi32>
      tpu.vector_store %arg2[%swap3A_2718, %swap3A_2719, %swap3A_2720], %swap3A_2723 {strides = array<i32>} : memref<10x32x128xi32, #tpu.memory_space<vmem>>, vector<1x32x128xi32>,
      %get3A_2724 = arith.constant 0 : index
      %get3A_2725 = arith.constant 0 : index
      %get3A_2726 = vector.load %arg13[%get3A_2724, %get3A_2725] : memref<32x128xf32, #tpu.memory_space<vmem>>, vector<32x128xf32>
      %swap3A_2727 = arith.constant 6 : index
      %swap3A_2728 = arith.constant 0 : index
      %swap3A_2729 = arith.constant 0 : index
      %swap3A_2730 = vector.load %arg3[%swap3A_2727, %swap3A_2728, %swap3A_2729] : memref<10x32x128xf32, #tpu.memory_space<vmem>>, vector<1x32x128xf32>
      %swap3A_2731 = vector.shape_cast %swap3A_2730 : vector<1x32x128xf32> to vector<32x128xf32>
      %swap3A_2732 = vector.shape_cast %get3A_2726 : vector<32x128xf32> to vector<1x32x128xf32>
      tpu.vector_store %arg3[%swap3A_2727, %swap3A_2728, %swap3A_2729], %swap3A_2732 {strides = array<i32>} : memref<10x32x128xf32, #tpu.memory_space<vmem>>, vector<1x32x128xf32>,
      %get3A_2733 = arith.constant 0 : index
      %get3A_2734 = arith.constant 0 : index
      %get3A_2735 = vector.load %arg24[%get3A_2733, %get3A_2734] : memref<32x128xi32, #tpu.memory_space<vmem>>, vector<32x128xi32>
      %swap3A_2736 = arith.constant 7 : index
      %swap3A_2737 = arith.constant 0 : index
      %swap3A_2738 = arith.constant 0 : index
      %swap3A_2739 = vector.load %arg2[%swap3A_2736, %swap3A_2737, %swap3A_2738] : memref<10x32x128xi32, #tpu.memory_space<vmem>>, vector<1x32x128xi32>
      %swap3A_2740 = vector.shape_cast %swap3A_2739 : vector<1x32x128xi32> to vector<32x128xi32>
      %swap3A_2741 = vector.shape_cast %get3A_2735 : vector<32x128xi32> to vector<1x32x128xi32>
      tpu.vector_store %arg2[%swap3A_2736, %swap3A_2737, %swap3A_2738], %swap3A_2741 {strides = array<i32>} : memref<10x32x128xi32, #tpu.memory_space<vmem>>, vector<1x32x128xi32>,
      %get3A_2742 = arith.constant 0 : index
      %get3A_2743 = arith.constant 0 : index
      %get3A_2744 = vector.load %arg14[%get3A_2742, %get3A_2743] : memref<32x128xf32, #tpu.memory_space<vmem>>, vector<32x128xf32>
      %swap3A_2745 = arith.constant 7 : index
      %swap3A_2746 = arith.constant 0 : index
      %swap3A_2747 = arith.constant 0 : index
      %swap3A_2748 = vector.load %arg3[%swap3A_2745, %swap3A_2746, %swap3A_2747] : memref<10x32x128xf32, #tpu.memory_space<vmem>>, vector<1x32x128xf32>
      %swap3A_2749 = vector.shape_cast %swap3A_2748 : vector<1x32x128xf32> to vector<32x128xf32>
      %swap3A_2750 = vector.shape_cast %get3A_2744 : vector<32x128xf32> to vector<1x32x128xf32>
      tpu.vector_store %arg3[%swap3A_2745, %swap3A_2746, %swap3A_2747], %swap3A_2750 {strides = array<i32>} : memref<10x32x128xf32, #tpu.memory_space<vmem>>, vector<1x32x128xf32>,
      %get3A_2751 = arith.constant 0 : index
      %get3A_2752 = arith.constant 0 : index
      %get3A_2753 = vector.load %arg25[%get3A_2751, %get3A_2752] : memref<32x128xi32, #tpu.memory_space<vmem>>, vector<32x128xi32>
      %swap3A_2754 = arith.constant 8 : index
      %swap3A_2755 = arith.constant 0 : index
      %swap3A_2756 = arith.constant 0 : index
      %swap3A_2757 = vector.load %arg2[%swap3A_2754, %swap3A_2755, %swap3A_2756] : memref<10x32x128xi32, #tpu.memory_space<vmem>>, vector<1x32x128xi32>
      %swap3A_2758 = vector.shape_cast %swap3A_2757 : vector<1x32x128xi32> to vector<32x128xi32>
      %swap3A_2759 = vector.shape_cast %get3A_2753 : vector<32x128xi32> to vector<1x32x128xi32>
      tpu.vector_store %arg2[%swap3A_2754, %swap3A_2755, %swap3A_2756], %swap3A_2759 {strides = array<i32>} : memref<10x32x128xi32, #tpu.memory_space<vmem>>, vector<1x32x128xi32>,
      %get3A_2760 = arith.constant 0 : index
      %get3A_2761 = arith.constant 0 : index
      %get3A_2762 = vector.load %arg15[%get3A_2760, %get3A_2761] : memref<32x128xf32, #tpu.memory_space<vmem>>, vector<32x128xf32>
      %swap3A_2763 = arith.constant 8 : index
      %swap3A_2764 = arith.constant 0 : index
      %swap3A_2765 = arith.constant 0 : index
      %swap3A_2766 = vector.load %arg3[%swap3A_2763, %swap3A_2764, %swap3A_2765] : memref<10x32x128xf32, #tpu.memory_space<vmem>>, vector<1x32x128xf32>
      %swap3A_2767 = vector.shape_cast %swap3A_2766 : vector<1x32x128xf32> to vector<32x128xf32>
      %swap3A_2768 = vector.shape_cast %get3A_2762 : vector<32x128xf32> to vector<1x32x128xf32>
      tpu.vector_store %arg3[%swap3A_2763, %swap3A_2764, %swap3A_2765], %swap3A_2768 {strides = array<i32>} : memref<10x32x128xf32, #tpu.memory_space<vmem>>, vector<1x32x128xf32>,
      %get3A_2769 = arith.constant 0 : index
      %get3A_2770 = arith.constant 0 : index
      %get3A_2771 = vector.load %arg26[%get3A_2769, %get3A_2770] : memref<32x128xi32, #tpu.memory_space<vmem>>, vector<32x128xi32>
      %swap3A_2772 = arith.constant 9 : index
      %swap3A_2773 = arith.constant 0 : index
      %swap3A_2774 = arith.constant 0 : index
      %swap3A_2775 = vector.load %arg2[%swap3A_2772, %swap3A_2773, %swap3A_2774] : memref<10x32x128xi32, #tpu.memory_space<vmem>>, vector<1x32x128xi32>
      %swap3A_2776 = vector.shape_cast %swap3A_2775 : vector<1x32x128xi32> to vector<32x128xi32>
      %swap3A_2777 = vector.shape_cast %get3A_2771 : vector<32x128xi32> to vector<1x32x128xi32>
      tpu.vector_store %arg2[%swap3A_2772, %swap3A_2773, %swap3A_2774], %swap3A_2777 {strides = array<i32>} : memref<10x32x128xi32, #tpu.memory_space<vmem>>, vector<1x32x128xi32>,
      %get3A_2778 = arith.constant 0 : index
      %get3A_2779 = arith.constant 0 : index
      %get3A_2780 = vector.load %arg16[%get3A_2778, %get3A_2779] : memref<32x128xf32, #tpu.memory_space<vmem>>, vector<32x128xf32>
      %swap3A_2781 = arith.constant 9 : index
      %swap3A_2782 = arith.constant 0 : index
      %swap3A_2783 = arith.constant 0 : index
      %swap3A_2784 = vector.load %arg3[%swap3A_2781, %swap3A_2782, %swap3A_2783] : memref<10x32x128xf32, #tpu.memory_space<vmem>>, vector<1x32x128xf32>
      %swap3A_2785 = vector.shape_cast %swap3A_2784 : vector<1x32x128xf32> to vector<32x128xf32>
      %swap3A_2786 = vector.shape_cast %get3A_2780 : vector<32x128xf32> to vector<1x32x128xf32>
      tpu.vector_store %arg3[%swap3A_2781, %swap3A_2782, %swap3A_2783], %swap3A_2786 {strides = array<i32>} : memref<10x32x128xf32, #tpu.memory_space<vmem>>, vector<1x32x128xf32>,
      %get3A_2787 = arith.constant 0 : index
      %get3A_2788 = arith.constant 0 : index
      %get3A_2789 = vector.load %arg6[%get3A_2787, %get3A_2788] : memref<32x128xf32, #tpu.memory_space<vmem>>, vector<32x128xf32>
      %swap3A_2790 = arith.constant 0 : index
      %swap3A_2791 = arith.constant 0 : index
      %swap3A_2792 = vector.load %arg4[%swap3A_2790, %swap3A_2791] : memref<32x128xf32, #tpu.memory_space<vmem>>, vector<32x128xf32>
      tpu.vector_store %arg4[%swap3A_2790, %swap3A_2791], %get3A_2789 {strides = array<i32>} : memref<32x128xf32, #tpu.memory_space<vmem>>, vector<32x128xf32>,
    } else {
    }
    return
  }
  func.func @transform_0(%arg0: i32) -> (i32, i32) {
    %c0_i32 = arith.constant 0 : i32
    %c0_i32_0 = arith.constant 0 : i32
    return %c0_i32, %arg0 : i32, i32
  }
  func.func @transform_1(%arg0: i32) -> (i32, i32, i32) {
    %c0_i32 = arith.constant 0 : i32
    %c0_i32_0 = arith.constant 0 : i32
    %c0_i32_1 = arith.constant 0 : i32
    %c0_i32_2 = arith.constant 0 : i32
    return %c0_i32, %c0_i32_0, %c0_i32_1 : i32, i32, i32
  }
  func.func @transform_2(%arg0: i32) -> (i32, i32, i32) {
    %c0_i32 = arith.constant 0 : i32
    %c0_i32_0 = arith.constant 0 : i32
    %c0_i32_1 = arith.constant 0 : i32
    %c0_i32_2 = arith.constant 0 : i32
    return %c0_i32, %c0_i32_0, %c0_i32_1 : i32, i32, i32
  }
  func.func @transform_3(%arg0: i32) -> (i32, i32) {
    %c0_i32 = arith.constant 0 : i32
    %c0_i32_0 = arith.constant 0 : i32
    %c0_i32_1 = arith.constant 0 : i32
    return %c0_i32, %c0_i32_0 : i32, i32
  }
}

module attributes {stable_mosaic.version = 14 : i64} {
  func.func @body2(%arg0: i32, %arg1: memref<1x32x1792xf32, #tpu.memory_space<vmem>>, %arg2: memref<1x32x128xi32, #tpu.memory_space<vmem>>, %arg3: memref<1x32x128xf32, #tpu.memory_space<vmem>>, %arg4: memref<32x128xf32, #tpu.memory_space<vmem>>, %arg5: memref<32x3xf32, #tpu.memory_space<vmem>>, %arg6: memref<10x32x128xi32, #tpu.memory_space<vmem>>) attributes {dimension_semantics = [#tpu.dimension_semantics<arbitrary>], iteration_bounds = array<i64: 10>, scalar_prefetch = 0 : i64, scratch_operands = 1 : i64, tpu.core_type = #tpu.core_type<tc>, window_params = [{transform_indices = @transform_0, window_bounds = array<i64: 1, 32, 1792>}, {transform_indices = @transform_1, window_bounds = array<i64: 1, 32, 128>}, {transform_indices = @transform_2, window_bounds = array<i64: 1, 32, 128>}, {pipeline_mode = #tpu.pipeline_mode<synchronous>, transform_indices = @transform_3, window_bounds = array<i64: 32, 128>}, {pipeline_mode = #tpu.pipeline_mode<synchronous>, transform_indices = @transform_4, window_bounds = array<i64: 32, 3>}]} {
    %get3A = arith.constant 0 : index
    %get3A_0 = arith.constant 0 : index
    %get3A_1 = arith.constant 0 : index
    %get3A_2 = vector.load %arg1[%get3A, %get3A_0, %get3A_1] : memref<1x32x1792xf32, #tpu.memory_space<vmem>>, vector<1x32x1792xf32>
    %get3A_3 = vector.shape_cast %get3A_2 : vector<1x32x1792xf32> to vector<32x1792xf32>
    %get3A_4 = arith.constant 0 : index
    %get3A_5 = arith.constant 0 : index
    %get3A_6 = arith.constant 0 : index
    %get3A_7 = vector.load %arg2[%get3A_4, %get3A_5, %get3A_6] : memref<1x32x128xi32, #tpu.memory_space<vmem>>, vector<1x32x128xi32>
    %get3A_8 = vector.shape_cast %get3A_7 : vector<1x32x128xi32> to vector<32x128xi32>
    %slice3A = vector.extract_strided_slice %get3A_8 {offsets = [0, 0], sizes = [32, 1], strides = [1, 1]} : vector<32x128xi32> to vector<32x1xi32>
    %mul3A = arith.constant 1792 : i32
    %mul3A_9 = vector.broadcast %mul3A : i32 to vector<32x1xi32>
    %mul3A_10 = arith.muli %slice3A, %mul3A_9 : vector<32x1xi32>
    %iota3A = tpu.iota {dimensions = array<i32: 1>} : vector<32x1792xi32>
    %add3A = vector.broadcast %mul3A_10 : vector<32x1xi32> to vector<32x1792xi32>
    %add3A_11 = arith.addi %add3A, %iota3A : vector<32x1792xi32>
    %lt3A = arith.constant 1000000 : i32
    %lt3A_12 = vector.broadcast %lt3A : i32 to vector<32x1792xi32>
    %lt3A_13 = arith.cmpi slt, %add3A_11, %lt3A_12 : vector<32x1792xi32>
    %jit3A = arith.constant 0xFF800000 : f32
    %broadcast_in_dim3A = vector.broadcast %jit3A : f32 to vector<32x1792xf32>
    %select_n3A = arith.select %lt3A_13, %get3A_3, %broadcast_in_dim3A : vector<32x1792xi1>, vector<32x1792xf32>
    %iota3A_14 = tpu.iota {dimensions = array<i32: 0>} : vector<32x1792xi32>
    %mul3A_15 = arith.constant 1000000 : i32
    %mul3A_16 = vector.broadcast %mul3A_15 : i32 to vector<32x1792xi32>
    %mul3A_17 = arith.muli %iota3A_14, %mul3A_16 : vector<32x1792xi32>
    %add3A_18 = arith.addi %mul3A_17, %add3A_11 : vector<32x1792xi32>
    %mul3A_19 = arith.constant 32000000 : i32
    %mul3A_20 = arith.muli %arg0, %mul3A_19 : i32
    %add3A_21 = arith.constant -841280227 : i32
    %add3A_22 = arith.addi %mul3A_20, %add3A_21 : i32
    %add3A_23 = vector.broadcast %add3A_22 : i32 to vector<32x1792xi32>
    %add3A_24 = arith.addi %add3A_18, %add3A_23 : vector<32x1792xi32>
    %broadcast_in_dim3A_25 = arith.constant 928981903 : i32
    %broadcast_in_dim3A_26 = vector.broadcast %broadcast_in_dim3A_25 : i32 to vector<32x1792xi32>
    %add3A_27 = arith.addi %broadcast_in_dim3A_26, %add3A_24 : vector<32x1792xi32>
    %shift_left3A = arith.constant 13 : i32
    %shift_left3A_28 = vector.broadcast %shift_left3A : i32 to vector<32x1792xi32>
    %shift_left3A_29 = arith.shli %add3A_24, %shift_left3A_28 : vector<32x1792xi32>
    %shift_right_logical3A = arith.constant 19 : i32
    %shift_right_logical3A_30 = vector.broadcast %shift_right_logical3A : i32 to vector<32x1792xi32>
    %shift_right_logical3A_31 = arith.shrui %add3A_24, %shift_right_logical3A_30 : vector<32x1792xi32>
    %or3A = arith.ori %shift_left3A_29, %shift_right_logical3A_31 : vector<32x1792xi32>
    %xor3A = arith.xori %add3A_27, %or3A : vector<32x1792xi32>
    %add3A_32 = arith.addi %add3A_27, %xor3A : vector<32x1792xi32>
    %shift_left3A_33 = arith.constant 15 : i32
    %shift_left3A_34 = vector.broadcast %shift_left3A_33 : i32 to vector<32x1792xi32>
    %shift_left3A_35 = arith.shli %xor3A, %shift_left3A_34 : vector<32x1792xi32>
    %shift_right_logical3A_36 = arith.constant 17 : i32
    %shift_right_logical3A_37 = vector.broadcast %shift_right_logical3A_36 : i32 to vector<32x1792xi32>
    %shift_right_logical3A_38 = arith.shrui %xor3A, %shift_right_logical3A_37 : vector<32x1792xi32>
    %or3A_39 = arith.ori %shift_left3A_35, %shift_right_logical3A_38 : vector<32x1792xi32>
    %xor3A_40 = arith.xori %add3A_32, %or3A_39 : vector<32x1792xi32>
    %add3A_41 = arith.addi %add3A_32, %xor3A_40 : vector<32x1792xi32>
    %shift_left3A_42 = arith.constant 26 : i32
    %shift_left3A_43 = vector.broadcast %shift_left3A_42 : i32 to vector<32x1792xi32>
    %shift_left3A_44 = arith.shli %xor3A_40, %shift_left3A_43 : vector<32x1792xi32>
    %shift_right_logical3A_45 = arith.constant 6 : i32
    %shift_right_logical3A_46 = vector.broadcast %shift_right_logical3A_45 : i32 to vector<32x1792xi32>
    %shift_right_logical3A_47 = arith.shrui %xor3A_40, %shift_right_logical3A_46 : vector<32x1792xi32>
    %or3A_48 = arith.ori %shift_left3A_44, %shift_right_logical3A_47 : vector<32x1792xi32>
    %xor3A_49 = arith.xori %add3A_41, %or3A_48 : vector<32x1792xi32>
    %add3A_50 = arith.addi %add3A_41, %xor3A_49 : vector<32x1792xi32>
    %shift_left3A_51 = arith.constant 6 : i32
    %shift_left3A_52 = vector.broadcast %shift_left3A_51 : i32 to vector<32x1792xi32>
    %shift_left3A_53 = arith.shli %xor3A_49, %shift_left3A_52 : vector<32x1792xi32>
    %shift_right_logical3A_54 = arith.constant 26 : i32
    %shift_right_logical3A_55 = vector.broadcast %shift_right_logical3A_54 : i32 to vector<32x1792xi32>
    %shift_right_logical3A_56 = arith.shrui %xor3A_49, %shift_right_logical3A_55 : vector<32x1792xi32>
    %or3A_57 = arith.ori %shift_left3A_53, %shift_right_logical3A_56 : vector<32x1792xi32>
    %xor3A_58 = arith.xori %add3A_50, %or3A_57 : vector<32x1792xi32>
    %add3A_59 = arith.constant -841280227 : i32
    %add3A_60 = vector.broadcast %add3A_59 : i32 to vector<32x1792xi32>
    %add3A_61 = arith.addi %add3A_50, %add3A_60 : vector<32x1792xi32>
    %add3A_62 = arith.constant -514511543 : i32
    %add3A_63 = vector.broadcast %add3A_62 : i32 to vector<32x1792xi32>
    %add3A_64 = arith.addi %xor3A_58, %add3A_63 : vector<32x1792xi32>
    %add3A_65 = arith.addi %add3A_61, %add3A_64 : vector<32x1792xi32>
    %shift_left3A_66 = arith.constant 17 : i32
    %shift_left3A_67 = vector.broadcast %shift_left3A_66 : i32 to vector<32x1792xi32>
    %shift_left3A_68 = arith.shli %add3A_64, %shift_left3A_67 : vector<32x1792xi32>
    %shift_right_logical3A_69 = arith.constant 15 : i32
    %shift_right_logical3A_70 = vector.broadcast %shift_right_logical3A_69 : i32 to vector<32x1792xi32>
    %shift_right_logical3A_71 = arith.shrui %add3A_64, %shift_right_logical3A_70 : vector<32x1792xi32>
    %or3A_72 = arith.ori %shift_left3A_68, %shift_right_logical3A_71 : vector<32x1792xi32>
    %xor3A_73 = arith.xori %add3A_65, %or3A_72 : vector<32x1792xi32>
    %add3A_74 = arith.addi %add3A_65, %xor3A_73 : vector<32x1792xi32>
    %shift_left3A_75 = arith.constant 29 : i32
    %shift_left3A_76 = vector.broadcast %shift_left3A_75 : i32 to vector<32x1792xi32>
    %shift_left3A_77 = arith.shli %xor3A_73, %shift_left3A_76 : vector<32x1792xi32>
    %shift_right_logical3A_78 = arith.constant 3 : i32
    %shift_right_logical3A_79 = vector.broadcast %shift_right_logical3A_78 : i32 to vector<32x1792xi32>
    %shift_right_logical3A_80 = arith.shrui %xor3A_73, %shift_right_logical3A_79 : vector<32x1792xi32>
    %or3A_81 = arith.ori %shift_left3A_77, %shift_right_logical3A_80 : vector<32x1792xi32>
    %xor3A_82 = arith.xori %add3A_74, %or3A_81 : vector<32x1792xi32>
    %add3A_83 = arith.addi %add3A_74, %xor3A_82 : vector<32x1792xi32>
    %shift_left3A_84 = arith.constant 16 : i32
    %shift_left3A_85 = vector.broadcast %shift_left3A_84 : i32 to vector<32x1792xi32>
    %shift_left3A_86 = arith.shli %xor3A_82, %shift_left3A_85 : vector<32x1792xi32>
    %shift_right_logical3A_87 = arith.constant 16 : i32
    %shift_right_logical3A_88 = vector.broadcast %shift_right_logical3A_87 : i32 to vector<32x1792xi32>
    %shift_right_logical3A_89 = arith.shrui %xor3A_82, %shift_right_logical3A_88 : vector<32x1792xi32>
    %or3A_90 = arith.ori %shift_left3A_86, %shift_right_logical3A_89 : vector<32x1792xi32>
    %xor3A_91 = arith.xori %add3A_83, %or3A_90 : vector<32x1792xi32>
    %add3A_92 = arith.addi %add3A_83, %xor3A_91 : vector<32x1792xi32>
    %shift_left3A_93 = arith.constant 24 : i32
    %shift_left3A_94 = vector.broadcast %shift_left3A_93 : i32 to vector<32x1792xi32>
    %shift_left3A_95 = arith.shli %xor3A_91, %shift_left3A_94 : vector<32x1792xi32>
    %shift_right_logical3A_96 = arith.constant 8 : i32
    %shift_right_logical3A_97 = vector.broadcast %shift_right_logical3A_96 : i32 to vector<32x1792xi32>
    %shift_right_logical3A_98 = arith.shrui %xor3A_91, %shift_right_logical3A_97 : vector<32x1792xi32>
    %or3A_99 = arith.ori %shift_left3A_95, %shift_right_logical3A_98 : vector<32x1792xi32>
    %xor3A_100 = arith.xori %add3A_92, %or3A_99 : vector<32x1792xi32>
    %add3A_101 = arith.constant -514511544 : i32
    %add3A_102 = vector.broadcast %add3A_101 : i32 to vector<32x1792xi32>
    %add3A_103 = arith.addi %add3A_92, %add3A_102 : vector<32x1792xi32>
    %add3A_104 = arith.constant 928981905 : i32
    %add3A_105 = vector.broadcast %add3A_104 : i32 to vector<32x1792xi32>
    %add3A_106 = arith.addi %xor3A_100, %add3A_105 : vector<32x1792xi32>
    %add3A_107 = arith.addi %add3A_103, %add3A_106 : vector<32x1792xi32>
    %shift_left3A_108 = arith.constant 13 : i32
    %shift_left3A_109 = vector.broadcast %shift_left3A_108 : i32 to vector<32x1792xi32>
    %shift_left3A_110 = arith.shli %add3A_106, %shift_left3A_109 : vector<32x1792xi32>
    %shift_right_logical3A_111 = arith.constant 19 : i32
    %shift_right_logical3A_112 = vector.broadcast %shift_right_logical3A_111 : i32 to vector<32x1792xi32>
    %shift_right_logical3A_113 = arith.shrui %add3A_106, %shift_right_logical3A_112 : vector<32x1792xi32>
    %or3A_114 = arith.ori %shift_left3A_110, %shift_right_logical3A_113 : vector<32x1792xi32>
    %xor3A_115 = arith.xori %add3A_107, %or3A_114 : vector<32x1792xi32>
    %add3A_116 = arith.addi %add3A_107, %xor3A_115 : vector<32x1792xi32>
    %shift_left3A_117 = arith.constant 15 : i32
    %shift_left3A_118 = vector.broadcast %shift_left3A_117 : i32 to vector<32x1792xi32>
    %shift_left3A_119 = arith.shli %xor3A_115, %shift_left3A_118 : vector<32x1792xi32>
    %shift_right_logical3A_120 = arith.constant 17 : i32
    %shift_right_logical3A_121 = vector.broadcast %shift_right_logical3A_120 : i32 to vector<32x1792xi32>
    %shift_right_logical3A_122 = arith.shrui %xor3A_115, %shift_right_logical3A_121 : vector<32x1792xi32>
    %or3A_123 = arith.ori %shift_left3A_119, %shift_right_logical3A_122 : vector<32x1792xi32>
    %xor3A_124 = arith.xori %add3A_116, %or3A_123 : vector<32x1792xi32>
    %add3A_125 = arith.addi %add3A_116, %xor3A_124 : vector<32x1792xi32>
    %shift_left3A_126 = arith.constant 26 : i32
    %shift_left3A_127 = vector.broadcast %shift_left3A_126 : i32 to vector<32x1792xi32>
    %shift_left3A_128 = arith.shli %xor3A_124, %shift_left3A_127 : vector<32x1792xi32>
    %shift_right_logical3A_129 = arith.constant 6 : i32
    %shift_right_logical3A_130 = vector.broadcast %shift_right_logical3A_129 : i32 to vector<32x1792xi32>
    %shift_right_logical3A_131 = arith.shrui %xor3A_124, %shift_right_logical3A_130 : vector<32x1792xi32>
    %or3A_132 = arith.ori %shift_left3A_128, %shift_right_logical3A_131 : vector<32x1792xi32>
    %xor3A_133 = arith.xori %add3A_125, %or3A_132 : vector<32x1792xi32>
    %add3A_134 = arith.addi %add3A_125, %xor3A_133 : vector<32x1792xi32>
    %shift_left3A_135 = arith.constant 6 : i32
    %shift_left3A_136 = vector.broadcast %shift_left3A_135 : i32 to vector<32x1792xi32>
    %shift_left3A_137 = arith.shli %xor3A_133, %shift_left3A_136 : vector<32x1792xi32>
    %shift_right_logical3A_138 = arith.constant 26 : i32
    %shift_right_logical3A_139 = vector.broadcast %shift_right_logical3A_138 : i32 to vector<32x1792xi32>
    %shift_right_logical3A_140 = arith.shrui %xor3A_133, %shift_right_logical3A_139 : vector<32x1792xi32>
    %or3A_141 = arith.ori %shift_left3A_137, %shift_right_logical3A_140 : vector<32x1792xi32>
    %xor3A_142 = arith.xori %add3A_134, %or3A_141 : vector<32x1792xi32>
    %add3A_143 = arith.constant 928981903 : i32
    %add3A_144 = vector.broadcast %add3A_143 : i32 to vector<32x1792xi32>
    %add3A_145 = arith.addi %add3A_134, %add3A_144 : vector<32x1792xi32>
    %add3A_146 = arith.constant -841280224 : i32
    %add3A_147 = vector.broadcast %add3A_146 : i32 to vector<32x1792xi32>
    %add3A_148 = arith.addi %xor3A_142, %add3A_147 : vector<32x1792xi32>
    %add3A_149 = arith.addi %add3A_145, %add3A_148 : vector<32x1792xi32>
    %shift_left3A_150 = arith.constant 17 : i32
    %shift_left3A_151 = vector.broadcast %shift_left3A_150 : i32 to vector<32x1792xi32>
    %shift_left3A_152 = arith.shli %add3A_148, %shift_left3A_151 : vector<32x1792xi32>
    %shift_right_logical3A_153 = arith.constant 15 : i32
    %shift_right_logical3A_154 = vector.broadcast %shift_right_logical3A_153 : i32 to vector<32x1792xi32>
    %shift_right_logical3A_155 = arith.shrui %add3A_148, %shift_right_logical3A_154 : vector<32x1792xi32>
    %or3A_156 = arith.ori %shift_left3A_152, %shift_right_logical3A_155 : vector<32x1792xi32>
    %xor3A_157 = arith.xori %add3A_149, %or3A_156 : vector<32x1792xi32>
    %add3A_158 = arith.addi %add3A_149, %xor3A_157 : vector<32x1792xi32>
    %shift_left3A_159 = arith.constant 29 : i32
    %shift_left3A_160 = vector.broadcast %shift_left3A_159 : i32 to vector<32x1792xi32>
    %shift_left3A_161 = arith.shli %xor3A_157, %shift_left3A_160 : vector<32x1792xi32>
    %shift_right_logical3A_162 = arith.constant 3 : i32
    %shift_right_logical3A_163 = vector.broadcast %shift_right_logical3A_162 : i32 to vector<32x1792xi32>
    %shift_right_logical3A_164 = arith.shrui %xor3A_157, %shift_right_logical3A_163 : vector<32x1792xi32>
    %or3A_165 = arith.ori %shift_left3A_161, %shift_right_logical3A_164 : vector<32x1792xi32>
    %xor3A_166 = arith.xori %add3A_158, %or3A_165 : vector<32x1792xi32>
    %add3A_167 = arith.addi %add3A_158, %xor3A_166 : vector<32x1792xi32>
    %shift_left3A_168 = arith.constant 16 : i32
    %shift_left3A_169 = vector.broadcast %shift_left3A_168 : i32 to vector<32x1792xi32>
    %shift_left3A_170 = arith.shli %xor3A_166, %shift_left3A_169 : vector<32x1792xi32>
    %shift_right_logical3A_171 = arith.constant 16 : i32
    %shift_right_logical3A_172 = vector.broadcast %shift_right_logical3A_171 : i32 to vector<32x1792xi32>
    %shift_right_logical3A_173 = arith.shrui %xor3A_166, %shift_right_logical3A_172 : vector<32x1792xi32>
    %or3A_174 = arith.ori %shift_left3A_170, %shift_right_logical3A_173 : vector<32x1792xi32>
    %xor3A_175 = arith.xori %add3A_167, %or3A_174 : vector<32x1792xi32>
    %add3A_176 = arith.addi %add3A_167, %xor3A_175 : vector<32x1792xi32>
    %shift_left3A_177 = arith.constant 24 : i32
    %shift_left3A_178 = vector.broadcast %shift_left3A_177 : i32 to vector<32x1792xi32>
    %shift_left3A_179 = arith.shli %xor3A_175, %shift_left3A_178 : vector<32x1792xi32>
    %shift_right_logical3A_180 = arith.constant 8 : i32
    %shift_right_logical3A_181 = vector.broadcast %shift_right_logical3A_180 : i32 to vector<32x1792xi32>
    %shift_right_logical3A_182 = arith.shrui %xor3A_175, %shift_right_logical3A_181 : vector<32x1792xi32>
    %or3A_183 = arith.ori %shift_left3A_179, %shift_right_logical3A_182 : vector<32x1792xi32>
    %xor3A_184 = arith.xori %add3A_176, %or3A_183 : vector<32x1792xi32>
    %add3A_185 = arith.constant -841280227 : i32
    %add3A_186 = vector.broadcast %add3A_185 : i32 to vector<32x1792xi32>
    %add3A_187 = arith.addi %add3A_176, %add3A_186 : vector<32x1792xi32>
    %add3A_188 = arith.constant -514511540 : i32
    %add3A_189 = vector.broadcast %add3A_188 : i32 to vector<32x1792xi32>
    %add3A_190 = arith.addi %xor3A_184, %add3A_189 : vector<32x1792xi32>
    %add3A_191 = arith.addi %add3A_187, %add3A_190 : vector<32x1792xi32>
    %shift_left3A_192 = arith.constant 13 : i32
    %shift_left3A_193 = vector.broadcast %shift_left3A_192 : i32 to vector<32x1792xi32>
    %shift_left3A_194 = arith.shli %add3A_190, %shift_left3A_193 : vector<32x1792xi32>
    %shift_right_logical3A_195 = arith.constant 19 : i32
    %shift_right_logical3A_196 = vector.broadcast %shift_right_logical3A_195 : i32 to vector<32x1792xi32>
    %shift_right_logical3A_197 = arith.shrui %add3A_190, %shift_right_logical3A_196 : vector<32x1792xi32>
    %or3A_198 = arith.ori %shift_left3A_194, %shift_right_logical3A_197 : vector<32x1792xi32>
    %xor3A_199 = arith.xori %add3A_191, %or3A_198 : vector<32x1792xi32>
    %add3A_200 = arith.addi %add3A_191, %xor3A_199 : vector<32x1792xi32>
    %shift_left3A_201 = arith.constant 15 : i32
    %shift_left3A_202 = vector.broadcast %shift_left3A_201 : i32 to vector<32x1792xi32>
    %shift_left3A_203 = arith.shli %xor3A_199, %shift_left3A_202 : vector<32x1792xi32>
    %shift_right_logical3A_204 = arith.constant 17 : i32
    %shift_right_logical3A_205 = vector.broadcast %shift_right_logical3A_204 : i32 to vector<32x1792xi32>
    %shift_right_logical3A_206 = arith.shrui %xor3A_199, %shift_right_logical3A_205 : vector<32x1792xi32>
    %or3A_207 = arith.ori %shift_left3A_203, %shift_right_logical3A_206 : vector<32x1792xi32>
    %xor3A_208 = arith.xori %add3A_200, %or3A_207 : vector<32x1792xi32>
    %add3A_209 = arith.addi %add3A_200, %xor3A_208 : vector<32x1792xi32>
    %shift_left3A_210 = arith.constant 26 : i32
    %shift_left3A_211 = vector.broadcast %shift_left3A_210 : i32 to vector<32x1792xi32>
    %shift_left3A_212 = arith.shli %xor3A_208, %shift_left3A_211 : vector<32x1792xi32>
    %shift_right_logical3A_213 = arith.constant 6 : i32
    %shift_right_logical3A_214 = vector.broadcast %shift_right_logical3A_213 : i32 to vector<32x1792xi32>
    %shift_right_logical3A_215 = arith.shrui %xor3A_208, %shift_right_logical3A_214 : vector<32x1792xi32>
    %or3A_216 = arith.ori %shift_left3A_212, %shift_right_logical3A_215 : vector<32x1792xi32>
    %xor3A_217 = arith.xori %add3A_209, %or3A_216 : vector<32x1792xi32>
    %add3A_218 = arith.addi %add3A_209, %xor3A_217 : vector<32x1792xi32>
    %shift_left3A_219 = arith.constant 6 : i32
    %shift_left3A_220 = vector.broadcast %shift_left3A_219 : i32 to vector<32x1792xi32>
    %shift_left3A_221 = arith.shli %xor3A_217, %shift_left3A_220 : vector<32x1792xi32>
    %shift_right_logical3A_222 = arith.constant 26 : i32
    %shift_right_logical3A_223 = vector.broadcast %shift_right_logical3A_222 : i32 to vector<32x1792xi32>
    %shift_right_logical3A_224 = arith.shrui %xor3A_217, %shift_right_logical3A_223 : vector<32x1792xi32>
    %or3A_225 = arith.ori %shift_left3A_221, %shift_right_logical3A_224 : vector<32x1792xi32>
    %xor3A_226 = arith.xori %add3A_218, %or3A_225 : vector<32x1792xi32>
    %add3A_227 = arith.constant -514511544 : i32
    %add3A_228 = vector.broadcast %add3A_227 : i32 to vector<32x1792xi32>
    %add3A_229 = arith.addi %add3A_218, %add3A_228 : vector<32x1792xi32>
    %add3A_230 = arith.constant 928981908 : i32
    %add3A_231 = vector.broadcast %add3A_230 : i32 to vector<32x1792xi32>
    %add3A_232 = arith.addi %xor3A_226, %add3A_231 : vector<32x1792xi32>
    %xor3A_233 = arith.xori %add3A_229, %add3A_232 : vector<32x1792xi32>
    %shift_right_logical3A_234 = arith.constant 9 : i32
    %shift_right_logical3A_235 = vector.broadcast %shift_right_logical3A_234 : i32 to vector<32x1792xi32>
    %shift_right_logical3A_236 = arith.shrui %xor3A_233, %shift_right_logical3A_235 : vector<32x1792xi32>
    %or3A_237 = arith.constant 1065353216 : i32
    %or3A_238 = vector.broadcast %or3A_237 : i32 to vector<32x1792xi32>
    %or3A_239 = arith.ori %shift_right_logical3A_236, %or3A_238 : vector<32x1792xi32>
    %bitcast_convert_type3A = tpu.bitcast %or3A_239 : vector<32x1792xi32> -> vector<32x1792xf32>
    %sub3A = arith.constant 1.000000e+00 : f32
    %sub3A_240 = vector.broadcast %sub3A : f32 to vector<32x1792xf32>
    %sub3A_241 = arith.subf %bitcast_convert_type3A, %sub3A_240 : vector<32x1792xf32>
    %log3A = math.log %sub3A_241 : vector<32x1792xf32>
    %neg3A = arith.constant 0.000000e+00 : f32
    %neg3A_242 = vector.broadcast %neg3A : f32 to vector<32x1792xf32>
    %neg3A_243 = arith.subf %neg3A_242, %log3A : vector<32x1792xf32>
    %log3A_244 = math.log %neg3A_243 : vector<32x1792xf32>
    %neg3A_245 = arith.constant 0.000000e+00 : f32
    %neg3A_246 = vector.broadcast %neg3A_245 : f32 to vector<32x1792xf32>
    %neg3A_247 = arith.subf %neg3A_246, %log3A_244 : vector<32x1792xf32>
    %add3A_248 = arith.addf %select_n3A, %neg3A_247 : vector<32x1792xf32>
    %get3A_249 = arith.constant 0 : index
    %get3A_250 = arith.constant 0 : index
    %get3A_251 = arith.constant 0 : index
    %get3A_252 = vector.load %arg3[%get3A_249, %get3A_250, %get3A_251] : memref<1x32x128xf32, #tpu.memory_space<vmem>>, vector<1x32x128xf32>
    %get3A_253 = vector.shape_cast %get3A_252 : vector<1x32x128xf32> to vector<32x128xf32>
    %slice3A_254 = vector.extract_strided_slice %get3A_253 {offsets = [0, 0], sizes = [32, 1], strides = [1, 1]} : vector<32x128xf32> to vector<32x1xf32>
    %eq3A = vector.broadcast %slice3A_254 : vector<32x1xf32> to vector<32x1792xf32>
    %eq3A_255 = arith.cmpf oeq, %add3A_248, %eq3A : vector<32x1792xf32>
    %jit3A_256 = arith.constant 1000000 : i32
    %broadcast_in_dim3A_257 = vector.broadcast %jit3A_256 : i32 to vector<32x1792xi32>
    %select_n3A_258 = arith.select %eq3A_255, %add3A_11, %broadcast_in_dim3A_257 : vector<32x1792xi1>, vector<32x1792xi32>
    %reduce_min3A = arith.constant dense<2147483647> : vector<32xi32>
    %reduce_min3A_259 = vector.multi_reduction <minsi>, %select_n3A_258, %reduce_min3A [1] : vector<32x1792xi32> to vector<32xi32>
    %broadcast_in_dim3A_260 = vector.shape_cast %reduce_min3A_259 : vector<32xi32> to vector<32x1xi32>
    %broadcast_in_dim3A_261 = vector.shape_cast %broadcast_in_dim3A_260 : vector<32x1xi32> to vector<1x32x1xi32>
    %broadcast_in_dim3A_262 = vector.shape_cast %broadcast_in_dim3A_261 : vector<1x32x1xi32> to vector<1x32x1xi32>
    %broadcast_in_dim3A_263 = vector.broadcast %broadcast_in_dim3A_262 : vector<1x32x1xi32> to vector<1x32x128xi32>
    %swap3A = arith.index_cast %arg0 : i32 to index
    %swap3A_264 = arith.constant 0 : index
    %swap3A_265 = arith.constant 0 : index
    %swap3A_266 = vector.load %arg6[%swap3A, %swap3A_264, %swap3A_265] : memref<10x32x128xi32, #tpu.memory_space<vmem>>, vector<1x32x128xi32>
    tpu.vector_store %arg6[%swap3A, %swap3A_264, %swap3A_265], %broadcast_in_dim3A_263 {strides = array<i32>} : memref<10x32x128xi32, #tpu.memory_space<vmem>>, vector<1x32x128xi32>,
    %eq3A_267 = arith.constant 9 : i32
    %eq3A_268 = arith.cmpi eq, %arg0, %eq3A_267 : i32
    %convert_element_type3A = arith.extui %eq3A_268 : i1 to i32
    %cond3A = arith.constant 0 : i32
    %cond3A_269 = arith.cmpi ne, %convert_element_type3A, %cond3A : i32
    scf.if %cond3A_269 {
      %get3A_270 = arith.constant 0 : index
      %get3A_271 = arith.constant 0 : index
      %get3A_272 = arith.constant 0 : index
      %get3A_273 = vector.load %arg6[%get3A_270, %get3A_271, %get3A_272] : memref<10x32x128xi32, #tpu.memory_space<vmem>>, vector<1x32x128xi32>
      %get3A_274 = vector.shape_cast %get3A_273 : vector<1x32x128xi32> to vector<32x128xi32>
      %get3A_275 = arith.constant 1 : index
      %get3A_276 = arith.constant 0 : index
      %get3A_277 = arith.constant 0 : index
      %get3A_278 = vector.load %arg6[%get3A_275, %get3A_276, %get3A_277] : memref<10x32x128xi32, #tpu.memory_space<vmem>>, vector<1x32x128xi32>
      %get3A_279 = vector.shape_cast %get3A_278 : vector<1x32x128xi32> to vector<32x128xi32>
      %get3A_280 = arith.constant 2 : index
      %get3A_281 = arith.constant 0 : index
      %get3A_282 = arith.constant 0 : index
      %get3A_283 = vector.load %arg6[%get3A_280, %get3A_281, %get3A_282] : memref<10x32x128xi32, #tpu.memory_space<vmem>>, vector<1x32x128xi32>
      %get3A_284 = vector.shape_cast %get3A_283 : vector<1x32x128xi32> to vector<32x128xi32>
      %get3A_285 = arith.constant 3 : index
      %get3A_286 = arith.constant 0 : index
      %get3A_287 = arith.constant 0 : index
      %get3A_288 = vector.load %arg6[%get3A_285, %get3A_286, %get3A_287] : memref<10x32x128xi32, #tpu.memory_space<vmem>>, vector<1x32x128xi32>
      %get3A_289 = vector.shape_cast %get3A_288 : vector<1x32x128xi32> to vector<32x128xi32>
      %get3A_290 = arith.constant 4 : index
      %get3A_291 = arith.constant 0 : index
      %get3A_292 = arith.constant 0 : index
      %get3A_293 = vector.load %arg6[%get3A_290, %get3A_291, %get3A_292] : memref<10x32x128xi32, #tpu.memory_space<vmem>>, vector<1x32x128xi32>
      %get3A_294 = vector.shape_cast %get3A_293 : vector<1x32x128xi32> to vector<32x128xi32>
      %get3A_295 = arith.constant 5 : index
      %get3A_296 = arith.constant 0 : index
      %get3A_297 = arith.constant 0 : index
      %get3A_298 = vector.load %arg6[%get3A_295, %get3A_296, %get3A_297] : memref<10x32x128xi32, #tpu.memory_space<vmem>>, vector<1x32x128xi32>
      %get3A_299 = vector.shape_cast %get3A_298 : vector<1x32x128xi32> to vector<32x128xi32>
      %get3A_300 = arith.constant 6 : index
      %get3A_301 = arith.constant 0 : index
      %get3A_302 = arith.constant 0 : index
      %get3A_303 = vector.load %arg6[%get3A_300, %get3A_301, %get3A_302] : memref<10x32x128xi32, #tpu.memory_space<vmem>>, vector<1x32x128xi32>
      %get3A_304 = vector.shape_cast %get3A_303 : vector<1x32x128xi32> to vector<32x128xi32>
      %get3A_305 = arith.constant 7 : index
      %get3A_306 = arith.constant 0 : index
      %get3A_307 = arith.constant 0 : index
      %get3A_308 = vector.load %arg6[%get3A_305, %get3A_306, %get3A_307] : memref<10x32x128xi32, #tpu.memory_space<vmem>>, vector<1x32x128xi32>
      %get3A_309 = vector.shape_cast %get3A_308 : vector<1x32x128xi32> to vector<32x128xi32>
      %get3A_310 = arith.constant 8 : index
      %get3A_311 = arith.constant 0 : index
      %get3A_312 = arith.constant 0 : index
      %get3A_313 = vector.load %arg6[%get3A_310, %get3A_311, %get3A_312] : memref<10x32x128xi32, #tpu.memory_space<vmem>>, vector<1x32x128xi32>
      %get3A_314 = vector.shape_cast %get3A_313 : vector<1x32x128xi32> to vector<32x128xi32>
      %get3A_315 = arith.constant 9 : index
      %get3A_316 = arith.constant 0 : index
      %get3A_317 = arith.constant 0 : index
      %get3A_318 = vector.load %arg6[%get3A_315, %get3A_316, %get3A_317] : memref<10x32x128xi32, #tpu.memory_space<vmem>>, vector<1x32x128xi32>
      %get3A_319 = vector.shape_cast %get3A_318 : vector<1x32x128xi32> to vector<32x128xi32>
      %broadcast_in_dim3A_320 = arith.constant 0.000000e+00 : f32
      %broadcast_in_dim3A_321 = vector.broadcast %broadcast_in_dim3A_320 : f32 to vector<32x128xf32>
      %eq3A_322 = arith.cmpi eq, %get3A_274, %get3A_274 : vector<32x128xi32>
      %convert_element_type3A_323 = arith.extui %eq3A_322 : vector<32x128xi1> to vector<32x128xi32>
      %convert_element_type3A_324 = arith.sitofp %convert_element_type3A_323 : vector<32x128xi32> to vector<32x128xf32>
      %add3A_325 = arith.addf %broadcast_in_dim3A_321, %convert_element_type3A_324 : vector<32x128xf32>
      %eq3A_326 = arith.cmpi eq, %get3A_279, %get3A_274 : vector<32x128xi32>
      %convert_element_type3A_327 = arith.extui %eq3A_326 : vector<32x128xi1> to vector<32x128xi32>
      %convert_element_type3A_328 = arith.sitofp %convert_element_type3A_327 : vector<32x128xi32> to vector<32x128xf32>
      %add3A_329 = arith.addf %add3A_325, %convert_element_type3A_328 : vector<32x128xf32>
      %eq3A_330 = arith.cmpi eq, %get3A_284, %get3A_274 : vector<32x128xi32>
      %convert_element_type3A_331 = arith.extui %eq3A_330 : vector<32x128xi1> to vector<32x128xi32>
      %convert_element_type3A_332 = arith.sitofp %convert_element_type3A_331 : vector<32x128xi32> to vector<32x128xf32>
      %add3A_333 = arith.addf %add3A_329, %convert_element_type3A_332 : vector<32x128xf32>
      %eq3A_334 = arith.cmpi eq, %get3A_289, %get3A_274 : vector<32x128xi32>
      %convert_element_type3A_335 = arith.extui %eq3A_334 : vector<32x128xi1> to vector<32x128xi32>
      %convert_element_type3A_336 = arith.sitofp %convert_element_type3A_335 : vector<32x128xi32> to vector<32x128xf32>
      %add3A_337 = arith.addf %add3A_333, %convert_element_type3A_336 : vector<32x128xf32>
      %eq3A_338 = arith.cmpi eq, %get3A_294, %get3A_274 : vector<32x128xi32>
      %convert_element_type3A_339 = arith.extui %eq3A_338 : vector<32x128xi1> to vector<32x128xi32>
      %convert_element_type3A_340 = arith.sitofp %convert_element_type3A_339 : vector<32x128xi32> to vector<32x128xf32>
      %add3A_341 = arith.addf %add3A_337, %convert_element_type3A_340 : vector<32x128xf32>
      %eq3A_342 = arith.cmpi eq, %get3A_299, %get3A_274 : vector<32x128xi32>
      %convert_element_type3A_343 = arith.extui %eq3A_342 : vector<32x128xi1> to vector<32x128xi32>
      %convert_element_type3A_344 = arith.sitofp %convert_element_type3A_343 : vector<32x128xi32> to vector<32x128xf32>
      %add3A_345 = arith.addf %add3A_341, %convert_element_type3A_344 : vector<32x128xf32>
      %eq3A_346 = arith.cmpi eq, %get3A_304, %get3A_274 : vector<32x128xi32>
      %convert_element_type3A_347 = arith.extui %eq3A_346 : vector<32x128xi1> to vector<32x128xi32>
      %convert_element_type3A_348 = arith.sitofp %convert_element_type3A_347 : vector<32x128xi32> to vector<32x128xf32>
      %add3A_349 = arith.addf %add3A_345, %convert_element_type3A_348 : vector<32x128xf32>
      %eq3A_350 = arith.cmpi eq, %get3A_309, %get3A_274 : vector<32x128xi32>
      %convert_element_type3A_351 = arith.extui %eq3A_350 : vector<32x128xi1> to vector<32x128xi32>
      %convert_element_type3A_352 = arith.sitofp %convert_element_type3A_351 : vector<32x128xi32> to vector<32x128xf32>
      %add3A_353 = arith.addf %add3A_349, %convert_element_type3A_352 : vector<32x128xf32>
      %eq3A_354 = arith.cmpi eq, %get3A_314, %get3A_274 : vector<32x128xi32>
      %convert_element_type3A_355 = arith.extui %eq3A_354 : vector<32x128xi1> to vector<32x128xi32>
      %convert_element_type3A_356 = arith.sitofp %convert_element_type3A_355 : vector<32x128xi32> to vector<32x128xf32>
      %add3A_357 = arith.addf %add3A_353, %convert_element_type3A_356 : vector<32x128xf32>
      %eq3A_358 = arith.cmpi eq, %get3A_319, %get3A_274 : vector<32x128xi32>
      %convert_element_type3A_359 = arith.extui %eq3A_358 : vector<32x128xi1> to vector<32x128xi32>
      %convert_element_type3A_360 = arith.sitofp %convert_element_type3A_359 : vector<32x128xi32> to vector<32x128xf32>
      %add3A_361 = arith.addf %add3A_357, %convert_element_type3A_360 : vector<32x128xf32>
      %mul3A_362 = arith.constant 1.000000e-01 : f32
      %mul3A_363 = vector.broadcast %mul3A_362 : f32 to vector<32x128xf32>
      %mul3A_364 = arith.mulf %add3A_361, %mul3A_363 : vector<32x128xf32>
      %broadcast_in_dim3A_365 = arith.constant 0.000000e+00 : f32
      %broadcast_in_dim3A_366 = vector.broadcast %broadcast_in_dim3A_365 : f32 to vector<32x128xf32>
      %broadcast_in_dim3A_367 = arith.constant false
      %broadcast_in_dim3A_368 = vector.broadcast %broadcast_in_dim3A_367 : i1 to vector<32x128xi1>
      %jit3A_369 = arith.constant 0.000000e+00 : f32
      %jit3A_370 = arith.constant 1.000000e+00 : f32
      %broadcast_in_dim3A_371 = vector.broadcast %jit3A_369 : f32 to vector<32x128xf32>
      %broadcast_in_dim3A_372 = vector.broadcast %jit3A_370 : f32 to vector<32x128xf32>
      %select_n3A_373 = arith.select %broadcast_in_dim3A_368, %broadcast_in_dim3A_371, %broadcast_in_dim3A_372 : vector<32x128xi1>, vector<32x128xf32>
      %add3A_374 = arith.addf %broadcast_in_dim3A_366, %select_n3A_373 : vector<32x128xf32>
      %broadcast_in_dim3A_375 = arith.constant false
      %broadcast_in_dim3A_376 = vector.broadcast %broadcast_in_dim3A_375 : i1 to vector<32x128xi1>
      %eq3A_377 = arith.cmpi eq, %get3A_279, %get3A_274 : vector<32x128xi32>
      %or3A_378 = arith.ori %broadcast_in_dim3A_376, %eq3A_377 : vector<32x128xi1>
      %jit3A_379 = arith.constant 0.000000e+00 : f32
      %jit3A_380 = arith.constant 1.000000e+00 : f32
      %broadcast_in_dim3A_381 = vector.broadcast %jit3A_379 : f32 to vector<32x128xf32>
      %broadcast_in_dim3A_382 = vector.broadcast %jit3A_380 : f32 to vector<32x128xf32>
      %select_n3A_383 = arith.select %or3A_378, %broadcast_in_dim3A_381, %broadcast_in_dim3A_382 : vector<32x128xi1>, vector<32x128xf32>
      %add3A_384 = arith.addf %add3A_374, %select_n3A_383 : vector<32x128xf32>
      %broadcast_in_dim3A_385 = arith.constant false
      %broadcast_in_dim3A_386 = vector.broadcast %broadcast_in_dim3A_385 : i1 to vector<32x128xi1>
      %eq3A_387 = arith.cmpi eq, %get3A_284, %get3A_274 : vector<32x128xi32>
      %or3A_388 = arith.ori %broadcast_in_dim3A_386, %eq3A_387 : vector<32x128xi1>
      %eq3A_389 = arith.cmpi eq, %get3A_284, %get3A_279 : vector<32x128xi32>
      %or3A_390 = arith.ori %or3A_388, %eq3A_389 : vector<32x128xi1>
      %jit3A_391 = arith.constant 0.000000e+00 : f32
      %jit3A_392 = arith.constant 1.000000e+00 : f32
      %broadcast_in_dim3A_393 = vector.broadcast %jit3A_391 : f32 to vector<32x128xf32>
      %broadcast_in_dim3A_394 = vector.broadcast %jit3A_392 : f32 to vector<32x128xf32>
      %select_n3A_395 = arith.select %or3A_390, %broadcast_in_dim3A_393, %broadcast_in_dim3A_394 : vector<32x128xi1>, vector<32x128xf32>
      %add3A_396 = arith.addf %add3A_384, %select_n3A_395 : vector<32x128xf32>
      %broadcast_in_dim3A_397 = arith.constant false
      %broadcast_in_dim3A_398 = vector.broadcast %broadcast_in_dim3A_397 : i1 to vector<32x128xi1>
      %eq3A_399 = arith.cmpi eq, %get3A_289, %get3A_274 : vector<32x128xi32>
      %or3A_400 = arith.ori %broadcast_in_dim3A_398, %eq3A_399 : vector<32x128xi1>
      %eq3A_401 = arith.cmpi eq, %get3A_289, %get3A_279 : vector<32x128xi32>
      %or3A_402 = arith.ori %or3A_400, %eq3A_401 : vector<32x128xi1>
      %eq3A_403 = arith.cmpi eq, %get3A_289, %get3A_284 : vector<32x128xi32>
      %or3A_404 = arith.ori %or3A_402, %eq3A_403 : vector<32x128xi1>
      %jit3A_405 = arith.constant 0.000000e+00 : f32
      %jit3A_406 = arith.constant 1.000000e+00 : f32
      %broadcast_in_dim3A_407 = vector.broadcast %jit3A_405 : f32 to vector<32x128xf32>
      %broadcast_in_dim3A_408 = vector.broadcast %jit3A_406 : f32 to vector<32x128xf32>
      %select_n3A_409 = arith.select %or3A_404, %broadcast_in_dim3A_407, %broadcast_in_dim3A_408 : vector<32x128xi1>, vector<32x128xf32>
      %add3A_410 = arith.addf %add3A_396, %select_n3A_409 : vector<32x128xf32>
      %broadcast_in_dim3A_411 = arith.constant false
      %broadcast_in_dim3A_412 = vector.broadcast %broadcast_in_dim3A_411 : i1 to vector<32x128xi1>
      %eq3A_413 = arith.cmpi eq, %get3A_294, %get3A_274 : vector<32x128xi32>
      %or3A_414 = arith.ori %broadcast_in_dim3A_412, %eq3A_413 : vector<32x128xi1>
      %eq3A_415 = arith.cmpi eq, %get3A_294, %get3A_279 : vector<32x128xi32>
      %or3A_416 = arith.ori %or3A_414, %eq3A_415 : vector<32x128xi1>
      %eq3A_417 = arith.cmpi eq, %get3A_294, %get3A_284 : vector<32x128xi32>
      %or3A_418 = arith.ori %or3A_416, %eq3A_417 : vector<32x128xi1>
      %eq3A_419 = arith.cmpi eq, %get3A_294, %get3A_289 : vector<32x128xi32>
      %or3A_420 = arith.ori %or3A_418, %eq3A_419 : vector<32x128xi1>
      %jit3A_421 = arith.constant 0.000000e+00 : f32
      %jit3A_422 = arith.constant 1.000000e+00 : f32
      %broadcast_in_dim3A_423 = vector.broadcast %jit3A_421 : f32 to vector<32x128xf32>
      %broadcast_in_dim3A_424 = vector.broadcast %jit3A_422 : f32 to vector<32x128xf32>
      %select_n3A_425 = arith.select %or3A_420, %broadcast_in_dim3A_423, %broadcast_in_dim3A_424 : vector<32x128xi1>, vector<32x128xf32>
      %add3A_426 = arith.addf %add3A_410, %select_n3A_425 : vector<32x128xf32>
      %broadcast_in_dim3A_427 = arith.constant false
      %broadcast_in_dim3A_428 = vector.broadcast %broadcast_in_dim3A_427 : i1 to vector<32x128xi1>
      %eq3A_429 = arith.cmpi eq, %get3A_299, %get3A_274 : vector<32x128xi32>
      %or3A_430 = arith.ori %broadcast_in_dim3A_428, %eq3A_429 : vector<32x128xi1>
      %eq3A_431 = arith.cmpi eq, %get3A_299, %get3A_279 : vector<32x128xi32>
      %or3A_432 = arith.ori %or3A_430, %eq3A_431 : vector<32x128xi1>
      %eq3A_433 = arith.cmpi eq, %get3A_299, %get3A_284 : vector<32x128xi32>
      %or3A_434 = arith.ori %or3A_432, %eq3A_433 : vector<32x128xi1>
      %eq3A_435 = arith.cmpi eq, %get3A_299, %get3A_289 : vector<32x128xi32>
      %or3A_436 = arith.ori %or3A_434, %eq3A_435 : vector<32x128xi1>
      %eq3A_437 = arith.cmpi eq, %get3A_299, %get3A_294 : vector<32x128xi32>
      %or3A_438 = arith.ori %or3A_436, %eq3A_437 : vector<32x128xi1>
      %jit3A_439 = arith.constant 0.000000e+00 : f32
      %jit3A_440 = arith.constant 1.000000e+00 : f32
      %broadcast_in_dim3A_441 = vector.broadcast %jit3A_439 : f32 to vector<32x128xf32>
      %broadcast_in_dim3A_442 = vector.broadcast %jit3A_440 : f32 to vector<32x128xf32>
      %select_n3A_443 = arith.select %or3A_438, %broadcast_in_dim3A_441, %broadcast_in_dim3A_442 : vector<32x128xi1>, vector<32x128xf32>
      %add3A_444 = arith.addf %add3A_426, %select_n3A_443 : vector<32x128xf32>
      %broadcast_in_dim3A_445 = arith.constant false
      %broadcast_in_dim3A_446 = vector.broadcast %broadcast_in_dim3A_445 : i1 to vector<32x128xi1>
      %eq3A_447 = arith.cmpi eq, %get3A_304, %get3A_274 : vector<32x128xi32>
      %or3A_448 = arith.ori %broadcast_in_dim3A_446, %eq3A_447 : vector<32x128xi1>
      %eq3A_449 = arith.cmpi eq, %get3A_304, %get3A_279 : vector<32x128xi32>
      %or3A_450 = arith.ori %or3A_448, %eq3A_449 : vector<32x128xi1>
      %eq3A_451 = arith.cmpi eq, %get3A_304, %get3A_284 : vector<32x128xi32>
      %or3A_452 = arith.ori %or3A_450, %eq3A_451 : vector<32x128xi1>
      %eq3A_453 = arith.cmpi eq, %get3A_304, %get3A_289 : vector<32x128xi32>
      %or3A_454 = arith.ori %or3A_452, %eq3A_453 : vector<32x128xi1>
      %eq3A_455 = arith.cmpi eq, %get3A_304, %get3A_294 : vector<32x128xi32>
      %or3A_456 = arith.ori %or3A_454, %eq3A_455 : vector<32x128xi1>
      %eq3A_457 = arith.cmpi eq, %get3A_304, %get3A_299 : vector<32x128xi32>
      %or3A_458 = arith.ori %or3A_456, %eq3A_457 : vector<32x128xi1>
      %jit3A_459 = arith.constant 0.000000e+00 : f32
      %jit3A_460 = arith.constant 1.000000e+00 : f32
      %broadcast_in_dim3A_461 = vector.broadcast %jit3A_459 : f32 to vector<32x128xf32>
      %broadcast_in_dim3A_462 = vector.broadcast %jit3A_460 : f32 to vector<32x128xf32>
      %select_n3A_463 = arith.select %or3A_458, %broadcast_in_dim3A_461, %broadcast_in_dim3A_462 : vector<32x128xi1>, vector<32x128xf32>
      %add3A_464 = arith.addf %add3A_444, %select_n3A_463 : vector<32x128xf32>
      %broadcast_in_dim3A_465 = arith.constant false
      %broadcast_in_dim3A_466 = vector.broadcast %broadcast_in_dim3A_465 : i1 to vector<32x128xi1>
      %eq3A_467 = arith.cmpi eq, %get3A_309, %get3A_274 : vector<32x128xi32>
      %or3A_468 = arith.ori %broadcast_in_dim3A_466, %eq3A_467 : vector<32x128xi1>
      %eq3A_469 = arith.cmpi eq, %get3A_309, %get3A_279 : vector<32x128xi32>
      %or3A_470 = arith.ori %or3A_468, %eq3A_469 : vector<32x128xi1>
      %eq3A_471 = arith.cmpi eq, %get3A_309, %get3A_284 : vector<32x128xi32>
      %or3A_472 = arith.ori %or3A_470, %eq3A_471 : vector<32x128xi1>
      %eq3A_473 = arith.cmpi eq, %get3A_309, %get3A_289 : vector<32x128xi32>
      %or3A_474 = arith.ori %or3A_472, %eq3A_473 : vector<32x128xi1>
      %eq3A_475 = arith.cmpi eq, %get3A_309, %get3A_294 : vector<32x128xi32>
      %or3A_476 = arith.ori %or3A_474, %eq3A_475 : vector<32x128xi1>
      %eq3A_477 = arith.cmpi eq, %get3A_309, %get3A_299 : vector<32x128xi32>
      %or3A_478 = arith.ori %or3A_476, %eq3A_477 : vector<32x128xi1>
      %eq3A_479 = arith.cmpi eq, %get3A_309, %get3A_304 : vector<32x128xi32>
      %or3A_480 = arith.ori %or3A_478, %eq3A_479 : vector<32x128xi1>
      %jit3A_481 = arith.constant 0.000000e+00 : f32
      %jit3A_482 = arith.constant 1.000000e+00 : f32
      %broadcast_in_dim3A_483 = vector.broadcast %jit3A_481 : f32 to vector<32x128xf32>
      %broadcast_in_dim3A_484 = vector.broadcast %jit3A_482 : f32 to vector<32x128xf32>
      %select_n3A_485 = arith.select %or3A_480, %broadcast_in_dim3A_483, %broadcast_in_dim3A_484 : vector<32x128xi1>, vector<32x128xf32>
      %add3A_486 = arith.addf %add3A_464, %select_n3A_485 : vector<32x128xf32>
      %broadcast_in_dim3A_487 = arith.constant false
      %broadcast_in_dim3A_488 = vector.broadcast %broadcast_in_dim3A_487 : i1 to vector<32x128xi1>
      %eq3A_489 = arith.cmpi eq, %get3A_314, %get3A_274 : vector<32x128xi32>
      %or3A_490 = arith.ori %broadcast_in_dim3A_488, %eq3A_489 : vector<32x128xi1>
      %eq3A_491 = arith.cmpi eq, %get3A_314, %get3A_279 : vector<32x128xi32>
      %or3A_492 = arith.ori %or3A_490, %eq3A_491 : vector<32x128xi1>
      %eq3A_493 = arith.cmpi eq, %get3A_314, %get3A_284 : vector<32x128xi32>
      %or3A_494 = arith.ori %or3A_492, %eq3A_493 : vector<32x128xi1>
      %eq3A_495 = arith.cmpi eq, %get3A_314, %get3A_289 : vector<32x128xi32>
      %or3A_496 = arith.ori %or3A_494, %eq3A_495 : vector<32x128xi1>
      %eq3A_497 = arith.cmpi eq, %get3A_314, %get3A_294 : vector<32x128xi32>
      %or3A_498 = arith.ori %or3A_496, %eq3A_497 : vector<32x128xi1>
      %eq3A_499 = arith.cmpi eq, %get3A_314, %get3A_299 : vector<32x128xi32>
      %or3A_500 = arith.ori %or3A_498, %eq3A_499 : vector<32x128xi1>
      %eq3A_501 = arith.cmpi eq, %get3A_314, %get3A_304 : vector<32x128xi32>
      %or3A_502 = arith.ori %or3A_500, %eq3A_501 : vector<32x128xi1>
      %eq3A_503 = arith.cmpi eq, %get3A_314, %get3A_309 : vector<32x128xi32>
      %or3A_504 = arith.ori %or3A_502, %eq3A_503 : vector<32x128xi1>
      %jit3A_505 = arith.constant 0.000000e+00 : f32
      %jit3A_506 = arith.constant 1.000000e+00 : f32
      %broadcast_in_dim3A_507 = vector.broadcast %jit3A_505 : f32 to vector<32x128xf32>
      %broadcast_in_dim3A_508 = vector.broadcast %jit3A_506 : f32 to vector<32x128xf32>
      %select_n3A_509 = arith.select %or3A_504, %broadcast_in_dim3A_507, %broadcast_in_dim3A_508 : vector<32x128xi1>, vector<32x128xf32>
      %add3A_510 = arith.addf %add3A_486, %select_n3A_509 : vector<32x128xf32>
      %broadcast_in_dim3A_511 = arith.constant false
      %broadcast_in_dim3A_512 = vector.broadcast %broadcast_in_dim3A_511 : i1 to vector<32x128xi1>
      %eq3A_513 = arith.cmpi eq, %get3A_319, %get3A_274 : vector<32x128xi32>
      %or3A_514 = arith.ori %broadcast_in_dim3A_512, %eq3A_513 : vector<32x128xi1>
      %eq3A_515 = arith.cmpi eq, %get3A_319, %get3A_279 : vector<32x128xi32>
      %or3A_516 = arith.ori %or3A_514, %eq3A_515 : vector<32x128xi1>
      %eq3A_517 = arith.cmpi eq, %get3A_319, %get3A_284 : vector<32x128xi32>
      %or3A_518 = arith.ori %or3A_516, %eq3A_517 : vector<32x128xi1>
      %eq3A_519 = arith.cmpi eq, %get3A_319, %get3A_289 : vector<32x128xi32>
      %or3A_520 = arith.ori %or3A_518, %eq3A_519 : vector<32x128xi1>
      %eq3A_521 = arith.cmpi eq, %get3A_319, %get3A_294 : vector<32x128xi32>
      %or3A_522 = arith.ori %or3A_520, %eq3A_521 : vector<32x128xi1>
      %eq3A_523 = arith.cmpi eq, %get3A_319, %get3A_299 : vector<32x128xi32>
      %or3A_524 = arith.ori %or3A_522, %eq3A_523 : vector<32x128xi1>
      %eq3A_525 = arith.cmpi eq, %get3A_319, %get3A_304 : vector<32x128xi32>
      %or3A_526 = arith.ori %or3A_524, %eq3A_525 : vector<32x128xi1>
      %eq3A_527 = arith.cmpi eq, %get3A_319, %get3A_309 : vector<32x128xi32>
      %or3A_528 = arith.ori %or3A_526, %eq3A_527 : vector<32x128xi1>
      %eq3A_529 = arith.cmpi eq, %get3A_319, %get3A_314 : vector<32x128xi32>
      %or3A_530 = arith.ori %or3A_528, %eq3A_529 : vector<32x128xi1>
      %jit3A_531 = arith.constant 0.000000e+00 : f32
      %jit3A_532 = arith.constant 1.000000e+00 : f32
      %broadcast_in_dim3A_533 = vector.broadcast %jit3A_531 : f32 to vector<32x128xf32>
      %broadcast_in_dim3A_534 = vector.broadcast %jit3A_532 : f32 to vector<32x128xf32>
      %select_n3A_535 = arith.select %or3A_530, %broadcast_in_dim3A_533, %broadcast_in_dim3A_534 : vector<32x128xi1>, vector<32x128xf32>
      %add3A_536 = arith.addf %add3A_510, %select_n3A_535 : vector<32x128xf32>
      %mul3A_537 = arith.constant 1.000000e-01 : f32
      %mul3A_538 = vector.broadcast %mul3A_537 : f32 to vector<32x128xf32>
      %mul3A_539 = arith.mulf %add3A_536, %mul3A_538 : vector<32x128xf32>
      %get3A_540 = arith.constant 0 : index
      %get3A_541 = arith.constant 0 : index
      %get3A_542 = vector.load %arg4[%get3A_540, %get3A_541] : memref<32x128xf32, #tpu.memory_space<vmem>>, vector<32x128xf32>
      %div3A = arith.constant 1.000000e+00 : f32
      %div3A_543 = vector.broadcast %div3A : f32 to vector<32x128xf32>
      %div3A_544 = arith.divf %div3A_543, %get3A_542 : vector<32x128xf32>
      %sub3A_545 = arith.subf %mul3A_364, %div3A_544 : vector<32x128xf32>
      %iota3A_546 = tpu.iota {dimensions = array<i32: 1>} : vector<32x3xi32>
      %eq3A_547 = arith.constant 0 : i32
      %eq3A_548 = vector.broadcast %eq3A_547 : i32 to vector<32x3xi32>
      %eq3A_549 = arith.cmpi eq, %iota3A_546, %eq3A_548 : vector<32x3xi32>
      %slice3A_550 = vector.extract_strided_slice %mul3A_364 {offsets = [0, 0], sizes = [32, 1], strides = [1, 1]} : vector<32x128xf32> to vector<32x1xf32>
      %eq3A_551 = arith.constant 1 : i32
      %eq3A_552 = vector.broadcast %eq3A_551 : i32 to vector<32x3xi32>
      %eq3A_553 = arith.cmpi eq, %iota3A_546, %eq3A_552 : vector<32x3xi32>
      %slice3A_554 = vector.extract_strided_slice %mul3A_539 {offsets = [0, 0], sizes = [32, 1], strides = [1, 1]} : vector<32x128xf32> to vector<32x1xf32>
      %slice3A_555 = vector.extract_strided_slice %sub3A_545 {offsets = [0, 0], sizes = [32, 1], strides = [1, 1]} : vector<32x128xf32> to vector<32x1xf32>
      %broadcast_in_dim3A_556 = vector.shape_cast %slice3A_554 : vector<32x1xf32> to vector<32x1xf32>
      %broadcast_in_dim3A_557 = vector.broadcast %broadcast_in_dim3A_556 : vector<32x1xf32> to vector<32x3xf32>
      %broadcast_in_dim3A_558 = vector.shape_cast %slice3A_555 : vector<32x1xf32> to vector<32x1xf32>
      %broadcast_in_dim3A_559 = vector.broadcast %broadcast_in_dim3A_558 : vector<32x1xf32> to vector<32x3xf32>
      %select_n3A_560 = arith.select %eq3A_553, %broadcast_in_dim3A_557, %broadcast_in_dim3A_559 : vector<32x3xi1>, vector<32x3xf32>
      %broadcast_in_dim3A_561 = vector.shape_cast %slice3A_550 : vector<32x1xf32> to vector<32x1xf32>
      %broadcast_in_dim3A_562 = vector.broadcast %broadcast_in_dim3A_561 : vector<32x1xf32> to vector<32x3xf32>
      %select_n3A_563 = arith.select %eq3A_549, %broadcast_in_dim3A_562, %select_n3A_560 : vector<32x3xi1>, vector<32x3xf32>
      %swap3A_564 = arith.constant 0 : index
      %swap3A_565 = arith.constant 0 : index
      %swap3A_566 = vector.load %arg5[%swap3A_564, %swap3A_565] : memref<32x3xf32, #tpu.memory_space<vmem>>, vector<32x3xf32>
      tpu.vector_store %arg5[%swap3A_564, %swap3A_565], %select_n3A_563 {strides = array<i32>} : memref<32x3xf32, #tpu.memory_space<vmem>>, vector<32x3xf32>,
    } else {
    }
    return
  }
  func.func @transform_0(%arg0: i32) -> (i32, i32, i32) {
    %c0_i32 = arith.constant 0 : i32
    %c0_i32_0 = arith.constant 0 : i32
    %c0_i32_1 = arith.constant 0 : i32
    return %arg0, %c0_i32, %c0_i32_0 : i32, i32, i32
  }
  func.func @transform_1(%arg0: i32) -> (i32, i32, i32) {
    %c0_i32 = arith.constant 0 : i32
    %c0_i32_0 = arith.constant 0 : i32
    %c0_i32_1 = arith.constant 0 : i32
    return %arg0, %c0_i32, %c0_i32_0 : i32, i32, i32
  }
  func.func @transform_2(%arg0: i32) -> (i32, i32, i32) {
    %c0_i32 = arith.constant 0 : i32
    %c0_i32_0 = arith.constant 0 : i32
    %c0_i32_1 = arith.constant 0 : i32
    return %arg0, %c0_i32, %c0_i32_0 : i32, i32, i32
  }
  func.func @transform_3(%arg0: i32) -> (i32, i32) {
    %c0_i32 = arith.constant 0 : i32
    %c0_i32_0 = arith.constant 0 : i32
    %c0_i32_1 = arith.constant 0 : i32
    return %c0_i32, %c0_i32_0 : i32, i32
  }
  func.func @transform_4(%arg0: i32) -> (i32, i32) {
    %c0_i32 = arith.constant 0 : i32
    %c0_i32_0 = arith.constant 0 : i32
    %c0_i32_1 = arith.constant 0 : i32
    return %c0_i32, %c0_i32_0 : i32, i32
  }
}

</mosaic_0001>

<sc_bundles>
// kernel: gather_offload_async_start
scs
__scs_entry_jumppad:
0x0: {  	(pc) =	sbr.rel $0x88, $3  }
0x1: {  	(tag) =	ssettag $0x0;
	lr =	simm.s32 $0x1  }
0x2: {  	[smem:$0x3FA0] =	sst lr;
	_ =	strace $0xD0000000  }
0x3: {  	_ = 	snop  }
0x4: {  	_ = 	snop  }
0x5: {  	_ = 	snop  }
0x6: {  	_ = 	snop  }
0x7: {  	_ = 	snop  }
__scs_overlays_trampoline_lowered:
0x8: {  	[smem:$0x3FAF] =	sst s0  }
0x9: {  	[smem:$0x3FB0] =	sst s1  }
0xa: {  	[smem:$0x3FB1] =	sst s2  }
0xb: {  	[smem:$0x3FB2] =	sst s3  }
0xc: {  	[smem:$0x3FB3] =	sst s4  }
0xd: {  	[smem:$0x3FB4] =	sst s5  }
0xe: {  	[smem:$0x3FB5] =	sst s6  }
0xf: {  	[smem:$0x3FB6] =	sst s7  }
0x10: {  	[smem:$0x3FB7] =	sst s8  }
0x11: {  	[smem:$0x3FB8] =	sst s9;
	s0 =	simm.s32 @!p0 $0x0  }
0x12: {  	s1 =	sld [smem:$0x3F9E];
	s0 =	simm.s32 @p0 $0x1  }
0x13: {  	[smem:$0x3FB9] =	sst s0;
	s0 =	simm.s32 @!p1 $0x0  }
0x14: {  	s2 =	sld [smem:$0x3F9D];
	s0 =	simm.s32 @p1 $0x1  }
0x15: {  	[smem:$0x3FBA] =	sst s0;
	s0 =	simm.s32 @!p2 $0x0  }
0x16: {  	s3 =	sld [smem:$0x3FDB];
	s0 =	simm.s32 @p2 $0x1  }
0x17: {  	s4 =	simm.s32 $0x1BF5;
	[smem:$0x3FBC] =	sst s0  }
0x18: {  	s0 =	sld [smem:$0x3F9F];
	_ =	swait.ge [sflag:s4], $0x0  }
0x19: {  	s7 =	sld [smem:$0x3FA0]  }
0x1a: {  	s8 =	sadd.s32 $0xFFFFE003, lr  }
0x1b: {  	s9 =	sadd.s32 $0xFFFFFEF7, lr;
	s5 =	simm.s32 $0xFFFFFFFF;
	p2 =	slt.u32 s8, $0xFFFFF086  }
0x1c: {  	p1 =	slt.u32 s9, $0xF7A;
	s5 =	simm.s32 @!p2 $0x0  }
0x1d: {  	s5 =	simm.s32 @p1 $0x1;
	p0 =	seq.s32 s7, s2  }
0x1e: {  	s7 =	smul.u32 @!p0 $0xF7A, s2;
	p2 =	seq.s32 @!p0 s5, $0x0  }
0x1f: {  	s9 =	smul.u32 $0xF7A, s1;
	s8 =	simm.s32 @!p0 $0x1BF5;
	p2 =	por !p2, p0  }
0x20: {  	[sflag:s8] =	ssyncset.s32 @!p0 $0xFFFFF086;
	s6 =	sadd.s32 @!p0 s3, s7;
	s7 =	simm.s32 @!p0 $0x108  }
0x21: {  	s3 =	sadd.s32 s3, s9;
	s6 =	sadd.s32 @!p0 $0x88, s6;
	s7 =	simm.s32 @p2 $0x1082  }
0x22: {  	[simem:s7], [sflag:s8] =	dma.local @!p0 [hbm:s6], $0xF7A  }
0x23: {  	s9 =	sor.u32 $0xD0000000, s2;
	s6 =	simm.s32 $0x108;
	_ =	swait.ge @!p0 [sflag:s8], $0x0  }
0x24: {  	s3 =	sadd.s32 $0x88, s3;
	s6 =	simm.s32 @!p1 $0x1082;
	[sflag:s4] =	ssyncset.s32 $0xFFFFF086  }
0x25: {  	[simem:s6], [sflag:s4] =	dma.local [hbm:s3], $0xF7A  }
0x26: {  	[smem:$0x3FA0] =	sst s1;
	(tag) =	ssettag s2;
	_ =	strace s9  }
0x27: {  	s1 =	sld [smem:$0x3FB0]  }
0x28: {  	s2 =	sld [smem:$0x3FB1]  }
0x29: {  	s4 =	sld [smem:$0x3FB3]  }
0x2a: {  	p0 =	seq.s32 s5, $0x0;
	s5 =	sld [smem:$0x3FB4]  }
0x2b: {  	s6 =	sld [smem:$0x3FB5]  }
0x2c: {  	s7 =	sld [smem:$0x3FB6]  }
0x2d: {  	s3 =	simm.s32 $0x108;
	s8 =	sld [smem:$0x3FB7]  }
0x2e: {  	s3 =	simm.s32 @!p0 $0x1082;
	s9 =	sld [smem:$0x3FB8]  }
0x2f: {  	lr =	sadd.s32 s0, s3;
	s0 =	sld [smem:$0x3FAF]  }
0x30: {  	s3 =	sld [smem:$0x3FB2]  }
0x31: {  	[smem:$0x3FBB] =	sst s10  }
0x32: {  	s10 =	sld [smem:$0x3FB9];
	_ =	sdelay $0x3  }
0x33: {  	p0 =	seq.s32 s10, $0x1;
	s10 =	sld [smem:$0x3FBB];
	_ =	sdelay $0x3  }
0x34: {  	[smem:$0x3FBB] =	sst s10  }
0x35: {  	s10 =	sld [smem:$0x3FBA];
	_ =	sdelay $0x3  }
0x36: {  	p1 =	seq.s32 s10, $0x1;
	s10 =	sld [smem:$0x3FBB];
	_ =	sdelay $0x3  }
0x37: {  	[smem:$0x3FBB] =	sst s10  }
0x38: {  	s10 =	sld [smem:$0x3FBC]  }
0x39: {  	_ = 	snop;
	(pc) =	sbr.ind lr, $3  }
0x3a: {  	_ = 	snop  }
0x3b: {  	_ = 	snop  }
0x3c: {  	p2 =	seq.s32 s10, $0x1;
	s10 =	sld [smem:$0x3FBB]  }
0x3d: {  	_ =	shalt  }
0x3e: {  	_ =	shalt  }
0x3f: {  	_ =	shalt  }
0x40: {  	_ =	shalt  }
0x41: {  	_ =	shalt  }
0x42: {  	_ =	shalt  }
0x43: {  	_ =	shalt  }
0x44: {  	_ =	shalt  }
0x45: {  	_ =	shalt  }
0x46: {  	_ =	shalt  }
0x47: {  	_ =	shalt  }
0x48: {  	_ =	shalt  }
0x49: {  	_ =	shalt  }
0x4a: {  	_ =	shalt  }
0x4b: {  	_ =	shalt  }
0x4c: {  	_ =	shalt  }
0x4d: {  	_ =	shalt  }
0x4e: {  	_ =	shalt  }
0x4f: {  	_ =	shalt  }
0x50: {  	_ =	shalt  }
0x51: {  	_ =	shalt  }
0x52: {  	_ =	shalt  }
0x53: {  	_ =	shalt  }
0x54: {  	_ =	shalt  }
0x55: {  	_ =	shalt  }
0x56: {  	_ =	shalt  }
0x57: {  	_ =	shalt  }
0x58: {  	_ =	shalt  }
0x59: {  	_ =	shalt  }
0x5a: {  	_ =	shalt  }
0x5b: {  	_ =	shalt  }
0x5c: {  	_ =	shalt  }
0x5d: {  	_ =	shalt  }
0x5e: {  	_ =	shalt  }
0x5f: {  	_ =	shalt  }
0x60: {  	_ =	shalt  }
0x61: {  	_ =	shalt  }
0x62: {  	_ =	shalt  }
0x63: {  	_ =	shalt  }
0x64: {  	_ =	shalt  }
0x65: {  	_ =	shalt  }
0x66: {  	_ =	shalt  }
0x67: {  	_ =	shalt  }
0x68: {  	_ =	shalt  }
0x69: {  	_ =	shalt  }
0x6a: {  	_ =	shalt  }
0x6b: {  	_ =	shalt  }
0x6c: {  	_ =	shalt  }
0x6d: {  	_ =	shalt  }
0x6e: {  	_ =	shalt  }
0x6f: {  	_ =	shalt  }
0x70: {  	_ =	shalt  }
0x71: {  	_ =	shalt  }
0x72: {  	_ =	shalt  }
0x73: {  	_ =	shalt  }
0x74: {  	_ =	shalt  }
0x75: {  	_ =	shalt  }
0x76: {  	_ =	shalt  }
0x77: {  	_ =	shalt  }
0x78: {  	_ =	shalt  }
0x79: {  	_ =	shalt  }
0x7a: {  	_ =	shalt  }
0x7b: {  	_ =	shalt  }
0x7c: {  	_ =	shalt  }
0x7d: {  	_ =	shalt  }
0x7e: {  	_ =	shalt  }
0x7f: {  	_ =	shalt  }
0x80: {  	_ =	shalt  }
0x81: {  	_ =	shalt  }
0x82: {  	_ =	shalt  }
0x83: {  	_ =	shalt  }
0x84: {  	_ =	shalt  }
0x85: {  	_ =	shalt  }
0x86: {  	_ =	shalt  }
0x87: {  	_ =	shalt  }
.Lfunc_end0:
.L_simem_size_0:
called_computation_lowered:
.L_overlay_start_0:
0x88: {  	s2 =	sld [smem:$0x3FD9]  }
0x89: {  	s3 =	sld [smem:$0x3FFE];
	_ =	sdelay $0x1  }
0x8a: {  	s1 =	srdreg.scid  }
0x8b: {  	s0 =	sand.u32 $0x1, s1  }
0x8c: {  	s16 =	sshll.u32 s0, $0xA;
	s2 =	sadd.s32 s3, s2  }
0x8d: {  	s2 =	sadd.s32 s2, s16  }
0x8e: {  	[smem:$0x3FC7] =	sst s2  }
0x8f: {  	_ = 	snop  }
0x90: {  	(tm) =	ssettm $0x1  }
0x91: {  	s17 =	sld [smem:$0x3FFB];
	_ =	sdelay $0x3  }
0x92: {  	_ =	strace s17  }
0x93: {  	s2 =	sld [smem:$0x3FFC];
	_ =	sdelay $0x3  }
0x94: {  	_ =	strace s2  }
0x95: {  	s2 =	sld [smem:$0x3FFD];
	_ =	sdelay $0x3  }
0x96: {  	_ =	strace s2  }
0x97: {  	_ =	strace $0x8FFFFFFF  }
0x98: {  	s18 =	sld [smem:$0x3FDB];
	_ =	sdelay $0x1  }
0x99: {  	s19 =	simm.s32 $_scs_section_size  }
0x9a: {  	s4 =	simm.s32 $_size__tile_overlayer_lowered;
	s5 =	simm.s32 $_tile_overlayer_lowered  }
0x9b: {  	s22 =	simm.s32 $0x1BFF;
	s21 =	sshll.u32 s5, $0x1;
	s2 =	sadd.s32 s19, s18  }
0x9c: {  	s6 =	simm.s32 $0x0;
	s20 =	sshll.u32 s4, $0x1;
	s4 =	sadd.s32 s21, s2  }
0x9d: {  	[timem:s6], [sflag:s22] =	dma.local [hbm:s4], s20  }
0x9e: {  	_ =	swait.ge [sflag:s22], s20  }
0x9f: {  	s3 =	ssub.s32 $0x0, s20;
	[sflag:s22] =	ssyncset.done $0x0  }
0xa0: {  	[sflag:s22] =	ssyncadd.s32 s3;
	_ =	sdelay $0x1  }
0xa1: {  	s23 =	simm.s32 $0x1B8B  }
0xa2: {  	_ =	swait.ge [sflag:s23], $0x1  }
0xa3: {  	[sflag:s23] =	ssyncset.done $0x0  }
0xa4: {  	s25 =	simm.s32 $0x1B8E;
	s24 =	sld [smem:$0x3FFE];
	[sflag:s23] =	ssyncadd.s32 $0xFFFFFFFF  }
0xa5: {  	s26 =	simm.s32 $execute0_lowered;
	[smem:$0x3FD2] =	sst s25  }
0xa6: {  	s4 =	sshll.u32 s26, $0x1;
	_ =	strace $0x80000046;
	[dreg:$0x1] =	wrdreg $0xFFFFFFFF  }
0xa7: {  	s28 =	simm.s32 $_size_execute0_lowered;
	s2 =	sadd.s32 s2, s4;
	[dreg:$0x0] =	wrdreg $0x0  }
0xa8: {  	s4 =	sshll.u32 s28, $0x1;
	[dreg:$0x2] =	wrdreg s2  }
0xa9: {  	[dreg:$0x3] =	wrdreg s4  }
0xaa: {  	[dreg:$0x4] =	wrdreg $0xC0  }
0xab: {  	_ =	task [dreg:s6], $0x5FFFF  }
0xac: {  	[dreg:$0x1] =	wrdreg $0xFFFFFFFF  }
0xad: {  	[dreg:$0x0] =	wrdreg $0x60  }
0xae: {  	[dreg:$0x2] =	wrdreg s24  }
0xaf: {  	[dreg:$0x3] =	wrdreg $0x9  }
0xb0: {  	_ =	task.clear_ibuf [dreg:s6], $0x4FFFF;
	_ =	strace $0x90000046  }
0xb1: {  	s29 =	simm.s32 $0x9;
	_ =	strace $0x80000048  }
0xb2: {  	_ =	swait.ge [sflag:s29], $0x1  }
0xb3: {  	[sflag:s29] =	ssyncadd.s32 $0xFFFFFFFF  }
0xb4: {  	_ =	strace $0x90000048  }
0xb5: {  	_ =	sfence  }
0xb6: {  	s30 =	sld [smem:$0x0];
	_ =	sdelay $0x2  }
0xb7: {  	s31 =	sshll.u32 s1, $0xD;
	s1 =	sshrl.u32 s1, $0x2  }
0xb8: {  	s3 =	sand.u32 $0x4000, s31;
	s1 =	sadd.s32 s1, s30  }
0xb9: {  	s0 =	sor.u32 s3, s0;
	s1 =	sshll.u32 s1, $0x11  }
0xba: {  	s0 =	sor.u32 s1, s0  }
0xbb: {  	s0 =	sadd.s32 $0x8F2B, s0  }
0xbc: {  	[sflag:s0] =	ssyncadd.remote.s32 $0x1  }
0xbd: {  	_ =	sfence.sel $0xFFFF  }
0xbe: {  	[dreg:$0x0] =	wrdreg $0xFFFFFFFF;
	(pc) =	sbr.abs _section_cstart, $3  }
0xbf: {  	[dreg:$0x1] =	wrdreg $0xFFFFFFFF  }
0xc0: {  	_ =	task.clear_ibuf [dreg:s6], $0x2FFFF;
	_ =	strace $0x9FFFFFFF  }
0xc1: {  	(tm) =	ssettm $0x7FFFFFFF  }
tec
execute0_lowered:
.L_overlay_start_1:
0x0: {  	(tag) =	ssettag $0x1  }
0x1: {  	s8 =	rddreg [dreg:$0x0]  }
0x2: {  	s0 =	rddreg [dreg:$0x1];
	_ =	strace $0x80000047;
	s1 =	stileid.u32  }
0x3: {  	s3 =	srdreg.scid;
	s4 =	simm.s32 $0x1;
	s7 =	simm.s32 $0x1  }
0x4: {  	s9 =	simm.s32 $0x1;
	s10 =	simm.s32 $0x3;
	s13 =	simm.s32 $0x0  }
0x5: {  	s12 =	simm.s32 $0x0;
	s5 =	sand.u32 $0x1, s3;
	s6 =	sshll.u32 s1, $0x1  }
0x6: {  	s2 =	sadd.s32 $0x15600, s8;
	s3 =	sadd.s32 $0x3E00, s8;
	s5 =	sor.u32 s6, s5  }
.Ltmp0:
0x7: {  	[sflag:s4] =	ssyncpa.u1 $0x0;
	p0 =	slt.u32 s5, $0x9;
	(pc) =	sbr.rel .LBB2_1-.Ltmp0, $4  }
0x8: {  	s6 =	simm.s32 $0x2;
	s7 =	simm.s32 @!p0 $0x0;
	p0 =	sne.s32 s5, $0x8  }
0x9: {  	[sflag:s6] =	ssyncpa.u1 $0x0;
	s5 =	smul.u32 $0x3800, s5;
	s9 =	simm.s32 @!p0 $0x0  }
0xa: {  	s8 =	sadd.s32 $0x263BA00, s8;
	[sflag:s10] =	ssyncpa.u1 $0x0;
	s7 =	sadd.s32 s9, s7  }
0xb: {  	vm0 =	vmmov $0xffff;
	s10 =	simm.s32 $0x0;
	s11 =	smov.u32 s5;
	s9 =	sadd.s32 $0x1, s7  }
.LBB2_4:
0xc: {  	v6 =	vand.u32 $0x7F, v3;
	v4 =	vsel vm1, $0xFE17B000, v4  }
0xd: {  	v5 =	vmul.u32 $0x7A1400, v5;
	vm1 =	vmmov vm2;
	v56 =	vshll.u32 v3, $0x3  }
0xe: {  	v7 =	vand.u32 $0xF, v1;
	v2 =	vshll.u32 v2, $0x7;
	v57 =	vshrl.u32 v1, $0x4  }
0xf: {  	v58 =	vshrl.u32 v1, $0x9;
	v4 =	vor.u32 v4, v6;
	v3 =	vand.u32 $0xFFFFFC00, v56  }
0x10: {  	v2 =	vand.u32 $0x380, v2;
	v4 =	vadd.s32 v5, v4;
	v5 =	vand.u32 $0x1F, v57  }
0x11: {  	v1 =	vand.u32 $0xFFFFF, v58;
	v59 =	vmul.u32 $0x1E85000, v7;
	v5 =	vsel vm1, $0xFFFFFFFF, v5  }
0x12: {  	v1 =	vsel vm1, $0xFFFFFFFF, v1;
	v3 =	vadd.s32 v3, v4;
	v60 =	vshrl.u32 v5, $0x3  }
0x13: {  	v61 =	vand.u32 $0x7F, v1;
	v6 =	vsel vm1, $0xFE17B000, v59;
	v4 =	vmul.u32 $0x7A1400, v60  }
0x14: {  	v1 =	vshll.u32 v1, $0x3;
	v2 =	vor.u32 v2, v3;
	v62 =	vor.u32 v6, v61  }
0x15: {  	v1 =	vand.u32 $0xFFFFFC00, v1;
	v5 =	vshll.u32 v5, $0x7;
	v3 =	vadd.s32 v4, v62  }
0x16: {  	v63 =	vand.u32 $0x380, v5;
	v1 =	vadd.s32 v1, v3  }
0x17: {  	(ifvalue) =	ssetifvalue $0x7FFFFFFF;
	s15 =	sadd.s32 $0x10, s15;
	v1 =	vor.u32 v63, v1  }
0x18: {  	[tilespmem:s15], [sflag:$0x1] =	stream.indirect_vreg.gather [hbm4b:s2+s10], $0x1, v0, vm0, $0x4038;
	[tilespmem:$0xE000] =	vst v63  }
0x19: {  	(ifvalue) =	ssetifvalue $0x7FFFFFFF;
	s15 =	sadd.s32 $0x10, s15  }
0x1a: {  	[tilespmem:s15], [sflag:$0x1] =	stream.indirect_vreg.gather [hbm4b:s2+s10], $0x1, v2, vm0, $0x4038;
	[tilespmem:$0xE000] =	vst v63  }
0x1b: {  	(ifvalue) =	ssetifvalue $0x7FFFFFFF;
	s15 =	sadd.s32 $0x10, s15  }
0x1c: {  	[tilespmem:s15], [sflag:$0x1] =	stream.indirect_vreg.gather [hbm4b:s2+s10], $0x1, v1, vm0, $0x4038;
	[tilespmem:$0xE000] =	vst v63  }
0x1d: {  	_ =	swait.ge [sflag:s4], $0x3800  }
0x1e: {  	s30 =	sshrl.u32 s13, $0x3;
	[sflag:s4] =	ssyncset.done $0x0  }
0x1f: {  	s31 =	sand.u32 $0x7, s13;
	s15 =	sadd.s32 s8, s30;
	[sflag:s4] =	ssyncadd.s32 $0xFFFFC800  }
0x20: {  	[hbm4b:s15+s31] =	stream.linear.scatter [tilespmem:s14], [sflag:$0x3], $0x3800, $0x38;
	[tilespmem:$0xE000] =	vst v63  }
.LBB2_5:
0x21: {  	s15 =	sadd.s32 $0x70000, s11  }
0x22: {  	p1 =	sgt.s32 s15, $0x8BFFF  }
0x23: {  	s15 =	smov.u32 @p1 s5;
	p1 =	sne.s32 s12, s9  }
.Ltmp1:
0x24: {  	p0 =	slt.u32 s12, $0x2;
	(pc) =	sbr.rel @!p1 .LBB2_6-.Ltmp1, $4  }
0x25: {  	s14 =	simm.s32 @!p0 $0x3  }
0x26: {  	_ =	swait.ge @!p0 [sflag:s14], $0x3800  }
0x27: {  	s16 =	sadd.s32 $0x1, s12;
	s13 =	smov.u32 s11;
	[sflag:s14] =	ssyncset.done @!p0 $0x0  }
0x28: {  	s12 =	smov.u32 s16;
	s11 =	smov.u32 s15;
	[sflag:s14] =	ssyncadd.s32 @!p0 $0xFFFFC800  }
.LBB2_1:
0x29: {  	p0 =	sge.u32 s12, s7  }
0x2a: {  	s14 =	sxor.u32 @!p0 $0x1, s12  }
0x2b: {  	s14 =	smul.u32 @!p0 $0xE000, s14  }
0x2c: {  	s31 =	sadd.s32 $0xFFFFFFFF, s12;
	s15 =	sshrl.u32 @!p0 s11, $0x3  }
0x2d: {  	s16 =	sand.u32 @!p0 $0x7, s11;
	s15 =	sadd.s32 @!p0 s3, s15;
	s14 =	sshra.s32 @!p0 s14, $0x2  }
0x2e: {  	[tilespmem:s14], [sflag:$0x2] =	stream.linear.gather @!p0 [hbm4b:s15+s16], $0x3800, $0x38;
	[tilespmem:$0xE000] =	vst v63  }
0x2f: {  	p0 =	sge.u32 s31, s7  }
.Ltmp2:
0x30: {  	_ = 	snop;
	(pc) =	sbr.rel @p0 .LBB2_5-.Ltmp2, $1  }
0x31: {  	_ =	sdelay $0x3  }
0x32: {  	s14 =	sand.u32 $0x1, s12  }
0x33: {  	_ =	swait.ge [sflag:s6], $0x3800;
	p0 =	seq.s32 s14, $0x1;
	s14 =	simm.s32 $0x3800  }
0x34: {  	[sflag:s6] =	ssyncset.done $0x0;
	s14 =	simm.s32 @!p0 $0x0  }
0x35: {  	[sflag:s6] =	ssyncadd.s32 $0xFFFFC800;
	(ifvalue) =	ssetifvalue $0x7FFFFFFF;
	v0 =	vld.msk [tilespmem:s14+$0x0 ss:$0x1], $0xffff;
	_ =	sdelay $0x1  }
0x36: {  	s15 =	sadd.s32 $0x10, s14  }
0x37: {  	v1 =	vld.msk [tilespmem:s15+$0x0 ss:$0x1], $0xffff;
	s15 =	sadd.s32 $0x10, s15  }
0x38: {  	v6 =	vld.msk [tilespmem:s15+$0x0 ss:$0x1], $0xffff  }
0x39: {  	vm1 =	veq.s32 v0, $0x80000000;
	v2 =	vand.u32 $0xF, v0  }
0x3a: {  	v3 =	vshrl.u32 v0, $0x4;
	v0 =	vshrl.u32 v0, $0x9;
	vm1 =	vmmov vm1  }
0x3b: {  	v3 =	vand.u32 $0x1F, v3;
	v0 =	vand.u32 $0xFFFFF, v0;
	v2 =	vmul.u32 $0x1E85000, v2  }
0x3c: {  	vm2 =	veq.s32 v1, $0x80000000;
	v7 =	vand.u32 $0xF, v1;
	v3 =	vsel vm1, $0xFFFFFFFF, v3  }
0x3d: {  	v0 =	vsel vm1, $0xFFFFFFFF, v0;
	v8 =	vand.u32 $0xF, v6;
	v4 =	vshrl.u32 v3, $0x3  }
0x3e: {  	v5 =	vand.u32 $0x7F, v0;
	v2 =	vsel vm1, $0xFE17B000, v2;
	vm1 =	vmmov vm2  }
0x3f: {  	v0 =	vshll.u32 v0, $0x3;
	v3 =	vshll.u32 v3, $0x7;
	v4 =	vmul.u32 $0x7A1400, v4  }
0x40: {  	v2 =	vor.u32 v2, v5;
	v0 =	vand.u32 $0xFFFFFC00, v0;
	v3 =	vand.u32 $0x380, v3  }
0x41: {  	v2 =	vadd.s32 v4, v2;
	v4 =	vshrl.u32 v1, $0x4;
	v1 =	vshrl.u32 v1, $0x9  }
0x42: {  	v0 =	vadd.s32 v0, v2;
	v2 =	vand.u32 $0x1F, v4;
	v1 =	vand.u32 $0xFFFFF, v1  }
0x43: {  	v0 =	vor.u32 v3, v0;
	v2 =	vsel vm1, $0xFFFFFFFF, v2;
	v3 =	vmul.u32 $0x1E85000, v7  }
0x44: {  	vm2 =	veq.s32 v6, $0x80000000;
	v4 =	vsel vm1, $0xFFFFFFFF, v1;
	v1 =	vshrl.u32 v2, $0x3  }
0x45: {  	s15 =	sadd.s32 $0x10, s15;
	v5 =	vand.u32 $0x7F, v4;
	v3 =	vsel vm1, $0xFE17B000, v3;
	v7 =	vmul.u32 $0x7A1400, v1  }
0x46: {  	v4 =	vshll.u32 v4, $0x3;
	v2 =	vshll.u32 v2, $0x7;
	v1 =	vld.msk [tilespmem:s15+$0x0 ss:$0x1], $0xffff;
	v3 =	vor.u32 v3, v5  }
0x47: {  	vm1 =	vmmov vm2;
	v4 =	vand.u32 $0xFFFFFC00, v4;
	v3 =	vadd.s32 v7, v3  }
0x48: {  	s14 =	sadd.s32 $0x7000, s14;
	(ifvalue) =	ssetifvalue $0x7FFFFFFF;
	v2 =	vand.u32 $0x380, v2;
	v5 =	vshrl.u32 v6, $0x4;
	v3 =	vadd.s32 v4, v3  }
0x49: {  	[tilespmem:s14], [sflag:$0x1] =	stream.indirect_vreg.gather [hbm4b:s2+s10], $0x1, v0, vm0, $0x4038;
	v4 =	vand.u32 $0x1F, v5;
	v5 =	vshrl.u32 v6, $0x9;
	v0 =	vor.u32 v2, v3;
	[tilespmem:$0xE000] =	vst v63  }
0x4a: {  	v2 =	vsel vm1, $0xFFFFFFFF, v4;
	v3 =	vand.u32 $0xFFFFF, v5;
	v4 =	vmul.u32 $0x1E85000, v8  }
0x4b: {  	s16 =	simm.s32 $0x30;
	s17 =	sadd.s32 $0x10, s15;
	s15 =	smov.u32 s14;
	vm2 =	veq.s32 v1, $0x80000000;
	v3 =	vsel vm1, $0xFFFFFFFF, v3;
	v5 =	vshrl.u32 v2, $0x3  }
.LBB2_3:
0x4c: {  	v7 =	vand.u32 $0x7F, v3  }
0x4d: {  	v6 =	vld.msk [tilespmem:s17+$0x0 ss:$0x1], $0xffff;
	v4 =	vsel vm1, $0xFE17B000, v4;
	v5 =	vmul.u32 $0x7A1400, v5;
	vm1 =	vmmov vm2;
	s16 =	sadd.s32 $0x10, s16  }
0x4e: {  	v8 =	vand.u32 $0xF, v1;
	v3 =	vshll.u32 v3, $0x3;
	s15 =	sadd.s32 $0x10, s15;
	v4 =	vor.u32 v4, v7;
	(ifvalue) =	ssetifvalue $0x7FFFFFFF;
	p0 =	slt.u32 s16, $0x37F0  }
0x4f: {  	[tilespmem:s15], [sflag:$0x1] =	stream.indirect_vreg.gather [hbm4b:s2+s10], $0x1, v0, vm0, $0x4038;
	[tilespmem:$0xE000] =	vst v63  }
.Ltmp3:
0x50: {  	v2 =	vshll.u32 v2, $0x7;
	v3 =	vand.u32 $0xFFFFFC00, v3;
	v4 =	vadd.s32 v5, v4;
	(pc) =	sbr.rel @p0 .LBB2_3-.Ltmp3, $4  }
0x51: {  	v2 =	vand.u32 $0x380, v2;
	v0 =	vshrl.u32 v1, $0x4;
	v3 =	vadd.s32 v3, v4  }
0x52: {  	v9 =	vshrl.u32 v1, $0x9;
	v4 =	vand.u32 $0x1F, v0;
	v0 =	vor.u32 v2, v3  }
0x53: {  	v7 =	vand.u32 $0xFFFFF, v9;
	v2 =	vsel vm1, $0xFFFFFFFF, v4;
	v4 =	vmul.u32 $0x1E85000, v8  }
0x54: {  	s17 =	sadd.s32 $0x10, s17;
	v3 =	vsel vm1, $0xFFFFFFFF, v7;
	vm2 =	veq.s32 v6, $0x80000000;
	v5 =	vshrl.u32 v2, $0x3;
	v1 =	vmovc v6  }
.Ltmp4:
0x55: {  	_ = 	snop;
	(pc) =	sbr.rel .LBB2_4-.Ltmp4, $1  }
0x56: {  	_ =	sdelay $0x3  }
.LBB2_6:
0x57: {  	_ =	sfence.sel $0x180000  }
0x58: {  	s2 =	simm.s32 $0x2;
	[bflag:$0x0] =	sbarrier.arrive $0xFFFF  }
0x59: {  	s30 =	simm.s32 $0x3;
	[sflag:s2] =	ssyncpa.u1 $0x1  }
0x5a: {  	s31 =	simm.s32 $0x1;
	[sflag:s30] =	ssyncpa.u1 $0x1  }
0x5b: {  	[sflag:s31] =	ssyncpa.u1 $0x1  }
0x5c: {  	p0 =	sne.s32 s1, $0x0;
	_ =	strace $0x90000047  }
0x5d: {  	s0 =	sadd.s32 @!p0 $0x100000, s0;
	[bflag:$0x2] =	sbarrier.arrive $0xFFFF  }
0x5e: {  	[sflag:s0] =	ssyncadd.tile.s32 @!p0 $0x1;
	_ =	shalt  }
.Lfunc_end2:
_tile_overlayer_lowered:
.L_overlay_start_2:
0x5f: {  	(tag) =	ssettag $0x2  }
0x60: {  	s0 =	rddreg [dreg:$0x0];
	s2 =	stileid.u32  }
0x61: {  	s1 =	rddreg [dreg:$0x1];
	p0 =	sne.s32 s2, $0x0  }
0x62: {  	s3 =	rddreg [dreg:$0x2];
	[bflag:$0x3] =	sbarrier.arrive $0xFFFF;
	s2 =	simm.s32 @!p0 $0x1C01  }
0x63: {  	[timem:s3], [sflag:s2] =	dma.local @!p0 [hbm:s0], s1  }
0x64: {  	s0 =	simm.s32 @!p0 $0x1  }
0x65: {  	_ =	swait.ge @!p0 [sflag:s0], s1  }
0x66: {  	s1 =	ssub.s32 @!p0 $0x0, s1;
	[sflag:s0] =	ssyncset.done @!p0 $0x0  }
0x67: {  	[sflag:s0] =	ssyncadd.s32 @!p0 s1  }
0x68: {  	[bflag:$0x3] =	sbarrier.arrive $0xFFFF  }
0x69: {  	_ =	shalt  }

</sc_bundles>
